<compile_context>
chip_gen: v7x
topology: tpu7x:2x2x1
jax: 0.10.2.dev20260603
libtpu: 0.0.44.dev20260713+nightly
codegen_flags: <defaults>
</compile_context>

<pallas_src>
import functools
import math

import jax
import jax.numpy as jnp
from jax import lax
from jax.experimental import pallas as pl
from jax.experimental.pallas import tpu as pltpu
from jax.experimental.pallas import tpu_sc as plsc

_S = 64.0
_M2 = 0.5
_COS_M = math.cos(_M2)
_SIN_M = math.sin(_M2)
_THETA = math.cos(math.pi - _M2)
_SINMM = math.sin(math.pi - _M2) * _M2

_B = 1024
_V = 100000

_NC = 2
_NS = 16
_L = 16
_NW = _NC * _NS
_RPW = _B // _NW

_BR = 16


def _sc_gather_body(logits_hbm, labels_hbm, out_hbm,
                    lab_v, chunk_v, t_v, sem):
    wid = lax.axis_index("s") * _NC + lax.axis_index("c")
    base = wid * _RPW
    pltpu.sync_copy(labels_hbm.at[pl.ds(base, _RPW)], lab_v)
    copies = []
    for j in range(_RPW // _L):
        labv = jnp.maximum(lab_v[pl.ds(j * _L, _L)], 0)
        for i in range(_L):
            lab = labv[i]
            c0 = pl.multiple_of((lab // _L) * _L, _L)
            r = j * _L + i
            copies.append(
                pltpu.async_copy(logits_hbm.at[base + r, pl.ds(c0, _L)],
                                 chunk_v.at[pl.ds(r * _L, _L)], sem))
    for c in copies:
        c.wait()
    lanes16 = lax.iota(jnp.int32, _L)
    for j in range(_RPW // _L):
        lanev = jnp.maximum(lab_v[pl.ds(j * _L, _L)], 0) % _L
        tacc = jnp.zeros((_L,), jnp.float32)
        for i in range(_L):
            r = j * _L + i
            chunk = chunk_v[pl.ds(r * _L, _L)]
            vals = lax.gather(
                chunk, lanev[:, None],
                lax.GatherDimensionNumbers(offset_dims=(),
                                           collapsed_slice_dims=(0,),
                                           start_index_map=(0,)),
                slice_sizes=(1,),
                mode=lax.GatherScatterMode.PROMISE_IN_BOUNDS)
            tacc = tacc + jnp.where(lanes16 == i, vals, 0.0)
        t_v[pl.ds(j * _L, _L)] = tacc
    pltpu.sync_copy(t_v, out_hbm.at[pl.ds(base, _RPW)])


@functools.cache
def _sc_gather():
    return functools.partial(
        pl.kernel,
        mesh=plsc.VectorSubcoreMesh(core_axis_name="c", subcore_axis_name="s"),
        out_type=jax.ShapeDtypeStruct((_B,), jnp.float32),
        scratch_types=[
            pltpu.VMEM((_RPW,), jnp.int32),
            pltpu.VMEM((_RPW * _L,), jnp.float32),
            pltpu.VMEM((_RPW,), jnp.float32),
            pltpu.SemaphoreType.DMA,
        ],
    )(_sc_gather_body)


def _merge_body(lab_ref, t_ref, x_ref, o_ref):
    x = x_ref[...]
    lab = lab_ref[...]
    t = t_ref[...]
    sin_t = jnp.sqrt(1.0 - t * t)
    cos_theta_m = t * _COS_M - sin_t * _SIN_M
    f = jnp.where(t > _THETA, cos_theta_m, t - _SINMM)
    upd = jnp.where(lab >= 0, f, t)
    cols = lax.broadcasted_iota(jnp.int32, x.shape, 1)
    o_ref[...] = _S * jnp.where(cols == lab, upd, x)


def kernel(logits, labels):
    b, v = logits.shape
    t = _sc_gather()(logits, labels)
    return pl.pallas_call(
        _merge_body,
        grid=(b // _BR,),
        in_specs=[
            pl.BlockSpec((_BR, 1), lambda i: (i, 0)),
            pl.BlockSpec((_BR, 1), lambda i: (i, 0)),
            pl.BlockSpec((_BR, v), lambda i: (i, 0)),
        ],
        out_specs=pl.BlockSpec((_BR, v), lambda i: (i, 0)),
        out_shape=jax.ShapeDtypeStruct((b, v), jnp.float32),
    )(labels.reshape(b, 1), t.reshape(b, 1), logits)

# --- scband reference (transcript-rebuilt; emitter-appended) ---
"""Pipeline reference for scband-combined-margin-loss-2843268350012 (READ-ONLY COPY).

The authoritative reference and input builder live on the scoring server;
editing this copy changes nothing except your own understanding.
"""

import jax, jax.numpy as jnp
import numpy as np
import math

B = 1024
V = 100000
S = 64.0
M1 = 1.0
M2 = 0.5
M3 = 0.0
COS_M = math.cos(M2)
SIN_M = math.sin(M2)
THETA = math.cos(math.pi - M2)
SINMM = math.sin(math.pi - M2) * M2


def setup_inputs(seed: int = 0) -> dict:
    key = jax.random.key(seed)
    k1, k2 = jax.random.split(key)
    # logits are cosine similarities, keep them in (-0.99, 0.99) so sqrt(1-t^2) is well-behaved
    logits = jax.random.uniform(k1, (B, V), dtype=jnp.float32, minval=-0.99, maxval=0.99)
    labels = jax.random.randint(k2, (B,), 0, V, dtype=jnp.int32)
    return {"logits": logits, "labels": labels}


def reference(logits, labels):
    # index_positive = rows where labels != -1 (all rows here, but keep the mask for faithfulness)
    pos_mask = labels != -1
    safe_labels = jnp.maximum(labels, 0)
    rows = jnp.arange(logits.shape[0])
    # gather target logit per row
    target_logit = logits[rows, safe_labels]
    # m1 == 1.0 and m2 > 0.0 branch (ArcFace)
    sin_theta = jnp.sqrt(1.0 - jnp.power(target_logit, 2))
    cos_theta_m = target_logit * COS_M - sin_theta * SIN_M
    final_target_logit = jnp.where(target_logit > THETA, cos_theta_m, target_logit - SINMM)
    # only rows with label != -1 get the margin applied
    update = jnp.where(pos_mask, final_target_logit, target_logit)
    out = logits.at[rows, safe_labels].set(update)
    out = out * S
    return out

if __name__ == "__main__":
    import jax
    _d = setup_inputs()
    print(jax.jit(kernel)(*tuple(_d.values())))

</pallas_src>

<mosaic_0001>
#map = affine_map<(d0, d1) -> (0, 0)>
#map1 = affine_map<(d0, d1) -> (0)>
module attributes {stable_mosaic.version = 14 : i64} {
  func.func @_sc_gather_body(%arg0: i32, %arg1: i32, %arg2: memref<1024x100000xf32, #tpu.memory_space<hbm>>, %arg3: memref<1024xi32, #tpu.memory_space<hbm>>, %arg4: memref<1024xf32, #tpu.memory_space<hbm>>, %arg5: memref<32xi32, #tpu.memory_space<vmem>>, %arg6: memref<512xf32, #tpu.memory_space<vmem>>, %arg7: memref<32xf32, #tpu.memory_space<vmem>>, %arg8: memref<!tpu.dma_semaphore, #tpu.memory_space<semaphore_mem>>) attributes {dimension_semantics = [#tpu.dimension_semantics<core_parallel>, #tpu.dimension_semantics<subcore_parallel>], iteration_bounds = array<i64: 2, 16>, scalar_prefetch = 0 : i64, scratch_operands = 4 : i64, tpu.core_type = #tpu.core_type<sc_vector_subcore>, window_params = [{transform_indices = #map}, {transform_indices = #map1}, {transform_indices = #map1}]} {
    %mul3A = arith.constant 2 : i32
    %mul3A_0 = arith.muli %arg1, %mul3A : i32
    %add3A = arith.addi %mul3A_0, %arg0 : i32
    %mul3A_1 = arith.constant 32 : i32
    %mul3A_2 = arith.muli %add3A, %mul3A_1 : i32
    "tpu.region"() ({
      %run_scoped3A = tpu.sem_alloc : memref<!tpu.dma_semaphore, #tpu.memory_space<semaphore_mem>>
      %dma_start3A_1983 = tpu.memref_slice %arg3[%mul3A_2] : memref<1024xi32, #tpu.memory_space<hbm>> -> memref<32xi32, #tpu.memory_space<hbm>>
      %dma_start3A_1984 = tpu.memref_slice %arg3[%mul3A_2] : memref<1024xi32, #tpu.memory_space<hbm>> -> memref<32xi32, #tpu.memory_space<hbm>>
      tpu.enqueue_dma source(%dma_start3A_1984 : memref<32xi32, #tpu.memory_space<hbm>>) target(%arg5 : memref<32xi32, #tpu.memory_space<vmem>>) target_semaphore(%run_scoped3A : memref<!tpu.dma_semaphore, #tpu.memory_space<semaphore_mem>>)
      %dma_wait3A_1985 = tpu.memref_slice %arg3[%mul3A_2] : memref<1024xi32, #tpu.memory_space<hbm>> -> memref<32xi32, #tpu.memory_space<hbm>>
      %dma_wait3A_1986 = tpu.memref_slice %arg3[%mul3A_2] : memref<1024xi32, #tpu.memory_space<hbm>> -> memref<32xi32, #tpu.memory_space<hbm>>
      tpu.wait_dma2 semaphore(%run_scoped3A : memref<!tpu.dma_semaphore, #tpu.memory_space<semaphore_mem>>) src(%dma_wait3A_1986 : memref<32xi32, #tpu.memory_space<hbm>>) dst(%arg5 : memref<32xi32, #tpu.memory_space<vmem>>)
      tpu.yield
    }) : () -> ()
    %get3A = arith.constant 0 : index
    %get3A_3 = tpu.vector_load %arg5[%get3A] {strides = array<i32>} : memref<32xi32, #tpu.memory_space<vmem>>, vector<16xi32>,
    %get3A_4 = vector.shape_cast %get3A_3 : vector<16xi32> to vector<16xi32>
    %max3A = arith.constant 0 : i32
    %max3A_5 = vector.broadcast %max3A : i32 to vector<16xi32>
    %max3A_6 = arith.maxsi %get3A_4, %max3A_5 : vector<16xi32>
    %slice3A = vector.extract_strided_slice %max3A_6 {offsets = [0], sizes = [1], strides = [1]} : vector<16xi32> to vector<1xi32>
    %squeeze3A = vector.extract %slice3A[0] : i32 from vector<1xi32>
    %jit3A = arith.constant 16 : i32
    %div3A = arith.divsi %squeeze3A, %jit3A : i32
    %sign3A = arith.constant 0 : i32
    %sign3A_7 = arith.cmpi sgt, %squeeze3A, %sign3A : i32
    %sign3A_8 = arith.extui %sign3A_7 : i1 to i32
    %sign3A_9 = arith.constant 0 : i32
    %sign3A_10 = arith.cmpi slt, %squeeze3A, %sign3A_9 : i32
    %sign3A_11 = arith.extui %sign3A_10 : i1 to i32
    %sign3A_12 = arith.subi %sign3A_8, %sign3A_11 : i32
    %sign3A_13 = arith.constant 0 : i32
    %sign3A_14 = arith.cmpi sgt, %jit3A, %sign3A_13 : i32
    %sign3A_15 = arith.extui %sign3A_14 : i1 to i32
    %sign3A_16 = arith.constant 0 : i32
    %sign3A_17 = arith.cmpi slt, %jit3A, %sign3A_16 : i32
    %sign3A_18 = arith.extui %sign3A_17 : i1 to i32
    %sign3A_19 = arith.subi %sign3A_15, %sign3A_18 : i32
    %ne3A = arith.cmpi ne, %sign3A_12, %sign3A_19 : i32
    %rem3A = arith.remsi %squeeze3A, %jit3A : i32
    %ne3A_20 = arith.constant 0 : i32
    %ne3A_21 = arith.cmpi ne, %rem3A, %ne3A_20 : i32
    %and3A = arith.andi %ne3A, %ne3A_21 : i1
    %sub3A = arith.constant 1 : i32
    %sub3A_22 = arith.subi %div3A, %sub3A : i32
    %select_n3A = arith.select %and3A, %sub3A_22, %div3A : i32
    %mul3A_23 = arith.constant 16 : i32
    %mul3A_24 = arith.muli %select_n3A, %mul3A_23 : i32
    %multiple_of3A = tpu.assume_multiple %mul3A_24, 16 : i32
    %add3A_25 = arith.constant 0 : i32
    %add3A_26 = arith.addi %mul3A_2, %add3A_25 : i32
    %dma_start3A = arith.constant 0 : i32
    %dma_start3A_27 = tpu.memref_slice %arg6[%dma_start3A] : memref<512xf32, #tpu.memory_space<vmem>> -> memref<16xf32, #tpu.memory_space<vmem>>
    %dma_start3A_28 = tpu.memref_slice %arg2[%add3A_26, %multiple_of3A] : memref<1024x100000xf32, #tpu.memory_space<hbm>> -> memref<1x16xf32, #tpu.memory_space<hbm>>
    %dma_start3A_29 = tpu.memref_squeeze %dma_start3A_28 : memref<1x16xf32, #tpu.memory_space<hbm>> -> memref<16xf32, #tpu.memory_space<hbm>>
    %dma_start3A_30 = arith.constant 0 : i32
    %dma_start3A_31 = tpu.memref_slice %arg6[%dma_start3A_30] : memref<512xf32, #tpu.memory_space<vmem>> -> memref<16xf32, #tpu.memory_space<vmem>>
    %dma_start3A_32 = tpu.memref_slice %arg2[%add3A_26, %multiple_of3A] : memref<1024x100000xf32, #tpu.memory_space<hbm>> -> memref<1x16xf32, #tpu.memory_space<hbm>>
    %dma_start3A_33 = tpu.memref_squeeze %dma_start3A_32 : memref<1x16xf32, #tpu.memory_space<hbm>> -> memref<16xf32, #tpu.memory_space<hbm>>
    tpu.enqueue_dma source(%dma_start3A_33 : memref<16xf32, #tpu.memory_space<hbm>>) target(%dma_start3A_31 : memref<16xf32, #tpu.memory_space<vmem>>) target_semaphore(%arg8 : memref<!tpu.dma_semaphore, #tpu.memory_space<semaphore_mem>>)
    %slice3A_34 = vector.extract_strided_slice %max3A_6 {offsets = [1], sizes = [1], strides = [1]} : vector<16xi32> to vector<1xi32>
    %squeeze3A_35 = vector.extract %slice3A_34[0] : i32 from vector<1xi32>
    %jit3A_36 = arith.constant 16 : i32
    %div3A_37 = arith.divsi %squeeze3A_35, %jit3A_36 : i32
    %sign3A_38 = arith.constant 0 : i32
    %sign3A_39 = arith.cmpi sgt, %squeeze3A_35, %sign3A_38 : i32
    %sign3A_40 = arith.extui %sign3A_39 : i1 to i32
    %sign3A_41 = arith.constant 0 : i32
    %sign3A_42 = arith.cmpi slt, %squeeze3A_35, %sign3A_41 : i32
    %sign3A_43 = arith.extui %sign3A_42 : i1 to i32
    %sign3A_44 = arith.subi %sign3A_40, %sign3A_43 : i32
    %sign3A_45 = arith.constant 0 : i32
    %sign3A_46 = arith.cmpi sgt, %jit3A_36, %sign3A_45 : i32
    %sign3A_47 = arith.extui %sign3A_46 : i1 to i32
    %sign3A_48 = arith.constant 0 : i32
    %sign3A_49 = arith.cmpi slt, %jit3A_36, %sign3A_48 : i32
    %sign3A_50 = arith.extui %sign3A_49 : i1 to i32
    %sign3A_51 = arith.subi %sign3A_47, %sign3A_50 : i32
    %ne3A_52 = arith.cmpi ne, %sign3A_44, %sign3A_51 : i32
    %rem3A_53 = arith.remsi %squeeze3A_35, %jit3A_36 : i32
    %ne3A_54 = arith.constant 0 : i32
    %ne3A_55 = arith.cmpi ne, %rem3A_53, %ne3A_54 : i32
    %and3A_56 = arith.andi %ne3A_52, %ne3A_55 : i1
    %sub3A_57 = arith.constant 1 : i32
    %sub3A_58 = arith.subi %div3A_37, %sub3A_57 : i32
    %select_n3A_59 = arith.select %and3A_56, %sub3A_58, %div3A_37 : i32
    %mul3A_60 = arith.constant 16 : i32
    %mul3A_61 = arith.muli %select_n3A_59, %mul3A_60 : i32
    %multiple_of3A_62 = tpu.assume_multiple %mul3A_61, 16 : i32
    %add3A_63 = arith.constant 1 : i32
    %add3A_64 = arith.addi %mul3A_2, %add3A_63 : i32
    %dma_start3A_65 = arith.constant 16 : i32
    %dma_start3A_66 = tpu.memref_slice %arg6[%dma_start3A_65] : memref<512xf32, #tpu.memory_space<vmem>> -> memref<16xf32, #tpu.memory_space<vmem>>
    %dma_start3A_67 = tpu.memref_slice %arg2[%add3A_64, %multiple_of3A_62] : memref<1024x100000xf32, #tpu.memory_space<hbm>> -> memref<1x16xf32, #tpu.memory_space<hbm>>
    %dma_start3A_68 = tpu.memref_squeeze %dma_start3A_67 : memref<1x16xf32, #tpu.memory_space<hbm>> -> memref<16xf32, #tpu.memory_space<hbm>>
    %dma_start3A_69 = arith.constant 16 : i32
    %dma_start3A_70 = tpu.memref_slice %arg6[%dma_start3A_69] : memref<512xf32, #tpu.memory_space<vmem>> -> memref<16xf32, #tpu.memory_space<vmem>>
    %dma_start3A_71 = tpu.memref_slice %arg2[%add3A_64, %multiple_of3A_62] : memref<1024x100000xf32, #tpu.memory_space<hbm>> -> memref<1x16xf32, #tpu.memory_space<hbm>>
    %dma_start3A_72 = tpu.memref_squeeze %dma_start3A_71 : memref<1x16xf32, #tpu.memory_space<hbm>> -> memref<16xf32, #tpu.memory_space<hbm>>
    tpu.enqueue_dma source(%dma_start3A_72 : memref<16xf32, #tpu.memory_space<hbm>>) target(%dma_start3A_70 : memref<16xf32, #tpu.memory_space<vmem>>) target_semaphore(%arg8 : memref<!tpu.dma_semaphore, #tpu.memory_space<semaphore_mem>>)
    %slice3A_73 = vector.extract_strided_slice %max3A_6 {offsets = [2], sizes = [1], strides = [1]} : vector<16xi32> to vector<1xi32>
    %squeeze3A_74 = vector.extract %slice3A_73[0] : i32 from vector<1xi32>
    %jit3A_75 = arith.constant 16 : i32
    %div3A_76 = arith.divsi %squeeze3A_74, %jit3A_75 : i32
    %sign3A_77 = arith.constant 0 : i32
    %sign3A_78 = arith.cmpi sgt, %squeeze3A_74, %sign3A_77 : i32
    %sign3A_79 = arith.extui %sign3A_78 : i1 to i32
    %sign3A_80 = arith.constant 0 : i32
    %sign3A_81 = arith.cmpi slt, %squeeze3A_74, %sign3A_80 : i32
    %sign3A_82 = arith.extui %sign3A_81 : i1 to i32
    %sign3A_83 = arith.subi %sign3A_79, %sign3A_82 : i32
    %sign3A_84 = arith.constant 0 : i32
    %sign3A_85 = arith.cmpi sgt, %jit3A_75, %sign3A_84 : i32
    %sign3A_86 = arith.extui %sign3A_85 : i1 to i32
    %sign3A_87 = arith.constant 0 : i32
    %sign3A_88 = arith.cmpi slt, %jit3A_75, %sign3A_87 : i32
    %sign3A_89 = arith.extui %sign3A_88 : i1 to i32
    %sign3A_90 = arith.subi %sign3A_86, %sign3A_89 : i32
    %ne3A_91 = arith.cmpi ne, %sign3A_83, %sign3A_90 : i32
    %rem3A_92 = arith.remsi %squeeze3A_74, %jit3A_75 : i32
    %ne3A_93 = arith.constant 0 : i32
    %ne3A_94 = arith.cmpi ne, %rem3A_92, %ne3A_93 : i32
    %and3A_95 = arith.andi %ne3A_91, %ne3A_94 : i1
    %sub3A_96 = arith.constant 1 : i32
    %sub3A_97 = arith.subi %div3A_76, %sub3A_96 : i32
    %select_n3A_98 = arith.select %and3A_95, %sub3A_97, %div3A_76 : i32
    %mul3A_99 = arith.constant 16 : i32
    %mul3A_100 = arith.muli %select_n3A_98, %mul3A_99 : i32
    %multiple_of3A_101 = tpu.assume_multiple %mul3A_100, 16 : i32
    %add3A_102 = arith.constant 2 : i32
    %add3A_103 = arith.addi %mul3A_2, %add3A_102 : i32
    %dma_start3A_104 = arith.constant 32 : i32
    %dma_start3A_105 = tpu.memref_slice %arg6[%dma_start3A_104] : memref<512xf32, #tpu.memory_space<vmem>> -> memref<16xf32, #tpu.memory_space<vmem>>
    %dma_start3A_106 = tpu.memref_slice %arg2[%add3A_103, %multiple_of3A_101] : memref<1024x100000xf32, #tpu.memory_space<hbm>> -> memref<1x16xf32, #tpu.memory_space<hbm>>
    %dma_start3A_107 = tpu.memref_squeeze %dma_start3A_106 : memref<1x16xf32, #tpu.memory_space<hbm>> -> memref<16xf32, #tpu.memory_space<hbm>>
    %dma_start3A_108 = arith.constant 32 : i32
    %dma_start3A_109 = tpu.memref_slice %arg6[%dma_start3A_108] : memref<512xf32, #tpu.memory_space<vmem>> -> memref<16xf32, #tpu.memory_space<vmem>>
    %dma_start3A_110 = tpu.memref_slice %arg2[%add3A_103, %multiple_of3A_101] : memref<1024x100000xf32, #tpu.memory_space<hbm>> -> memref<1x16xf32, #tpu.memory_space<hbm>>
    %dma_start3A_111 = tpu.memref_squeeze %dma_start3A_110 : memref<1x16xf32, #tpu.memory_space<hbm>> -> memref<16xf32, #tpu.memory_space<hbm>>
    tpu.enqueue_dma source(%dma_start3A_111 : memref<16xf32, #tpu.memory_space<hbm>>) target(%dma_start3A_109 : memref<16xf32, #tpu.memory_space<vmem>>) target_semaphore(%arg8 : memref<!tpu.dma_semaphore, #tpu.memory_space<semaphore_mem>>)
    %slice3A_112 = vector.extract_strided_slice %max3A_6 {offsets = [3], sizes = [1], strides = [1]} : vector<16xi32> to vector<1xi32>
    %squeeze3A_113 = vector.extract %slice3A_112[0] : i32 from vector<1xi32>
    %jit3A_114 = arith.constant 16 : i32
    %div3A_115 = arith.divsi %squeeze3A_113, %jit3A_114 : i32
    %sign3A_116 = arith.constant 0 : i32
    %sign3A_117 = arith.cmpi sgt, %squeeze3A_113, %sign3A_116 : i32
    %sign3A_118 = arith.extui %sign3A_117 : i1 to i32
    %sign3A_119 = arith.constant 0 : i32
    %sign3A_120 = arith.cmpi slt, %squeeze3A_113, %sign3A_119 : i32
    %sign3A_121 = arith.extui %sign3A_120 : i1 to i32
    %sign3A_122 = arith.subi %sign3A_118, %sign3A_121 : i32
    %sign3A_123 = arith.constant 0 : i32
    %sign3A_124 = arith.cmpi sgt, %jit3A_114, %sign3A_123 : i32
    %sign3A_125 = arith.extui %sign3A_124 : i1 to i32
    %sign3A_126 = arith.constant 0 : i32
    %sign3A_127 = arith.cmpi slt, %jit3A_114, %sign3A_126 : i32
    %sign3A_128 = arith.extui %sign3A_127 : i1 to i32
    %sign3A_129 = arith.subi %sign3A_125, %sign3A_128 : i32
    %ne3A_130 = arith.cmpi ne, %sign3A_122, %sign3A_129 : i32
    %rem3A_131 = arith.remsi %squeeze3A_113, %jit3A_114 : i32
    %ne3A_132 = arith.constant 0 : i32
    %ne3A_133 = arith.cmpi ne, %rem3A_131, %ne3A_132 : i32
    %and3A_134 = arith.andi %ne3A_130, %ne3A_133 : i1
    %sub3A_135 = arith.constant 1 : i32
    %sub3A_136 = arith.subi %div3A_115, %sub3A_135 : i32
    %select_n3A_137 = arith.select %and3A_134, %sub3A_136, %div3A_115 : i32
    %mul3A_138 = arith.constant 16 : i32
    %mul3A_139 = arith.muli %select_n3A_137, %mul3A_138 : i32
    %multiple_of3A_140 = tpu.assume_multiple %mul3A_139, 16 : i32
    %add3A_141 = arith.constant 3 : i32
    %add3A_142 = arith.addi %mul3A_2, %add3A_141 : i32
    %dma_start3A_143 = arith.constant 48 : i32
    %dma_start3A_144 = tpu.memref_slice %arg6[%dma_start3A_143] : memref<512xf32, #tpu.memory_space<vmem>> -> memref<16xf32, #tpu.memory_space<vmem>>
    %dma_start3A_145 = tpu.memref_slice %arg2[%add3A_142, %multiple_of3A_140] : memref<1024x100000xf32, #tpu.memory_space<hbm>> -> memref<1x16xf32, #tpu.memory_space<hbm>>
    %dma_start3A_146 = tpu.memref_squeeze %dma_start3A_145 : memref<1x16xf32, #tpu.memory_space<hbm>> -> memref<16xf32, #tpu.memory_space<hbm>>
    %dma_start3A_147 = arith.constant 48 : i32
    %dma_start3A_148 = tpu.memref_slice %arg6[%dma_start3A_147] : memref<512xf32, #tpu.memory_space<vmem>> -> memref<16xf32, #tpu.memory_space<vmem>>
    %dma_start3A_149 = tpu.memref_slice %arg2[%add3A_142, %multiple_of3A_140] : memref<1024x100000xf32, #tpu.memory_space<hbm>> -> memref<1x16xf32, #tpu.memory_space<hbm>>
    %dma_start3A_150 = tpu.memref_squeeze %dma_start3A_149 : memref<1x16xf32, #tpu.memory_space<hbm>> -> memref<16xf32, #tpu.memory_space<hbm>>
    tpu.enqueue_dma source(%dma_start3A_150 : memref<16xf32, #tpu.memory_space<hbm>>) target(%dma_start3A_148 : memref<16xf32, #tpu.memory_space<vmem>>) target_semaphore(%arg8 : memref<!tpu.dma_semaphore, #tpu.memory_space<semaphore_mem>>)
    %slice3A_151 = vector.extract_strided_slice %max3A_6 {offsets = [4], sizes = [1], strides = [1]} : vector<16xi32> to vector<1xi32>
    %squeeze3A_152 = vector.extract %slice3A_151[0] : i32 from vector<1xi32>
    %jit3A_153 = arith.constant 16 : i32
    %div3A_154 = arith.divsi %squeeze3A_152, %jit3A_153 : i32
    %sign3A_155 = arith.constant 0 : i32
    %sign3A_156 = arith.cmpi sgt, %squeeze3A_152, %sign3A_155 : i32
    %sign3A_157 = arith.extui %sign3A_156 : i1 to i32
    %sign3A_158 = arith.constant 0 : i32
    %sign3A_159 = arith.cmpi slt, %squeeze3A_152, %sign3A_158 : i32
    %sign3A_160 = arith.extui %sign3A_159 : i1 to i32
    %sign3A_161 = arith.subi %sign3A_157, %sign3A_160 : i32
    %sign3A_162 = arith.constant 0 : i32
    %sign3A_163 = arith.cmpi sgt, %jit3A_153, %sign3A_162 : i32
    %sign3A_164 = arith.extui %sign3A_163 : i1 to i32
    %sign3A_165 = arith.constant 0 : i32
    %sign3A_166 = arith.cmpi slt, %jit3A_153, %sign3A_165 : i32
    %sign3A_167 = arith.extui %sign3A_166 : i1 to i32
    %sign3A_168 = arith.subi %sign3A_164, %sign3A_167 : i32
    %ne3A_169 = arith.cmpi ne, %sign3A_161, %sign3A_168 : i32
    %rem3A_170 = arith.remsi %squeeze3A_152, %jit3A_153 : i32
    %ne3A_171 = arith.constant 0 : i32
    %ne3A_172 = arith.cmpi ne, %rem3A_170, %ne3A_171 : i32
    %and3A_173 = arith.andi %ne3A_169, %ne3A_172 : i1
    %sub3A_174 = arith.constant 1 : i32
    %sub3A_175 = arith.subi %div3A_154, %sub3A_174 : i32
    %select_n3A_176 = arith.select %and3A_173, %sub3A_175, %div3A_154 : i32
    %mul3A_177 = arith.constant 16 : i32
    %mul3A_178 = arith.muli %select_n3A_176, %mul3A_177 : i32
    %multiple_of3A_179 = tpu.assume_multiple %mul3A_178, 16 : i32
    %add3A_180 = arith.constant 4 : i32
    %add3A_181 = arith.addi %mul3A_2, %add3A_180 : i32
    %dma_start3A_182 = arith.constant 64 : i32
    %dma_start3A_183 = tpu.memref_slice %arg6[%dma_start3A_182] : memref<512xf32, #tpu.memory_space<vmem>> -> memref<16xf32, #tpu.memory_space<vmem>>
    %dma_start3A_184 = tpu.memref_slice %arg2[%add3A_181, %multiple_of3A_179] : memref<1024x100000xf32, #tpu.memory_space<hbm>> -> memref<1x16xf32, #tpu.memory_space<hbm>>
    %dma_start3A_185 = tpu.memref_squeeze %dma_start3A_184 : memref<1x16xf32, #tpu.memory_space<hbm>> -> memref<16xf32, #tpu.memory_space<hbm>>
    %dma_start3A_186 = arith.constant 64 : i32
    %dma_start3A_187 = tpu.memref_slice %arg6[%dma_start3A_186] : memref<512xf32, #tpu.memory_space<vmem>> -> memref<16xf32, #tpu.memory_space<vmem>>
    %dma_start3A_188 = tpu.memref_slice %arg2[%add3A_181, %multiple_of3A_179] : memref<1024x100000xf32, #tpu.memory_space<hbm>> -> memref<1x16xf32, #tpu.memory_space<hbm>>
    %dma_start3A_189 = tpu.memref_squeeze %dma_start3A_188 : memref<1x16xf32, #tpu.memory_space<hbm>> -> memref<16xf32, #tpu.memory_space<hbm>>
    tpu.enqueue_dma source(%dma_start3A_189 : memref<16xf32, #tpu.memory_space<hbm>>) target(%dma_start3A_187 : memref<16xf32, #tpu.memory_space<vmem>>) target_semaphore(%arg8 : memref<!tpu.dma_semaphore, #tpu.memory_space<semaphore_mem>>)
    %slice3A_190 = vector.extract_strided_slice %max3A_6 {offsets = [5], sizes = [1], strides = [1]} : vector<16xi32> to vector<1xi32>
    %squeeze3A_191 = vector.extract %slice3A_190[0] : i32 from vector<1xi32>
    %jit3A_192 = arith.constant 16 : i32
    %div3A_193 = arith.divsi %squeeze3A_191, %jit3A_192 : i32
    %sign3A_194 = arith.constant 0 : i32
    %sign3A_195 = arith.cmpi sgt, %squeeze3A_191, %sign3A_194 : i32
    %sign3A_196 = arith.extui %sign3A_195 : i1 to i32
    %sign3A_197 = arith.constant 0 : i32
    %sign3A_198 = arith.cmpi slt, %squeeze3A_191, %sign3A_197 : i32
    %sign3A_199 = arith.extui %sign3A_198 : i1 to i32
    %sign3A_200 = arith.subi %sign3A_196, %sign3A_199 : i32
    %sign3A_201 = arith.constant 0 : i32
    %sign3A_202 = arith.cmpi sgt, %jit3A_192, %sign3A_201 : i32
    %sign3A_203 = arith.extui %sign3A_202 : i1 to i32
    %sign3A_204 = arith.constant 0 : i32
    %sign3A_205 = arith.cmpi slt, %jit3A_192, %sign3A_204 : i32
    %sign3A_206 = arith.extui %sign3A_205 : i1 to i32
    %sign3A_207 = arith.subi %sign3A_203, %sign3A_206 : i32
    %ne3A_208 = arith.cmpi ne, %sign3A_200, %sign3A_207 : i32
    %rem3A_209 = arith.remsi %squeeze3A_191, %jit3A_192 : i32
    %ne3A_210 = arith.constant 0 : i32
    %ne3A_211 = arith.cmpi ne, %rem3A_209, %ne3A_210 : i32
    %and3A_212 = arith.andi %ne3A_208, %ne3A_211 : i1
    %sub3A_213 = arith.constant 1 : i32
    %sub3A_214 = arith.subi %div3A_193, %sub3A_213 : i32
    %select_n3A_215 = arith.select %and3A_212, %sub3A_214, %div3A_193 : i32
    %mul3A_216 = arith.constant 16 : i32
    %mul3A_217 = arith.muli %select_n3A_215, %mul3A_216 : i32
    %multiple_of3A_218 = tpu.assume_multiple %mul3A_217, 16 : i32
    %add3A_219 = arith.constant 5 : i32
    %add3A_220 = arith.addi %mul3A_2, %add3A_219 : i32
    %dma_start3A_221 = arith.constant 80 : i32
    %dma_start3A_222 = tpu.memref_slice %arg6[%dma_start3A_221] : memref<512xf32, #tpu.memory_space<vmem>> -> memref<16xf32, #tpu.memory_space<vmem>>
    %dma_start3A_223 = tpu.memref_slice %arg2[%add3A_220, %multiple_of3A_218] : memref<1024x100000xf32, #tpu.memory_space<hbm>> -> memref<1x16xf32, #tpu.memory_space<hbm>>
    %dma_start3A_224 = tpu.memref_squeeze %dma_start3A_223 : memref<1x16xf32, #tpu.memory_space<hbm>> -> memref<16xf32, #tpu.memory_space<hbm>>
    %dma_start3A_225 = arith.constant 80 : i32
    %dma_start3A_226 = tpu.memref_slice %arg6[%dma_start3A_225] : memref<512xf32, #tpu.memory_space<vmem>> -> memref<16xf32, #tpu.memory_space<vmem>>
    %dma_start3A_227 = tpu.memref_slice %arg2[%add3A_220, %multiple_of3A_218] : memref<1024x100000xf32, #tpu.memory_space<hbm>> -> memref<1x16xf32, #tpu.memory_space<hbm>>
    %dma_start3A_228 = tpu.memref_squeeze %dma_start3A_227 : memref<1x16xf32, #tpu.memory_space<hbm>> -> memref<16xf32, #tpu.memory_space<hbm>>
    tpu.enqueue_dma source(%dma_start3A_228 : memref<16xf32, #tpu.memory_space<hbm>>) target(%dma_start3A_226 : memref<16xf32, #tpu.memory_space<vmem>>) target_semaphore(%arg8 : memref<!tpu.dma_semaphore, #tpu.memory_space<semaphore_mem>>)
    %slice3A_229 = vector.extract_strided_slice %max3A_6 {offsets = [6], sizes = [1], strides = [1]} : vector<16xi32> to vector<1xi32>
    %squeeze3A_230 = vector.extract %slice3A_229[0] : i32 from vector<1xi32>
    %jit3A_231 = arith.constant 16 : i32
    %div3A_232 = arith.divsi %squeeze3A_230, %jit3A_231 : i32
    %sign3A_233 = arith.constant 0 : i32
    %sign3A_234 = arith.cmpi sgt, %squeeze3A_230, %sign3A_233 : i32
    %sign3A_235 = arith.extui %sign3A_234 : i1 to i32
    %sign3A_236 = arith.constant 0 : i32
    %sign3A_237 = arith.cmpi slt, %squeeze3A_230, %sign3A_236 : i32
    %sign3A_238 = arith.extui %sign3A_237 : i1 to i32
    %sign3A_239 = arith.subi %sign3A_235, %sign3A_238 : i32
    %sign3A_240 = arith.constant 0 : i32
    %sign3A_241 = arith.cmpi sgt, %jit3A_231, %sign3A_240 : i32
    %sign3A_242 = arith.extui %sign3A_241 : i1 to i32
    %sign3A_243 = arith.constant 0 : i32
    %sign3A_244 = arith.cmpi slt, %jit3A_231, %sign3A_243 : i32
    %sign3A_245 = arith.extui %sign3A_244 : i1 to i32
    %sign3A_246 = arith.subi %sign3A_242, %sign3A_245 : i32
    %ne3A_247 = arith.cmpi ne, %sign3A_239, %sign3A_246 : i32
    %rem3A_248 = arith.remsi %squeeze3A_230, %jit3A_231 : i32
    %ne3A_249 = arith.constant 0 : i32
    %ne3A_250 = arith.cmpi ne, %rem3A_248, %ne3A_249 : i32
    %and3A_251 = arith.andi %ne3A_247, %ne3A_250 : i1
    %sub3A_252 = arith.constant 1 : i32
    %sub3A_253 = arith.subi %div3A_232, %sub3A_252 : i32
    %select_n3A_254 = arith.select %and3A_251, %sub3A_253, %div3A_232 : i32
    %mul3A_255 = arith.constant 16 : i32
    %mul3A_256 = arith.muli %select_n3A_254, %mul3A_255 : i32
    %multiple_of3A_257 = tpu.assume_multiple %mul3A_256, 16 : i32
    %add3A_258 = arith.constant 6 : i32
    %add3A_259 = arith.addi %mul3A_2, %add3A_258 : i32
    %dma_start3A_260 = arith.constant 96 : i32
    %dma_start3A_261 = tpu.memref_slice %arg6[%dma_start3A_260] : memref<512xf32, #tpu.memory_space<vmem>> -> memref<16xf32, #tpu.memory_space<vmem>>
    %dma_start3A_262 = tpu.memref_slice %arg2[%add3A_259, %multiple_of3A_257] : memref<1024x100000xf32, #tpu.memory_space<hbm>> -> memref<1x16xf32, #tpu.memory_space<hbm>>
    %dma_start3A_263 = tpu.memref_squeeze %dma_start3A_262 : memref<1x16xf32, #tpu.memory_space<hbm>> -> memref<16xf32, #tpu.memory_space<hbm>>
    %dma_start3A_264 = arith.constant 96 : i32
    %dma_start3A_265 = tpu.memref_slice %arg6[%dma_start3A_264] : memref<512xf32, #tpu.memory_space<vmem>> -> memref<16xf32, #tpu.memory_space<vmem>>
    %dma_start3A_266 = tpu.memref_slice %arg2[%add3A_259, %multiple_of3A_257] : memref<1024x100000xf32, #tpu.memory_space<hbm>> -> memref<1x16xf32, #tpu.memory_space<hbm>>
    %dma_start3A_267 = tpu.memref_squeeze %dma_start3A_266 : memref<1x16xf32, #tpu.memory_space<hbm>> -> memref<16xf32, #tpu.memory_space<hbm>>
    tpu.enqueue_dma source(%dma_start3A_267 : memref<16xf32, #tpu.memory_space<hbm>>) target(%dma_start3A_265 : memref<16xf32, #tpu.memory_space<vmem>>) target_semaphore(%arg8 : memref<!tpu.dma_semaphore, #tpu.memory_space<semaphore_mem>>)
    %slice3A_268 = vector.extract_strided_slice %max3A_6 {offsets = [7], sizes = [1], strides = [1]} : vector<16xi32> to vector<1xi32>
    %squeeze3A_269 = vector.extract %slice3A_268[0] : i32 from vector<1xi32>
    %jit3A_270 = arith.constant 16 : i32
    %div3A_271 = arith.divsi %squeeze3A_269, %jit3A_270 : i32
    %sign3A_272 = arith.constant 0 : i32
    %sign3A_273 = arith.cmpi sgt, %squeeze3A_269, %sign3A_272 : i32
    %sign3A_274 = arith.extui %sign3A_273 : i1 to i32
    %sign3A_275 = arith.constant 0 : i32
    %sign3A_276 = arith.cmpi slt, %squeeze3A_269, %sign3A_275 : i32
    %sign3A_277 = arith.extui %sign3A_276 : i1 to i32
    %sign3A_278 = arith.subi %sign3A_274, %sign3A_277 : i32
    %sign3A_279 = arith.constant 0 : i32
    %sign3A_280 = arith.cmpi sgt, %jit3A_270, %sign3A_279 : i32
    %sign3A_281 = arith.extui %sign3A_280 : i1 to i32
    %sign3A_282 = arith.constant 0 : i32
    %sign3A_283 = arith.cmpi slt, %jit3A_270, %sign3A_282 : i32
    %sign3A_284 = arith.extui %sign3A_283 : i1 to i32
    %sign3A_285 = arith.subi %sign3A_281, %sign3A_284 : i32
    %ne3A_286 = arith.cmpi ne, %sign3A_278, %sign3A_285 : i32
    %rem3A_287 = arith.remsi %squeeze3A_269, %jit3A_270 : i32
    %ne3A_288 = arith.constant 0 : i32
    %ne3A_289 = arith.cmpi ne, %rem3A_287, %ne3A_288 : i32
    %and3A_290 = arith.andi %ne3A_286, %ne3A_289 : i1
    %sub3A_291 = arith.constant 1 : i32
    %sub3A_292 = arith.subi %div3A_271, %sub3A_291 : i32
    %select_n3A_293 = arith.select %and3A_290, %sub3A_292, %div3A_271 : i32
    %mul3A_294 = arith.constant 16 : i32
    %mul3A_295 = arith.muli %select_n3A_293, %mul3A_294 : i32
    %multiple_of3A_296 = tpu.assume_multiple %mul3A_295, 16 : i32
    %add3A_297 = arith.constant 7 : i32
    %add3A_298 = arith.addi %mul3A_2, %add3A_297 : i32
    %dma_start3A_299 = arith.constant 112 : i32
    %dma_start3A_300 = tpu.memref_slice %arg6[%dma_start3A_299] : memref<512xf32, #tpu.memory_space<vmem>> -> memref<16xf32, #tpu.memory_space<vmem>>
    %dma_start3A_301 = tpu.memref_slice %arg2[%add3A_298, %multiple_of3A_296] : memref<1024x100000xf32, #tpu.memory_space<hbm>> -> memref<1x16xf32, #tpu.memory_space<hbm>>
    %dma_start3A_302 = tpu.memref_squeeze %dma_start3A_301 : memref<1x16xf32, #tpu.memory_space<hbm>> -> memref<16xf32, #tpu.memory_space<hbm>>
    %dma_start3A_303 = arith.constant 112 : i32
    %dma_start3A_304 = tpu.memref_slice %arg6[%dma_start3A_303] : memref<512xf32, #tpu.memory_space<vmem>> -> memref<16xf32, #tpu.memory_space<vmem>>
    %dma_start3A_305 = tpu.memref_slice %arg2[%add3A_298, %multiple_of3A_296] : memref<1024x100000xf32, #tpu.memory_space<hbm>> -> memref<1x16xf32, #tpu.memory_space<hbm>>
    %dma_start3A_306 = tpu.memref_squeeze %dma_start3A_305 : memref<1x16xf32, #tpu.memory_space<hbm>> -> memref<16xf32, #tpu.memory_space<hbm>>
    tpu.enqueue_dma source(%dma_start3A_306 : memref<16xf32, #tpu.memory_space<hbm>>) target(%dma_start3A_304 : memref<16xf32, #tpu.memory_space<vmem>>) target_semaphore(%arg8 : memref<!tpu.dma_semaphore, #tpu.memory_space<semaphore_mem>>)
    %slice3A_307 = vector.extract_strided_slice %max3A_6 {offsets = [8], sizes = [1], strides = [1]} : vector<16xi32> to vector<1xi32>
    %squeeze3A_308 = vector.extract %slice3A_307[0] : i32 from vector<1xi32>
    %jit3A_309 = arith.constant 16 : i32
    %div3A_310 = arith.divsi %squeeze3A_308, %jit3A_309 : i32
    %sign3A_311 = arith.constant 0 : i32
    %sign3A_312 = arith.cmpi sgt, %squeeze3A_308, %sign3A_311 : i32
    %sign3A_313 = arith.extui %sign3A_312 : i1 to i32
    %sign3A_314 = arith.constant 0 : i32
    %sign3A_315 = arith.cmpi slt, %squeeze3A_308, %sign3A_314 : i32
    %sign3A_316 = arith.extui %sign3A_315 : i1 to i32
    %sign3A_317 = arith.subi %sign3A_313, %sign3A_316 : i32
    %sign3A_318 = arith.constant 0 : i32
    %sign3A_319 = arith.cmpi sgt, %jit3A_309, %sign3A_318 : i32
    %sign3A_320 = arith.extui %sign3A_319 : i1 to i32
    %sign3A_321 = arith.constant 0 : i32
    %sign3A_322 = arith.cmpi slt, %jit3A_309, %sign3A_321 : i32
    %sign3A_323 = arith.extui %sign3A_322 : i1 to i32
    %sign3A_324 = arith.subi %sign3A_320, %sign3A_323 : i32
    %ne3A_325 = arith.cmpi ne, %sign3A_317, %sign3A_324 : i32
    %rem3A_326 = arith.remsi %squeeze3A_308, %jit3A_309 : i32
    %ne3A_327 = arith.constant 0 : i32
    %ne3A_328 = arith.cmpi ne, %rem3A_326, %ne3A_327 : i32
    %and3A_329 = arith.andi %ne3A_325, %ne3A_328 : i1
    %sub3A_330 = arith.constant 1 : i32
    %sub3A_331 = arith.subi %div3A_310, %sub3A_330 : i32
    %select_n3A_332 = arith.select %and3A_329, %sub3A_331, %div3A_310 : i32
    %mul3A_333 = arith.constant 16 : i32
    %mul3A_334 = arith.muli %select_n3A_332, %mul3A_333 : i32
    %multiple_of3A_335 = tpu.assume_multiple %mul3A_334, 16 : i32
    %add3A_336 = arith.constant 8 : i32
    %add3A_337 = arith.addi %mul3A_2, %add3A_336 : i32
    %dma_start3A_338 = arith.constant 128 : i32
    %dma_start3A_339 = tpu.memref_slice %arg6[%dma_start3A_338] : memref<512xf32, #tpu.memory_space<vmem>> -> memref<16xf32, #tpu.memory_space<vmem>>
    %dma_start3A_340 = tpu.memref_slice %arg2[%add3A_337, %multiple_of3A_335] : memref<1024x100000xf32, #tpu.memory_space<hbm>> -> memref<1x16xf32, #tpu.memory_space<hbm>>
    %dma_start3A_341 = tpu.memref_squeeze %dma_start3A_340 : memref<1x16xf32, #tpu.memory_space<hbm>> -> memref<16xf32, #tpu.memory_space<hbm>>
    %dma_start3A_342 = arith.constant 128 : i32
    %dma_start3A_343 = tpu.memref_slice %arg6[%dma_start3A_342] : memref<512xf32, #tpu.memory_space<vmem>> -> memref<16xf32, #tpu.memory_space<vmem>>
    %dma_start3A_344 = tpu.memref_slice %arg2[%add3A_337, %multiple_of3A_335] : memref<1024x100000xf32, #tpu.memory_space<hbm>> -> memref<1x16xf32, #tpu.memory_space<hbm>>
    %dma_start3A_345 = tpu.memref_squeeze %dma_start3A_344 : memref<1x16xf32, #tpu.memory_space<hbm>> -> memref<16xf32, #tpu.memory_space<hbm>>
    tpu.enqueue_dma source(%dma_start3A_345 : memref<16xf32, #tpu.memory_space<hbm>>) target(%dma_start3A_343 : memref<16xf32, #tpu.memory_space<vmem>>) target_semaphore(%arg8 : memref<!tpu.dma_semaphore, #tpu.memory_space<semaphore_mem>>)
    %slice3A_346 = vector.extract_strided_slice %max3A_6 {offsets = [9], sizes = [1], strides = [1]} : vector<16xi32> to vector<1xi32>
    %squeeze3A_347 = vector.extract %slice3A_346[0] : i32 from vector<1xi32>
    %jit3A_348 = arith.constant 16 : i32
    %div3A_349 = arith.divsi %squeeze3A_347, %jit3A_348 : i32
    %sign3A_350 = arith.constant 0 : i32
    %sign3A_351 = arith.cmpi sgt, %squeeze3A_347, %sign3A_350 : i32
    %sign3A_352 = arith.extui %sign3A_351 : i1 to i32
    %sign3A_353 = arith.constant 0 : i32
    %sign3A_354 = arith.cmpi slt, %squeeze3A_347, %sign3A_353 : i32
    %sign3A_355 = arith.extui %sign3A_354 : i1 to i32
    %sign3A_356 = arith.subi %sign3A_352, %sign3A_355 : i32
    %sign3A_357 = arith.constant 0 : i32
    %sign3A_358 = arith.cmpi sgt, %jit3A_348, %sign3A_357 : i32
    %sign3A_359 = arith.extui %sign3A_358 : i1 to i32
    %sign3A_360 = arith.constant 0 : i32
    %sign3A_361 = arith.cmpi slt, %jit3A_348, %sign3A_360 : i32
    %sign3A_362 = arith.extui %sign3A_361 : i1 to i32
    %sign3A_363 = arith.subi %sign3A_359, %sign3A_362 : i32
    %ne3A_364 = arith.cmpi ne, %sign3A_356, %sign3A_363 : i32
    %rem3A_365 = arith.remsi %squeeze3A_347, %jit3A_348 : i32
    %ne3A_366 = arith.constant 0 : i32
    %ne3A_367 = arith.cmpi ne, %rem3A_365, %ne3A_366 : i32
    %and3A_368 = arith.andi %ne3A_364, %ne3A_367 : i1
    %sub3A_369 = arith.constant 1 : i32
    %sub3A_370 = arith.subi %div3A_349, %sub3A_369 : i32
    %select_n3A_371 = arith.select %and3A_368, %sub3A_370, %div3A_349 : i32
    %mul3A_372 = arith.constant 16 : i32
    %mul3A_373 = arith.muli %select_n3A_371, %mul3A_372 : i32
    %multiple_of3A_374 = tpu.assume_multiple %mul3A_373, 16 : i32
    %add3A_375 = arith.constant 9 : i32
    %add3A_376 = arith.addi %mul3A_2, %add3A_375 : i32
    %dma_start3A_377 = arith.constant 144 : i32
    %dma_start3A_378 = tpu.memref_slice %arg6[%dma_start3A_377] : memref<512xf32, #tpu.memory_space<vmem>> -> memref<16xf32, #tpu.memory_space<vmem>>
    %dma_start3A_379 = tpu.memref_slice %arg2[%add3A_376, %multiple_of3A_374] : memref<1024x100000xf32, #tpu.memory_space<hbm>> -> memref<1x16xf32, #tpu.memory_space<hbm>>
    %dma_start3A_380 = tpu.memref_squeeze %dma_start3A_379 : memref<1x16xf32, #tpu.memory_space<hbm>> -> memref<16xf32, #tpu.memory_space<hbm>>
    %dma_start3A_381 = arith.constant 144 : i32
    %dma_start3A_382 = tpu.memref_slice %arg6[%dma_start3A_381] : memref<512xf32, #tpu.memory_space<vmem>> -> memref<16xf32, #tpu.memory_space<vmem>>
    %dma_start3A_383 = tpu.memref_slice %arg2[%add3A_376, %multiple_of3A_374] : memref<1024x100000xf32, #tpu.memory_space<hbm>> -> memref<1x16xf32, #tpu.memory_space<hbm>>
    %dma_start3A_384 = tpu.memref_squeeze %dma_start3A_383 : memref<1x16xf32, #tpu.memory_space<hbm>> -> memref<16xf32, #tpu.memory_space<hbm>>
    tpu.enqueue_dma source(%dma_start3A_384 : memref<16xf32, #tpu.memory_space<hbm>>) target(%dma_start3A_382 : memref<16xf32, #tpu.memory_space<vmem>>) target_semaphore(%arg8 : memref<!tpu.dma_semaphore, #tpu.memory_space<semaphore_mem>>)
    %slice3A_385 = vector.extract_strided_slice %max3A_6 {offsets = [10], sizes = [1], strides = [1]} : vector<16xi32> to vector<1xi32>
    %squeeze3A_386 = vector.extract %slice3A_385[0] : i32 from vector<1xi32>
    %jit3A_387 = arith.constant 16 : i32
    %div3A_388 = arith.divsi %squeeze3A_386, %jit3A_387 : i32
    %sign3A_389 = arith.constant 0 : i32
    %sign3A_390 = arith.cmpi sgt, %squeeze3A_386, %sign3A_389 : i32
    %sign3A_391 = arith.extui %sign3A_390 : i1 to i32
    %sign3A_392 = arith.constant 0 : i32
    %sign3A_393 = arith.cmpi slt, %squeeze3A_386, %sign3A_392 : i32
    %sign3A_394 = arith.extui %sign3A_393 : i1 to i32
    %sign3A_395 = arith.subi %sign3A_391, %sign3A_394 : i32
    %sign3A_396 = arith.constant 0 : i32
    %sign3A_397 = arith.cmpi sgt, %jit3A_387, %sign3A_396 : i32
    %sign3A_398 = arith.extui %sign3A_397 : i1 to i32
    %sign3A_399 = arith.constant 0 : i32
    %sign3A_400 = arith.cmpi slt, %jit3A_387, %sign3A_399 : i32
    %sign3A_401 = arith.extui %sign3A_400 : i1 to i32
    %sign3A_402 = arith.subi %sign3A_398, %sign3A_401 : i32
    %ne3A_403 = arith.cmpi ne, %sign3A_395, %sign3A_402 : i32
    %rem3A_404 = arith.remsi %squeeze3A_386, %jit3A_387 : i32
    %ne3A_405 = arith.constant 0 : i32
    %ne3A_406 = arith.cmpi ne, %rem3A_404, %ne3A_405 : i32
    %and3A_407 = arith.andi %ne3A_403, %ne3A_406 : i1
    %sub3A_408 = arith.constant 1 : i32
    %sub3A_409 = arith.subi %div3A_388, %sub3A_408 : i32
    %select_n3A_410 = arith.select %and3A_407, %sub3A_409, %div3A_388 : i32
    %mul3A_411 = arith.constant 16 : i32
    %mul3A_412 = arith.muli %select_n3A_410, %mul3A_411 : i32
    %multiple_of3A_413 = tpu.assume_multiple %mul3A_412, 16 : i32
    %add3A_414 = arith.constant 10 : i32
    %add3A_415 = arith.addi %mul3A_2, %add3A_414 : i32
    %dma_start3A_416 = arith.constant 160 : i32
    %dma_start3A_417 = tpu.memref_slice %arg6[%dma_start3A_416] : memref<512xf32, #tpu.memory_space<vmem>> -> memref<16xf32, #tpu.memory_space<vmem>>
    %dma_start3A_418 = tpu.memref_slice %arg2[%add3A_415, %multiple_of3A_413] : memref<1024x100000xf32, #tpu.memory_space<hbm>> -> memref<1x16xf32, #tpu.memory_space<hbm>>
    %dma_start3A_419 = tpu.memref_squeeze %dma_start3A_418 : memref<1x16xf32, #tpu.memory_space<hbm>> -> memref<16xf32, #tpu.memory_space<hbm>>
    %dma_start3A_420 = arith.constant 160 : i32
    %dma_start3A_421 = tpu.memref_slice %arg6[%dma_start3A_420] : memref<512xf32, #tpu.memory_space<vmem>> -> memref<16xf32, #tpu.memory_space<vmem>>
    %dma_start3A_422 = tpu.memref_slice %arg2[%add3A_415, %multiple_of3A_413] : memref<1024x100000xf32, #tpu.memory_space<hbm>> -> memref<1x16xf32, #tpu.memory_space<hbm>>
    %dma_start3A_423 = tpu.memref_squeeze %dma_start3A_422 : memref<1x16xf32, #tpu.memory_space<hbm>> -> memref<16xf32, #tpu.memory_space<hbm>>
    tpu.enqueue_dma source(%dma_start3A_423 : memref<16xf32, #tpu.memory_space<hbm>>) target(%dma_start3A_421 : memref<16xf32, #tpu.memory_space<vmem>>) target_semaphore(%arg8 : memref<!tpu.dma_semaphore, #tpu.memory_space<semaphore_mem>>)
    %slice3A_424 = vector.extract_strided_slice %max3A_6 {offsets = [11], sizes = [1], strides = [1]} : vector<16xi32> to vector<1xi32>
    %squeeze3A_425 = vector.extract %slice3A_424[0] : i32 from vector<1xi32>
    %jit3A_426 = arith.constant 16 : i32
    %div3A_427 = arith.divsi %squeeze3A_425, %jit3A_426 : i32
    %sign3A_428 = arith.constant 0 : i32
    %sign3A_429 = arith.cmpi sgt, %squeeze3A_425, %sign3A_428 : i32
    %sign3A_430 = arith.extui %sign3A_429 : i1 to i32
    %sign3A_431 = arith.constant 0 : i32
    %sign3A_432 = arith.cmpi slt, %squeeze3A_425, %sign3A_431 : i32
    %sign3A_433 = arith.extui %sign3A_432 : i1 to i32
    %sign3A_434 = arith.subi %sign3A_430, %sign3A_433 : i32
    %sign3A_435 = arith.constant 0 : i32
    %sign3A_436 = arith.cmpi sgt, %jit3A_426, %sign3A_435 : i32
    %sign3A_437 = arith.extui %sign3A_436 : i1 to i32
    %sign3A_438 = arith.constant 0 : i32
    %sign3A_439 = arith.cmpi slt, %jit3A_426, %sign3A_438 : i32
    %sign3A_440 = arith.extui %sign3A_439 : i1 to i32
    %sign3A_441 = arith.subi %sign3A_437, %sign3A_440 : i32
    %ne3A_442 = arith.cmpi ne, %sign3A_434, %sign3A_441 : i32
    %rem3A_443 = arith.remsi %squeeze3A_425, %jit3A_426 : i32
    %ne3A_444 = arith.constant 0 : i32
    %ne3A_445 = arith.cmpi ne, %rem3A_443, %ne3A_444 : i32
    %and3A_446 = arith.andi %ne3A_442, %ne3A_445 : i1
    %sub3A_447 = arith.constant 1 : i32
    %sub3A_448 = arith.subi %div3A_427, %sub3A_447 : i32
    %select_n3A_449 = arith.select %and3A_446, %sub3A_448, %div3A_427 : i32
    %mul3A_450 = arith.constant 16 : i32
    %mul3A_451 = arith.muli %select_n3A_449, %mul3A_450 : i32
    %multiple_of3A_452 = tpu.assume_multiple %mul3A_451, 16 : i32
    %add3A_453 = arith.constant 11 : i32
    %add3A_454 = arith.addi %mul3A_2, %add3A_453 : i32
    %dma_start3A_455 = arith.constant 176 : i32
    %dma_start3A_456 = tpu.memref_slice %arg6[%dma_start3A_455] : memref<512xf32, #tpu.memory_space<vmem>> -> memref<16xf32, #tpu.memory_space<vmem>>
    %dma_start3A_457 = tpu.memref_slice %arg2[%add3A_454, %multiple_of3A_452] : memref<1024x100000xf32, #tpu.memory_space<hbm>> -> memref<1x16xf32, #tpu.memory_space<hbm>>
    %dma_start3A_458 = tpu.memref_squeeze %dma_start3A_457 : memref<1x16xf32, #tpu.memory_space<hbm>> -> memref<16xf32, #tpu.memory_space<hbm>>
    %dma_start3A_459 = arith.constant 176 : i32
    %dma_start3A_460 = tpu.memref_slice %arg6[%dma_start3A_459] : memref<512xf32, #tpu.memory_space<vmem>> -> memref<16xf32, #tpu.memory_space<vmem>>
    %dma_start3A_461 = tpu.memref_slice %arg2[%add3A_454, %multiple_of3A_452] : memref<1024x100000xf32, #tpu.memory_space<hbm>> -> memref<1x16xf32, #tpu.memory_space<hbm>>
    %dma_start3A_462 = tpu.memref_squeeze %dma_start3A_461 : memref<1x16xf32, #tpu.memory_space<hbm>> -> memref<16xf32, #tpu.memory_space<hbm>>
    tpu.enqueue_dma source(%dma_start3A_462 : memref<16xf32, #tpu.memory_space<hbm>>) target(%dma_start3A_460 : memref<16xf32, #tpu.memory_space<vmem>>) target_semaphore(%arg8 : memref<!tpu.dma_semaphore, #tpu.memory_space<semaphore_mem>>)
    %slice3A_463 = vector.extract_strided_slice %max3A_6 {offsets = [12], sizes = [1], strides = [1]} : vector<16xi32> to vector<1xi32>
    %squeeze3A_464 = vector.extract %slice3A_463[0] : i32 from vector<1xi32>
    %jit3A_465 = arith.constant 16 : i32
    %div3A_466 = arith.divsi %squeeze3A_464, %jit3A_465 : i32
    %sign3A_467 = arith.constant 0 : i32
    %sign3A_468 = arith.cmpi sgt, %squeeze3A_464, %sign3A_467 : i32
    %sign3A_469 = arith.extui %sign3A_468 : i1 to i32
    %sign3A_470 = arith.constant 0 : i32
    %sign3A_471 = arith.cmpi slt, %squeeze3A_464, %sign3A_470 : i32
    %sign3A_472 = arith.extui %sign3A_471 : i1 to i32
    %sign3A_473 = arith.subi %sign3A_469, %sign3A_472 : i32
    %sign3A_474 = arith.constant 0 : i32
    %sign3A_475 = arith.cmpi sgt, %jit3A_465, %sign3A_474 : i32
    %sign3A_476 = arith.extui %sign3A_475 : i1 to i32
    %sign3A_477 = arith.constant 0 : i32
    %sign3A_478 = arith.cmpi slt, %jit3A_465, %sign3A_477 : i32
    %sign3A_479 = arith.extui %sign3A_478 : i1 to i32
    %sign3A_480 = arith.subi %sign3A_476, %sign3A_479 : i32
    %ne3A_481 = arith.cmpi ne, %sign3A_473, %sign3A_480 : i32
    %rem3A_482 = arith.remsi %squeeze3A_464, %jit3A_465 : i32
    %ne3A_483 = arith.constant 0 : i32
    %ne3A_484 = arith.cmpi ne, %rem3A_482, %ne3A_483 : i32
    %and3A_485 = arith.andi %ne3A_481, %ne3A_484 : i1
    %sub3A_486 = arith.constant 1 : i32
    %sub3A_487 = arith.subi %div3A_466, %sub3A_486 : i32
    %select_n3A_488 = arith.select %and3A_485, %sub3A_487, %div3A_466 : i32
    %mul3A_489 = arith.constant 16 : i32
    %mul3A_490 = arith.muli %select_n3A_488, %mul3A_489 : i32
    %multiple_of3A_491 = tpu.assume_multiple %mul3A_490, 16 : i32
    %add3A_492 = arith.constant 12 : i32
    %add3A_493 = arith.addi %mul3A_2, %add3A_492 : i32
    %dma_start3A_494 = arith.constant 192 : i32
    %dma_start3A_495 = tpu.memref_slice %arg6[%dma_start3A_494] : memref<512xf32, #tpu.memory_space<vmem>> -> memref<16xf32, #tpu.memory_space<vmem>>
    %dma_start3A_496 = tpu.memref_slice %arg2[%add3A_493, %multiple_of3A_491] : memref<1024x100000xf32, #tpu.memory_space<hbm>> -> memref<1x16xf32, #tpu.memory_space<hbm>>
    %dma_start3A_497 = tpu.memref_squeeze %dma_start3A_496 : memref<1x16xf32, #tpu.memory_space<hbm>> -> memref<16xf32, #tpu.memory_space<hbm>>
    %dma_start3A_498 = arith.constant 192 : i32
    %dma_start3A_499 = tpu.memref_slice %arg6[%dma_start3A_498] : memref<512xf32, #tpu.memory_space<vmem>> -> memref<16xf32, #tpu.memory_space<vmem>>
    %dma_start3A_500 = tpu.memref_slice %arg2[%add3A_493, %multiple_of3A_491] : memref<1024x100000xf32, #tpu.memory_space<hbm>> -> memref<1x16xf32, #tpu.memory_space<hbm>>
    %dma_start3A_501 = tpu.memref_squeeze %dma_start3A_500 : memref<1x16xf32, #tpu.memory_space<hbm>> -> memref<16xf32, #tpu.memory_space<hbm>>
    tpu.enqueue_dma source(%dma_start3A_501 : memref<16xf32, #tpu.memory_space<hbm>>) target(%dma_start3A_499 : memref<16xf32, #tpu.memory_space<vmem>>) target_semaphore(%arg8 : memref<!tpu.dma_semaphore, #tpu.memory_space<semaphore_mem>>)
    %slice3A_502 = vector.extract_strided_slice %max3A_6 {offsets = [13], sizes = [1], strides = [1]} : vector<16xi32> to vector<1xi32>
    %squeeze3A_503 = vector.extract %slice3A_502[0] : i32 from vector<1xi32>
    %jit3A_504 = arith.constant 16 : i32
    %div3A_505 = arith.divsi %squeeze3A_503, %jit3A_504 : i32
    %sign3A_506 = arith.constant 0 : i32
    %sign3A_507 = arith.cmpi sgt, %squeeze3A_503, %sign3A_506 : i32
    %sign3A_508 = arith.extui %sign3A_507 : i1 to i32
    %sign3A_509 = arith.constant 0 : i32
    %sign3A_510 = arith.cmpi slt, %squeeze3A_503, %sign3A_509 : i32
    %sign3A_511 = arith.extui %sign3A_510 : i1 to i32
    %sign3A_512 = arith.subi %sign3A_508, %sign3A_511 : i32
    %sign3A_513 = arith.constant 0 : i32
    %sign3A_514 = arith.cmpi sgt, %jit3A_504, %sign3A_513 : i32
    %sign3A_515 = arith.extui %sign3A_514 : i1 to i32
    %sign3A_516 = arith.constant 0 : i32
    %sign3A_517 = arith.cmpi slt, %jit3A_504, %sign3A_516 : i32
    %sign3A_518 = arith.extui %sign3A_517 : i1 to i32
    %sign3A_519 = arith.subi %sign3A_515, %sign3A_518 : i32
    %ne3A_520 = arith.cmpi ne, %sign3A_512, %sign3A_519 : i32
    %rem3A_521 = arith.remsi %squeeze3A_503, %jit3A_504 : i32
    %ne3A_522 = arith.constant 0 : i32
    %ne3A_523 = arith.cmpi ne, %rem3A_521, %ne3A_522 : i32
    %and3A_524 = arith.andi %ne3A_520, %ne3A_523 : i1
    %sub3A_525 = arith.constant 1 : i32
    %sub3A_526 = arith.subi %div3A_505, %sub3A_525 : i32
    %select_n3A_527 = arith.select %and3A_524, %sub3A_526, %div3A_505 : i32
    %mul3A_528 = arith.constant 16 : i32
    %mul3A_529 = arith.muli %select_n3A_527, %mul3A_528 : i32
    %multiple_of3A_530 = tpu.assume_multiple %mul3A_529, 16 : i32
    %add3A_531 = arith.constant 13 : i32
    %add3A_532 = arith.addi %mul3A_2, %add3A_531 : i32
    %dma_start3A_533 = arith.constant 208 : i32
    %dma_start3A_534 = tpu.memref_slice %arg6[%dma_start3A_533] : memref<512xf32, #tpu.memory_space<vmem>> -> memref<16xf32, #tpu.memory_space<vmem>>
    %dma_start3A_535 = tpu.memref_slice %arg2[%add3A_532, %multiple_of3A_530] : memref<1024x100000xf32, #tpu.memory_space<hbm>> -> memref<1x16xf32, #tpu.memory_space<hbm>>
    %dma_start3A_536 = tpu.memref_squeeze %dma_start3A_535 : memref<1x16xf32, #tpu.memory_space<hbm>> -> memref<16xf32, #tpu.memory_space<hbm>>
    %dma_start3A_537 = arith.constant 208 : i32
    %dma_start3A_538 = tpu.memref_slice %arg6[%dma_start3A_537] : memref<512xf32, #tpu.memory_space<vmem>> -> memref<16xf32, #tpu.memory_space<vmem>>
    %dma_start3A_539 = tpu.memref_slice %arg2[%add3A_532, %multiple_of3A_530] : memref<1024x100000xf32, #tpu.memory_space<hbm>> -> memref<1x16xf32, #tpu.memory_space<hbm>>
    %dma_start3A_540 = tpu.memref_squeeze %dma_start3A_539 : memref<1x16xf32, #tpu.memory_space<hbm>> -> memref<16xf32, #tpu.memory_space<hbm>>
    tpu.enqueue_dma source(%dma_start3A_540 : memref<16xf32, #tpu.memory_space<hbm>>) target(%dma_start3A_538 : memref<16xf32, #tpu.memory_space<vmem>>) target_semaphore(%arg8 : memref<!tpu.dma_semaphore, #tpu.memory_space<semaphore_mem>>)
    %slice3A_541 = vector.extract_strided_slice %max3A_6 {offsets = [14], sizes = [1], strides = [1]} : vector<16xi32> to vector<1xi32>
    %squeeze3A_542 = vector.extract %slice3A_541[0] : i32 from vector<1xi32>
    %jit3A_543 = arith.constant 16 : i32
    %div3A_544 = arith.divsi %squeeze3A_542, %jit3A_543 : i32
    %sign3A_545 = arith.constant 0 : i32
    %sign3A_546 = arith.cmpi sgt, %squeeze3A_542, %sign3A_545 : i32
    %sign3A_547 = arith.extui %sign3A_546 : i1 to i32
    %sign3A_548 = arith.constant 0 : i32
    %sign3A_549 = arith.cmpi slt, %squeeze3A_542, %sign3A_548 : i32
    %sign3A_550 = arith.extui %sign3A_549 : i1 to i32
    %sign3A_551 = arith.subi %sign3A_547, %sign3A_550 : i32
    %sign3A_552 = arith.constant 0 : i32
    %sign3A_553 = arith.cmpi sgt, %jit3A_543, %sign3A_552 : i32
    %sign3A_554 = arith.extui %sign3A_553 : i1 to i32
    %sign3A_555 = arith.constant 0 : i32
    %sign3A_556 = arith.cmpi slt, %jit3A_543, %sign3A_555 : i32
    %sign3A_557 = arith.extui %sign3A_556 : i1 to i32
    %sign3A_558 = arith.subi %sign3A_554, %sign3A_557 : i32
    %ne3A_559 = arith.cmpi ne, %sign3A_551, %sign3A_558 : i32
    %rem3A_560 = arith.remsi %squeeze3A_542, %jit3A_543 : i32
    %ne3A_561 = arith.constant 0 : i32
    %ne3A_562 = arith.cmpi ne, %rem3A_560, %ne3A_561 : i32
    %and3A_563 = arith.andi %ne3A_559, %ne3A_562 : i1
    %sub3A_564 = arith.constant 1 : i32
    %sub3A_565 = arith.subi %div3A_544, %sub3A_564 : i32
    %select_n3A_566 = arith.select %and3A_563, %sub3A_565, %div3A_544 : i32
    %mul3A_567 = arith.constant 16 : i32
    %mul3A_568 = arith.muli %select_n3A_566, %mul3A_567 : i32
    %multiple_of3A_569 = tpu.assume_multiple %mul3A_568, 16 : i32
    %add3A_570 = arith.constant 14 : i32
    %add3A_571 = arith.addi %mul3A_2, %add3A_570 : i32
    %dma_start3A_572 = arith.constant 224 : i32
    %dma_start3A_573 = tpu.memref_slice %arg6[%dma_start3A_572] : memref<512xf32, #tpu.memory_space<vmem>> -> memref<16xf32, #tpu.memory_space<vmem>>
    %dma_start3A_574 = tpu.memref_slice %arg2[%add3A_571, %multiple_of3A_569] : memref<1024x100000xf32, #tpu.memory_space<hbm>> -> memref<1x16xf32, #tpu.memory_space<hbm>>
    %dma_start3A_575 = tpu.memref_squeeze %dma_start3A_574 : memref<1x16xf32, #tpu.memory_space<hbm>> -> memref<16xf32, #tpu.memory_space<hbm>>
    %dma_start3A_576 = arith.constant 224 : i32
    %dma_start3A_577 = tpu.memref_slice %arg6[%dma_start3A_576] : memref<512xf32, #tpu.memory_space<vmem>> -> memref<16xf32, #tpu.memory_space<vmem>>
    %dma_start3A_578 = tpu.memref_slice %arg2[%add3A_571, %multiple_of3A_569] : memref<1024x100000xf32, #tpu.memory_space<hbm>> -> memref<1x16xf32, #tpu.memory_space<hbm>>
    %dma_start3A_579 = tpu.memref_squeeze %dma_start3A_578 : memref<1x16xf32, #tpu.memory_space<hbm>> -> memref<16xf32, #tpu.memory_space<hbm>>
    tpu.enqueue_dma source(%dma_start3A_579 : memref<16xf32, #tpu.memory_space<hbm>>) target(%dma_start3A_577 : memref<16xf32, #tpu.memory_space<vmem>>) target_semaphore(%arg8 : memref<!tpu.dma_semaphore, #tpu.memory_space<semaphore_mem>>)
    %slice3A_580 = vector.extract_strided_slice %max3A_6 {offsets = [15], sizes = [1], strides = [1]} : vector<16xi32> to vector<1xi32>
    %squeeze3A_581 = vector.extract %slice3A_580[0] : i32 from vector<1xi32>
    %jit3A_582 = arith.constant 16 : i32
    %div3A_583 = arith.divsi %squeeze3A_581, %jit3A_582 : i32
    %sign3A_584 = arith.constant 0 : i32
    %sign3A_585 = arith.cmpi sgt, %squeeze3A_581, %sign3A_584 : i32
    %sign3A_586 = arith.extui %sign3A_585 : i1 to i32
    %sign3A_587 = arith.constant 0 : i32
    %sign3A_588 = arith.cmpi slt, %squeeze3A_581, %sign3A_587 : i32
    %sign3A_589 = arith.extui %sign3A_588 : i1 to i32
    %sign3A_590 = arith.subi %sign3A_586, %sign3A_589 : i32
    %sign3A_591 = arith.constant 0 : i32
    %sign3A_592 = arith.cmpi sgt, %jit3A_582, %sign3A_591 : i32
    %sign3A_593 = arith.extui %sign3A_592 : i1 to i32
    %sign3A_594 = arith.constant 0 : i32
    %sign3A_595 = arith.cmpi slt, %jit3A_582, %sign3A_594 : i32
    %sign3A_596 = arith.extui %sign3A_595 : i1 to i32
    %sign3A_597 = arith.subi %sign3A_593, %sign3A_596 : i32
    %ne3A_598 = arith.cmpi ne, %sign3A_590, %sign3A_597 : i32
    %rem3A_599 = arith.remsi %squeeze3A_581, %jit3A_582 : i32
    %ne3A_600 = arith.constant 0 : i32
    %ne3A_601 = arith.cmpi ne, %rem3A_599, %ne3A_600 : i32
    %and3A_602 = arith.andi %ne3A_598, %ne3A_601 : i1
    %sub3A_603 = arith.constant 1 : i32
    %sub3A_604 = arith.subi %div3A_583, %sub3A_603 : i32
    %select_n3A_605 = arith.select %and3A_602, %sub3A_604, %div3A_583 : i32
    %mul3A_606 = arith.constant 16 : i32
    %mul3A_607 = arith.muli %select_n3A_605, %mul3A_606 : i32
    %multiple_of3A_608 = tpu.assume_multiple %mul3A_607, 16 : i32
    %add3A_609 = arith.constant 15 : i32
    %add3A_610 = arith.addi %mul3A_2, %add3A_609 : i32
    %dma_start3A_611 = arith.constant 240 : i32
    %dma_start3A_612 = tpu.memref_slice %arg6[%dma_start3A_611] : memref<512xf32, #tpu.memory_space<vmem>> -> memref<16xf32, #tpu.memory_space<vmem>>
    %dma_start3A_613 = tpu.memref_slice %arg2[%add3A_610, %multiple_of3A_608] : memref<1024x100000xf32, #tpu.memory_space<hbm>> -> memref<1x16xf32, #tpu.memory_space<hbm>>
    %dma_start3A_614 = tpu.memref_squeeze %dma_start3A_613 : memref<1x16xf32, #tpu.memory_space<hbm>> -> memref<16xf32, #tpu.memory_space<hbm>>
    %dma_start3A_615 = arith.constant 240 : i32
    %dma_start3A_616 = tpu.memref_slice %arg6[%dma_start3A_615] : memref<512xf32, #tpu.memory_space<vmem>> -> memref<16xf32, #tpu.memory_space<vmem>>
    %dma_start3A_617 = tpu.memref_slice %arg2[%add3A_610, %multiple_of3A_608] : memref<1024x100000xf32, #tpu.memory_space<hbm>> -> memref<1x16xf32, #tpu.memory_space<hbm>>
    %dma_start3A_618 = tpu.memref_squeeze %dma_start3A_617 : memref<1x16xf32, #tpu.memory_space<hbm>> -> memref<16xf32, #tpu.memory_space<hbm>>
    tpu.enqueue_dma source(%dma_start3A_618 : memref<16xf32, #tpu.memory_space<hbm>>) target(%dma_start3A_616 : memref<16xf32, #tpu.memory_space<vmem>>) target_semaphore(%arg8 : memref<!tpu.dma_semaphore, #tpu.memory_space<semaphore_mem>>)
    %get3A_619 = arith.constant 16 : index
    %get3A_620 = tpu.vector_load %arg5[%get3A_619] {strides = array<i32>} : memref<32xi32, #tpu.memory_space<vmem>>, vector<16xi32>,
    %get3A_621 = vector.shape_cast %get3A_620 : vector<16xi32> to vector<16xi32>
    %max3A_622 = arith.constant 0 : i32
    %max3A_623 = vector.broadcast %max3A_622 : i32 to vector<16xi32>
    %max3A_624 = arith.maxsi %get3A_621, %max3A_623 : vector<16xi32>
    %slice3A_625 = vector.extract_strided_slice %max3A_624 {offsets = [0], sizes = [1], strides = [1]} : vector<16xi32> to vector<1xi32>
    %squeeze3A_626 = vector.extract %slice3A_625[0] : i32 from vector<1xi32>
    %jit3A_627 = arith.constant 16 : i32
    %div3A_628 = arith.divsi %squeeze3A_626, %jit3A_627 : i32
    %sign3A_629 = arith.constant 0 : i32
    %sign3A_630 = arith.cmpi sgt, %squeeze3A_626, %sign3A_629 : i32
    %sign3A_631 = arith.extui %sign3A_630 : i1 to i32
    %sign3A_632 = arith.constant 0 : i32
    %sign3A_633 = arith.cmpi slt, %squeeze3A_626, %sign3A_632 : i32
    %sign3A_634 = arith.extui %sign3A_633 : i1 to i32
    %sign3A_635 = arith.subi %sign3A_631, %sign3A_634 : i32
    %sign3A_636 = arith.constant 0 : i32
    %sign3A_637 = arith.cmpi sgt, %jit3A_627, %sign3A_636 : i32
    %sign3A_638 = arith.extui %sign3A_637 : i1 to i32
    %sign3A_639 = arith.constant 0 : i32
    %sign3A_640 = arith.cmpi slt, %jit3A_627, %sign3A_639 : i32
    %sign3A_641 = arith.extui %sign3A_640 : i1 to i32
    %sign3A_642 = arith.subi %sign3A_638, %sign3A_641 : i32
    %ne3A_643 = arith.cmpi ne, %sign3A_635, %sign3A_642 : i32
    %rem3A_644 = arith.remsi %squeeze3A_626, %jit3A_627 : i32
    %ne3A_645 = arith.constant 0 : i32
    %ne3A_646 = arith.cmpi ne, %rem3A_644, %ne3A_645 : i32
    %and3A_647 = arith.andi %ne3A_643, %ne3A_646 : i1
    %sub3A_648 = arith.constant 1 : i32
    %sub3A_649 = arith.subi %div3A_628, %sub3A_648 : i32
    %select_n3A_650 = arith.select %and3A_647, %sub3A_649, %div3A_628 : i32
    %mul3A_651 = arith.constant 16 : i32
    %mul3A_652 = arith.muli %select_n3A_650, %mul3A_651 : i32
    %multiple_of3A_653 = tpu.assume_multiple %mul3A_652, 16 : i32
    %add3A_654 = arith.constant 16 : i32
    %add3A_655 = arith.addi %mul3A_2, %add3A_654 : i32
    %dma_start3A_656 = arith.constant 256 : i32
    %dma_start3A_657 = tpu.memref_slice %arg6[%dma_start3A_656] : memref<512xf32, #tpu.memory_space<vmem>> -> memref<16xf32, #tpu.memory_space<vmem>>
    %dma_start3A_658 = tpu.memref_slice %arg2[%add3A_655, %multiple_of3A_653] : memref<1024x100000xf32, #tpu.memory_space<hbm>> -> memref<1x16xf32, #tpu.memory_space<hbm>>
    %dma_start3A_659 = tpu.memref_squeeze %dma_start3A_658 : memref<1x16xf32, #tpu.memory_space<hbm>> -> memref<16xf32, #tpu.memory_space<hbm>>
    %dma_start3A_660 = arith.constant 256 : i32
    %dma_start3A_661 = tpu.memref_slice %arg6[%dma_start3A_660] : memref<512xf32, #tpu.memory_space<vmem>> -> memref<16xf32, #tpu.memory_space<vmem>>
    %dma_start3A_662 = tpu.memref_slice %arg2[%add3A_655, %multiple_of3A_653] : memref<1024x100000xf32, #tpu.memory_space<hbm>> -> memref<1x16xf32, #tpu.memory_space<hbm>>
    %dma_start3A_663 = tpu.memref_squeeze %dma_start3A_662 : memref<1x16xf32, #tpu.memory_space<hbm>> -> memref<16xf32, #tpu.memory_space<hbm>>
    tpu.enqueue_dma source(%dma_start3A_663 : memref<16xf32, #tpu.memory_space<hbm>>) target(%dma_start3A_661 : memref<16xf32, #tpu.memory_space<vmem>>) target_semaphore(%arg8 : memref<!tpu.dma_semaphore, #tpu.memory_space<semaphore_mem>>)
    %slice3A_664 = vector.extract_strided_slice %max3A_624 {offsets = [1], sizes = [1], strides = [1]} : vector<16xi32> to vector<1xi32>
    %squeeze3A_665 = vector.extract %slice3A_664[0] : i32 from vector<1xi32>
    %jit3A_666 = arith.constant 16 : i32
    %div3A_667 = arith.divsi %squeeze3A_665, %jit3A_666 : i32
    %sign3A_668 = arith.constant 0 : i32
    %sign3A_669 = arith.cmpi sgt, %squeeze3A_665, %sign3A_668 : i32
    %sign3A_670 = arith.extui %sign3A_669 : i1 to i32
    %sign3A_671 = arith.constant 0 : i32
    %sign3A_672 = arith.cmpi slt, %squeeze3A_665, %sign3A_671 : i32
    %sign3A_673 = arith.extui %sign3A_672 : i1 to i32
    %sign3A_674 = arith.subi %sign3A_670, %sign3A_673 : i32
    %sign3A_675 = arith.constant 0 : i32
    %sign3A_676 = arith.cmpi sgt, %jit3A_666, %sign3A_675 : i32
    %sign3A_677 = arith.extui %sign3A_676 : i1 to i32
    %sign3A_678 = arith.constant 0 : i32
    %sign3A_679 = arith.cmpi slt, %jit3A_666, %sign3A_678 : i32
    %sign3A_680 = arith.extui %sign3A_679 : i1 to i32
    %sign3A_681 = arith.subi %sign3A_677, %sign3A_680 : i32
    %ne3A_682 = arith.cmpi ne, %sign3A_674, %sign3A_681 : i32
    %rem3A_683 = arith.remsi %squeeze3A_665, %jit3A_666 : i32
    %ne3A_684 = arith.constant 0 : i32
    %ne3A_685 = arith.cmpi ne, %rem3A_683, %ne3A_684 : i32
    %and3A_686 = arith.andi %ne3A_682, %ne3A_685 : i1
    %sub3A_687 = arith.constant 1 : i32
    %sub3A_688 = arith.subi %div3A_667, %sub3A_687 : i32
    %select_n3A_689 = arith.select %and3A_686, %sub3A_688, %div3A_667 : i32
    %mul3A_690 = arith.constant 16 : i32
    %mul3A_691 = arith.muli %select_n3A_689, %mul3A_690 : i32
    %multiple_of3A_692 = tpu.assume_multiple %mul3A_691, 16 : i32
    %add3A_693 = arith.constant 17 : i32
    %add3A_694 = arith.addi %mul3A_2, %add3A_693 : i32
    %dma_start3A_695 = arith.constant 272 : i32
    %dma_start3A_696 = tpu.memref_slice %arg6[%dma_start3A_695] : memref<512xf32, #tpu.memory_space<vmem>> -> memref<16xf32, #tpu.memory_space<vmem>>
    %dma_start3A_697 = tpu.memref_slice %arg2[%add3A_694, %multiple_of3A_692] : memref<1024x100000xf32, #tpu.memory_space<hbm>> -> memref<1x16xf32, #tpu.memory_space<hbm>>
    %dma_start3A_698 = tpu.memref_squeeze %dma_start3A_697 : memref<1x16xf32, #tpu.memory_space<hbm>> -> memref<16xf32, #tpu.memory_space<hbm>>
    %dma_start3A_699 = arith.constant 272 : i32
    %dma_start3A_700 = tpu.memref_slice %arg6[%dma_start3A_699] : memref<512xf32, #tpu.memory_space<vmem>> -> memref<16xf32, #tpu.memory_space<vmem>>
    %dma_start3A_701 = tpu.memref_slice %arg2[%add3A_694, %multiple_of3A_692] : memref<1024x100000xf32, #tpu.memory_space<hbm>> -> memref<1x16xf32, #tpu.memory_space<hbm>>
    %dma_start3A_702 = tpu.memref_squeeze %dma_start3A_701 : memref<1x16xf32, #tpu.memory_space<hbm>> -> memref<16xf32, #tpu.memory_space<hbm>>
    tpu.enqueue_dma source(%dma_start3A_702 : memref<16xf32, #tpu.memory_space<hbm>>) target(%dma_start3A_700 : memref<16xf32, #tpu.memory_space<vmem>>) target_semaphore(%arg8 : memref<!tpu.dma_semaphore, #tpu.memory_space<semaphore_mem>>)
    %slice3A_703 = vector.extract_strided_slice %max3A_624 {offsets = [2], sizes = [1], strides = [1]} : vector<16xi32> to vector<1xi32>
    %squeeze3A_704 = vector.extract %slice3A_703[0] : i32 from vector<1xi32>
    %jit3A_705 = arith.constant 16 : i32
    %div3A_706 = arith.divsi %squeeze3A_704, %jit3A_705 : i32
    %sign3A_707 = arith.constant 0 : i32
    %sign3A_708 = arith.cmpi sgt, %squeeze3A_704, %sign3A_707 : i32
    %sign3A_709 = arith.extui %sign3A_708 : i1 to i32
    %sign3A_710 = arith.constant 0 : i32
    %sign3A_711 = arith.cmpi slt, %squeeze3A_704, %sign3A_710 : i32
    %sign3A_712 = arith.extui %sign3A_711 : i1 to i32
    %sign3A_713 = arith.subi %sign3A_709, %sign3A_712 : i32
    %sign3A_714 = arith.constant 0 : i32
    %sign3A_715 = arith.cmpi sgt, %jit3A_705, %sign3A_714 : i32
    %sign3A_716 = arith.extui %sign3A_715 : i1 to i32
    %sign3A_717 = arith.constant 0 : i32
    %sign3A_718 = arith.cmpi slt, %jit3A_705, %sign3A_717 : i32
    %sign3A_719 = arith.extui %sign3A_718 : i1 to i32
    %sign3A_720 = arith.subi %sign3A_716, %sign3A_719 : i32
    %ne3A_721 = arith.cmpi ne, %sign3A_713, %sign3A_720 : i32
    %rem3A_722 = arith.remsi %squeeze3A_704, %jit3A_705 : i32
    %ne3A_723 = arith.constant 0 : i32
    %ne3A_724 = arith.cmpi ne, %rem3A_722, %ne3A_723 : i32
    %and3A_725 = arith.andi %ne3A_721, %ne3A_724 : i1
    %sub3A_726 = arith.constant 1 : i32
    %sub3A_727 = arith.subi %div3A_706, %sub3A_726 : i32
    %select_n3A_728 = arith.select %and3A_725, %sub3A_727, %div3A_706 : i32
    %mul3A_729 = arith.constant 16 : i32
    %mul3A_730 = arith.muli %select_n3A_728, %mul3A_729 : i32
    %multiple_of3A_731 = tpu.assume_multiple %mul3A_730, 16 : i32
    %add3A_732 = arith.constant 18 : i32
    %add3A_733 = arith.addi %mul3A_2, %add3A_732 : i32
    %dma_start3A_734 = arith.constant 288 : i32
    %dma_start3A_735 = tpu.memref_slice %arg6[%dma_start3A_734] : memref<512xf32, #tpu.memory_space<vmem>> -> memref<16xf32, #tpu.memory_space<vmem>>
    %dma_start3A_736 = tpu.memref_slice %arg2[%add3A_733, %multiple_of3A_731] : memref<1024x100000xf32, #tpu.memory_space<hbm>> -> memref<1x16xf32, #tpu.memory_space<hbm>>
    %dma_start3A_737 = tpu.memref_squeeze %dma_start3A_736 : memref<1x16xf32, #tpu.memory_space<hbm>> -> memref<16xf32, #tpu.memory_space<hbm>>
    %dma_start3A_738 = arith.constant 288 : i32
    %dma_start3A_739 = tpu.memref_slice %arg6[%dma_start3A_738] : memref<512xf32, #tpu.memory_space<vmem>> -> memref<16xf32, #tpu.memory_space<vmem>>
    %dma_start3A_740 = tpu.memref_slice %arg2[%add3A_733, %multiple_of3A_731] : memref<1024x100000xf32, #tpu.memory_space<hbm>> -> memref<1x16xf32, #tpu.memory_space<hbm>>
    %dma_start3A_741 = tpu.memref_squeeze %dma_start3A_740 : memref<1x16xf32, #tpu.memory_space<hbm>> -> memref<16xf32, #tpu.memory_space<hbm>>
    tpu.enqueue_dma source(%dma_start3A_741 : memref<16xf32, #tpu.memory_space<hbm>>) target(%dma_start3A_739 : memref<16xf32, #tpu.memory_space<vmem>>) target_semaphore(%arg8 : memref<!tpu.dma_semaphore, #tpu.memory_space<semaphore_mem>>)
    %slice3A_742 = vector.extract_strided_slice %max3A_624 {offsets = [3], sizes = [1], strides = [1]} : vector<16xi32> to vector<1xi32>
    %squeeze3A_743 = vector.extract %slice3A_742[0] : i32 from vector<1xi32>
    %jit3A_744 = arith.constant 16 : i32
    %div3A_745 = arith.divsi %squeeze3A_743, %jit3A_744 : i32
    %sign3A_746 = arith.constant 0 : i32
    %sign3A_747 = arith.cmpi sgt, %squeeze3A_743, %sign3A_746 : i32
    %sign3A_748 = arith.extui %sign3A_747 : i1 to i32
    %sign3A_749 = arith.constant 0 : i32
    %sign3A_750 = arith.cmpi slt, %squeeze3A_743, %sign3A_749 : i32
    %sign3A_751 = arith.extui %sign3A_750 : i1 to i32
    %sign3A_752 = arith.subi %sign3A_748, %sign3A_751 : i32
    %sign3A_753 = arith.constant 0 : i32
    %sign3A_754 = arith.cmpi sgt, %jit3A_744, %sign3A_753 : i32
    %sign3A_755 = arith.extui %sign3A_754 : i1 to i32
    %sign3A_756 = arith.constant 0 : i32
    %sign3A_757 = arith.cmpi slt, %jit3A_744, %sign3A_756 : i32
    %sign3A_758 = arith.extui %sign3A_757 : i1 to i32
    %sign3A_759 = arith.subi %sign3A_755, %sign3A_758 : i32
    %ne3A_760 = arith.cmpi ne, %sign3A_752, %sign3A_759 : i32
    %rem3A_761 = arith.remsi %squeeze3A_743, %jit3A_744 : i32
    %ne3A_762 = arith.constant 0 : i32
    %ne3A_763 = arith.cmpi ne, %rem3A_761, %ne3A_762 : i32
    %and3A_764 = arith.andi %ne3A_760, %ne3A_763 : i1
    %sub3A_765 = arith.constant 1 : i32
    %sub3A_766 = arith.subi %div3A_745, %sub3A_765 : i32
    %select_n3A_767 = arith.select %and3A_764, %sub3A_766, %div3A_745 : i32
    %mul3A_768 = arith.constant 16 : i32
    %mul3A_769 = arith.muli %select_n3A_767, %mul3A_768 : i32
    %multiple_of3A_770 = tpu.assume_multiple %mul3A_769, 16 : i32
    %add3A_771 = arith.constant 19 : i32
    %add3A_772 = arith.addi %mul3A_2, %add3A_771 : i32
    %dma_start3A_773 = arith.constant 304 : i32
    %dma_start3A_774 = tpu.memref_slice %arg6[%dma_start3A_773] : memref<512xf32, #tpu.memory_space<vmem>> -> memref<16xf32, #tpu.memory_space<vmem>>
    %dma_start3A_775 = tpu.memref_slice %arg2[%add3A_772, %multiple_of3A_770] : memref<1024x100000xf32, #tpu.memory_space<hbm>> -> memref<1x16xf32, #tpu.memory_space<hbm>>
    %dma_start3A_776 = tpu.memref_squeeze %dma_start3A_775 : memref<1x16xf32, #tpu.memory_space<hbm>> -> memref<16xf32, #tpu.memory_space<hbm>>
    %dma_start3A_777 = arith.constant 304 : i32
    %dma_start3A_778 = tpu.memref_slice %arg6[%dma_start3A_777] : memref<512xf32, #tpu.memory_space<vmem>> -> memref<16xf32, #tpu.memory_space<vmem>>
    %dma_start3A_779 = tpu.memref_slice %arg2[%add3A_772, %multiple_of3A_770] : memref<1024x100000xf32, #tpu.memory_space<hbm>> -> memref<1x16xf32, #tpu.memory_space<hbm>>
    %dma_start3A_780 = tpu.memref_squeeze %dma_start3A_779 : memref<1x16xf32, #tpu.memory_space<hbm>> -> memref<16xf32, #tpu.memory_space<hbm>>
    tpu.enqueue_dma source(%dma_start3A_780 : memref<16xf32, #tpu.memory_space<hbm>>) target(%dma_start3A_778 : memref<16xf32, #tpu.memory_space<vmem>>) target_semaphore(%arg8 : memref<!tpu.dma_semaphore, #tpu.memory_space<semaphore_mem>>)
    %slice3A_781 = vector.extract_strided_slice %max3A_624 {offsets = [4], sizes = [1], strides = [1]} : vector<16xi32> to vector<1xi32>
    %squeeze3A_782 = vector.extract %slice3A_781[0] : i32 from vector<1xi32>
    %jit3A_783 = arith.constant 16 : i32
    %div3A_784 = arith.divsi %squeeze3A_782, %jit3A_783 : i32
    %sign3A_785 = arith.constant 0 : i32
    %sign3A_786 = arith.cmpi sgt, %squeeze3A_782, %sign3A_785 : i32
    %sign3A_787 = arith.extui %sign3A_786 : i1 to i32
    %sign3A_788 = arith.constant 0 : i32
    %sign3A_789 = arith.cmpi slt, %squeeze3A_782, %sign3A_788 : i32
    %sign3A_790 = arith.extui %sign3A_789 : i1 to i32
    %sign3A_791 = arith.subi %sign3A_787, %sign3A_790 : i32
    %sign3A_792 = arith.constant 0 : i32
    %sign3A_793 = arith.cmpi sgt, %jit3A_783, %sign3A_792 : i32
    %sign3A_794 = arith.extui %sign3A_793 : i1 to i32
    %sign3A_795 = arith.constant 0 : i32
    %sign3A_796 = arith.cmpi slt, %jit3A_783, %sign3A_795 : i32
    %sign3A_797 = arith.extui %sign3A_796 : i1 to i32
    %sign3A_798 = arith.subi %sign3A_794, %sign3A_797 : i32
    %ne3A_799 = arith.cmpi ne, %sign3A_791, %sign3A_798 : i32
    %rem3A_800 = arith.remsi %squeeze3A_782, %jit3A_783 : i32
    %ne3A_801 = arith.constant 0 : i32
    %ne3A_802 = arith.cmpi ne, %rem3A_800, %ne3A_801 : i32
    %and3A_803 = arith.andi %ne3A_799, %ne3A_802 : i1
    %sub3A_804 = arith.constant 1 : i32
    %sub3A_805 = arith.subi %div3A_784, %sub3A_804 : i32
    %select_n3A_806 = arith.select %and3A_803, %sub3A_805, %div3A_784 : i32
    %mul3A_807 = arith.constant 16 : i32
    %mul3A_808 = arith.muli %select_n3A_806, %mul3A_807 : i32
    %multiple_of3A_809 = tpu.assume_multiple %mul3A_808, 16 : i32
    %add3A_810 = arith.constant 20 : i32
    %add3A_811 = arith.addi %mul3A_2, %add3A_810 : i32
    %dma_start3A_812 = arith.constant 320 : i32
    %dma_start3A_813 = tpu.memref_slice %arg6[%dma_start3A_812] : memref<512xf32, #tpu.memory_space<vmem>> -> memref<16xf32, #tpu.memory_space<vmem>>
    %dma_start3A_814 = tpu.memref_slice %arg2[%add3A_811, %multiple_of3A_809] : memref<1024x100000xf32, #tpu.memory_space<hbm>> -> memref<1x16xf32, #tpu.memory_space<hbm>>
    %dma_start3A_815 = tpu.memref_squeeze %dma_start3A_814 : memref<1x16xf32, #tpu.memory_space<hbm>> -> memref<16xf32, #tpu.memory_space<hbm>>
    %dma_start3A_816 = arith.constant 320 : i32
    %dma_start3A_817 = tpu.memref_slice %arg6[%dma_start3A_816] : memref<512xf32, #tpu.memory_space<vmem>> -> memref<16xf32, #tpu.memory_space<vmem>>
    %dma_start3A_818 = tpu.memref_slice %arg2[%add3A_811, %multiple_of3A_809] : memref<1024x100000xf32, #tpu.memory_space<hbm>> -> memref<1x16xf32, #tpu.memory_space<hbm>>
    %dma_start3A_819 = tpu.memref_squeeze %dma_start3A_818 : memref<1x16xf32, #tpu.memory_space<hbm>> -> memref<16xf32, #tpu.memory_space<hbm>>
    tpu.enqueue_dma source(%dma_start3A_819 : memref<16xf32, #tpu.memory_space<hbm>>) target(%dma_start3A_817 : memref<16xf32, #tpu.memory_space<vmem>>) target_semaphore(%arg8 : memref<!tpu.dma_semaphore, #tpu.memory_space<semaphore_mem>>)
    %slice3A_820 = vector.extract_strided_slice %max3A_624 {offsets = [5], sizes = [1], strides = [1]} : vector<16xi32> to vector<1xi32>
    %squeeze3A_821 = vector.extract %slice3A_820[0] : i32 from vector<1xi32>
    %jit3A_822 = arith.constant 16 : i32
    %div3A_823 = arith.divsi %squeeze3A_821, %jit3A_822 : i32
    %sign3A_824 = arith.constant 0 : i32
    %sign3A_825 = arith.cmpi sgt, %squeeze3A_821, %sign3A_824 : i32
    %sign3A_826 = arith.extui %sign3A_825 : i1 to i32
    %sign3A_827 = arith.constant 0 : i32
    %sign3A_828 = arith.cmpi slt, %squeeze3A_821, %sign3A_827 : i32
    %sign3A_829 = arith.extui %sign3A_828 : i1 to i32
    %sign3A_830 = arith.subi %sign3A_826, %sign3A_829 : i32
    %sign3A_831 = arith.constant 0 : i32
    %sign3A_832 = arith.cmpi sgt, %jit3A_822, %sign3A_831 : i32
    %sign3A_833 = arith.extui %sign3A_832 : i1 to i32
    %sign3A_834 = arith.constant 0 : i32
    %sign3A_835 = arith.cmpi slt, %jit3A_822, %sign3A_834 : i32
    %sign3A_836 = arith.extui %sign3A_835 : i1 to i32
    %sign3A_837 = arith.subi %sign3A_833, %sign3A_836 : i32
    %ne3A_838 = arith.cmpi ne, %sign3A_830, %sign3A_837 : i32
    %rem3A_839 = arith.remsi %squeeze3A_821, %jit3A_822 : i32
    %ne3A_840 = arith.constant 0 : i32
    %ne3A_841 = arith.cmpi ne, %rem3A_839, %ne3A_840 : i32
    %and3A_842 = arith.andi %ne3A_838, %ne3A_841 : i1
    %sub3A_843 = arith.constant 1 : i32
    %sub3A_844 = arith.subi %div3A_823, %sub3A_843 : i32
    %select_n3A_845 = arith.select %and3A_842, %sub3A_844, %div3A_823 : i32
    %mul3A_846 = arith.constant 16 : i32
    %mul3A_847 = arith.muli %select_n3A_845, %mul3A_846 : i32
    %multiple_of3A_848 = tpu.assume_multiple %mul3A_847, 16 : i32
    %add3A_849 = arith.constant 21 : i32
    %add3A_850 = arith.addi %mul3A_2, %add3A_849 : i32
    %dma_start3A_851 = arith.constant 336 : i32
    %dma_start3A_852 = tpu.memref_slice %arg6[%dma_start3A_851] : memref<512xf32, #tpu.memory_space<vmem>> -> memref<16xf32, #tpu.memory_space<vmem>>
    %dma_start3A_853 = tpu.memref_slice %arg2[%add3A_850, %multiple_of3A_848] : memref<1024x100000xf32, #tpu.memory_space<hbm>> -> memref<1x16xf32, #tpu.memory_space<hbm>>
    %dma_start3A_854 = tpu.memref_squeeze %dma_start3A_853 : memref<1x16xf32, #tpu.memory_space<hbm>> -> memref<16xf32, #tpu.memory_space<hbm>>
    %dma_start3A_855 = arith.constant 336 : i32
    %dma_start3A_856 = tpu.memref_slice %arg6[%dma_start3A_855] : memref<512xf32, #tpu.memory_space<vmem>> -> memref<16xf32, #tpu.memory_space<vmem>>
    %dma_start3A_857 = tpu.memref_slice %arg2[%add3A_850, %multiple_of3A_848] : memref<1024x100000xf32, #tpu.memory_space<hbm>> -> memref<1x16xf32, #tpu.memory_space<hbm>>
    %dma_start3A_858 = tpu.memref_squeeze %dma_start3A_857 : memref<1x16xf32, #tpu.memory_space<hbm>> -> memref<16xf32, #tpu.memory_space<hbm>>
    tpu.enqueue_dma source(%dma_start3A_858 : memref<16xf32, #tpu.memory_space<hbm>>) target(%dma_start3A_856 : memref<16xf32, #tpu.memory_space<vmem>>) target_semaphore(%arg8 : memref<!tpu.dma_semaphore, #tpu.memory_space<semaphore_mem>>)
    %slice3A_859 = vector.extract_strided_slice %max3A_624 {offsets = [6], sizes = [1], strides = [1]} : vector<16xi32> to vector<1xi32>
    %squeeze3A_860 = vector.extract %slice3A_859[0] : i32 from vector<1xi32>
    %jit3A_861 = arith.constant 16 : i32
    %div3A_862 = arith.divsi %squeeze3A_860, %jit3A_861 : i32
    %sign3A_863 = arith.constant 0 : i32
    %sign3A_864 = arith.cmpi sgt, %squeeze3A_860, %sign3A_863 : i32
    %sign3A_865 = arith.extui %sign3A_864 : i1 to i32
    %sign3A_866 = arith.constant 0 : i32
    %sign3A_867 = arith.cmpi slt, %squeeze3A_860, %sign3A_866 : i32
    %sign3A_868 = arith.extui %sign3A_867 : i1 to i32
    %sign3A_869 = arith.subi %sign3A_865, %sign3A_868 : i32
    %sign3A_870 = arith.constant 0 : i32
    %sign3A_871 = arith.cmpi sgt, %jit3A_861, %sign3A_870 : i32
    %sign3A_872 = arith.extui %sign3A_871 : i1 to i32
    %sign3A_873 = arith.constant 0 : i32
    %sign3A_874 = arith.cmpi slt, %jit3A_861, %sign3A_873 : i32
    %sign3A_875 = arith.extui %sign3A_874 : i1 to i32
    %sign3A_876 = arith.subi %sign3A_872, %sign3A_875 : i32
    %ne3A_877 = arith.cmpi ne, %sign3A_869, %sign3A_876 : i32
    %rem3A_878 = arith.remsi %squeeze3A_860, %jit3A_861 : i32
    %ne3A_879 = arith.constant 0 : i32
    %ne3A_880 = arith.cmpi ne, %rem3A_878, %ne3A_879 : i32
    %and3A_881 = arith.andi %ne3A_877, %ne3A_880 : i1
    %sub3A_882 = arith.constant 1 : i32
    %sub3A_883 = arith.subi %div3A_862, %sub3A_882 : i32
    %select_n3A_884 = arith.select %and3A_881, %sub3A_883, %div3A_862 : i32
    %mul3A_885 = arith.constant 16 : i32
    %mul3A_886 = arith.muli %select_n3A_884, %mul3A_885 : i32
    %multiple_of3A_887 = tpu.assume_multiple %mul3A_886, 16 : i32
    %add3A_888 = arith.constant 22 : i32
    %add3A_889 = arith.addi %mul3A_2, %add3A_888 : i32
    %dma_start3A_890 = arith.constant 352 : i32
    %dma_start3A_891 = tpu.memref_slice %arg6[%dma_start3A_890] : memref<512xf32, #tpu.memory_space<vmem>> -> memref<16xf32, #tpu.memory_space<vmem>>
    %dma_start3A_892 = tpu.memref_slice %arg2[%add3A_889, %multiple_of3A_887] : memref<1024x100000xf32, #tpu.memory_space<hbm>> -> memref<1x16xf32, #tpu.memory_space<hbm>>
    %dma_start3A_893 = tpu.memref_squeeze %dma_start3A_892 : memref<1x16xf32, #tpu.memory_space<hbm>> -> memref<16xf32, #tpu.memory_space<hbm>>
    %dma_start3A_894 = arith.constant 352 : i32
    %dma_start3A_895 = tpu.memref_slice %arg6[%dma_start3A_894] : memref<512xf32, #tpu.memory_space<vmem>> -> memref<16xf32, #tpu.memory_space<vmem>>
    %dma_start3A_896 = tpu.memref_slice %arg2[%add3A_889, %multiple_of3A_887] : memref<1024x100000xf32, #tpu.memory_space<hbm>> -> memref<1x16xf32, #tpu.memory_space<hbm>>
    %dma_start3A_897 = tpu.memref_squeeze %dma_start3A_896 : memref<1x16xf32, #tpu.memory_space<hbm>> -> memref<16xf32, #tpu.memory_space<hbm>>
    tpu.enqueue_dma source(%dma_start3A_897 : memref<16xf32, #tpu.memory_space<hbm>>) target(%dma_start3A_895 : memref<16xf32, #tpu.memory_space<vmem>>) target_semaphore(%arg8 : memref<!tpu.dma_semaphore, #tpu.memory_space<semaphore_mem>>)
    %slice3A_898 = vector.extract_strided_slice %max3A_624 {offsets = [7], sizes = [1], strides = [1]} : vector<16xi32> to vector<1xi32>
    %squeeze3A_899 = vector.extract %slice3A_898[0] : i32 from vector<1xi32>
    %jit3A_900 = arith.constant 16 : i32
    %div3A_901 = arith.divsi %squeeze3A_899, %jit3A_900 : i32
    %sign3A_902 = arith.constant 0 : i32
    %sign3A_903 = arith.cmpi sgt, %squeeze3A_899, %sign3A_902 : i32
    %sign3A_904 = arith.extui %sign3A_903 : i1 to i32
    %sign3A_905 = arith.constant 0 : i32
    %sign3A_906 = arith.cmpi slt, %squeeze3A_899, %sign3A_905 : i32
    %sign3A_907 = arith.extui %sign3A_906 : i1 to i32
    %sign3A_908 = arith.subi %sign3A_904, %sign3A_907 : i32
    %sign3A_909 = arith.constant 0 : i32
    %sign3A_910 = arith.cmpi sgt, %jit3A_900, %sign3A_909 : i32
    %sign3A_911 = arith.extui %sign3A_910 : i1 to i32
    %sign3A_912 = arith.constant 0 : i32
    %sign3A_913 = arith.cmpi slt, %jit3A_900, %sign3A_912 : i32
    %sign3A_914 = arith.extui %sign3A_913 : i1 to i32
    %sign3A_915 = arith.subi %sign3A_911, %sign3A_914 : i32
    %ne3A_916 = arith.cmpi ne, %sign3A_908, %sign3A_915 : i32
    %rem3A_917 = arith.remsi %squeeze3A_899, %jit3A_900 : i32
    %ne3A_918 = arith.constant 0 : i32
    %ne3A_919 = arith.cmpi ne, %rem3A_917, %ne3A_918 : i32
    %and3A_920 = arith.andi %ne3A_916, %ne3A_919 : i1
    %sub3A_921 = arith.constant 1 : i32
    %sub3A_922 = arith.subi %div3A_901, %sub3A_921 : i32
    %select_n3A_923 = arith.select %and3A_920, %sub3A_922, %div3A_901 : i32
    %mul3A_924 = arith.constant 16 : i32
    %mul3A_925 = arith.muli %select_n3A_923, %mul3A_924 : i32
    %multiple_of3A_926 = tpu.assume_multiple %mul3A_925, 16 : i32
    %add3A_927 = arith.constant 23 : i32
    %add3A_928 = arith.addi %mul3A_2, %add3A_927 : i32
    %dma_start3A_929 = arith.constant 368 : i32
    %dma_start3A_930 = tpu.memref_slice %arg6[%dma_start3A_929] : memref<512xf32, #tpu.memory_space<vmem>> -> memref<16xf32, #tpu.memory_space<vmem>>
    %dma_start3A_931 = tpu.memref_slice %arg2[%add3A_928, %multiple_of3A_926] : memref<1024x100000xf32, #tpu.memory_space<hbm>> -> memref<1x16xf32, #tpu.memory_space<hbm>>
    %dma_start3A_932 = tpu.memref_squeeze %dma_start3A_931 : memref<1x16xf32, #tpu.memory_space<hbm>> -> memref<16xf32, #tpu.memory_space<hbm>>
    %dma_start3A_933 = arith.constant 368 : i32
    %dma_start3A_934 = tpu.memref_slice %arg6[%dma_start3A_933] : memref<512xf32, #tpu.memory_space<vmem>> -> memref<16xf32, #tpu.memory_space<vmem>>
    %dma_start3A_935 = tpu.memref_slice %arg2[%add3A_928, %multiple_of3A_926] : memref<1024x100000xf32, #tpu.memory_space<hbm>> -> memref<1x16xf32, #tpu.memory_space<hbm>>
    %dma_start3A_936 = tpu.memref_squeeze %dma_start3A_935 : memref<1x16xf32, #tpu.memory_space<hbm>> -> memref<16xf32, #tpu.memory_space<hbm>>
    tpu.enqueue_dma source(%dma_start3A_936 : memref<16xf32, #tpu.memory_space<hbm>>) target(%dma_start3A_934 : memref<16xf32, #tpu.memory_space<vmem>>) target_semaphore(%arg8 : memref<!tpu.dma_semaphore, #tpu.memory_space<semaphore_mem>>)
    %slice3A_937 = vector.extract_strided_slice %max3A_624 {offsets = [8], sizes = [1], strides = [1]} : vector<16xi32> to vector<1xi32>
    %squeeze3A_938 = vector.extract %slice3A_937[0] : i32 from vector<1xi32>
    %jit3A_939 = arith.constant 16 : i32
    %div3A_940 = arith.divsi %squeeze3A_938, %jit3A_939 : i32
    %sign3A_941 = arith.constant 0 : i32
    %sign3A_942 = arith.cmpi sgt, %squeeze3A_938, %sign3A_941 : i32
    %sign3A_943 = arith.extui %sign3A_942 : i1 to i32
    %sign3A_944 = arith.constant 0 : i32
    %sign3A_945 = arith.cmpi slt, %squeeze3A_938, %sign3A_944 : i32
    %sign3A_946 = arith.extui %sign3A_945 : i1 to i32
    %sign3A_947 = arith.subi %sign3A_943, %sign3A_946 : i32
    %sign3A_948 = arith.constant 0 : i32
    %sign3A_949 = arith.cmpi sgt, %jit3A_939, %sign3A_948 : i32
    %sign3A_950 = arith.extui %sign3A_949 : i1 to i32
    %sign3A_951 = arith.constant 0 : i32
    %sign3A_952 = arith.cmpi slt, %jit3A_939, %sign3A_951 : i32
    %sign3A_953 = arith.extui %sign3A_952 : i1 to i32
    %sign3A_954 = arith.subi %sign3A_950, %sign3A_953 : i32
    %ne3A_955 = arith.cmpi ne, %sign3A_947, %sign3A_954 : i32
    %rem3A_956 = arith.remsi %squeeze3A_938, %jit3A_939 : i32
    %ne3A_957 = arith.constant 0 : i32
    %ne3A_958 = arith.cmpi ne, %rem3A_956, %ne3A_957 : i32
    %and3A_959 = arith.andi %ne3A_955, %ne3A_958 : i1
    %sub3A_960 = arith.constant 1 : i32
    %sub3A_961 = arith.subi %div3A_940, %sub3A_960 : i32
    %select_n3A_962 = arith.select %and3A_959, %sub3A_961, %div3A_940 : i32
    %mul3A_963 = arith.constant 16 : i32
    %mul3A_964 = arith.muli %select_n3A_962, %mul3A_963 : i32
    %multiple_of3A_965 = tpu.assume_multiple %mul3A_964, 16 : i32
    %add3A_966 = arith.constant 24 : i32
    %add3A_967 = arith.addi %mul3A_2, %add3A_966 : i32
    %dma_start3A_968 = arith.constant 384 : i32
    %dma_start3A_969 = tpu.memref_slice %arg6[%dma_start3A_968] : memref<512xf32, #tpu.memory_space<vmem>> -> memref<16xf32, #tpu.memory_space<vmem>>
    %dma_start3A_970 = tpu.memref_slice %arg2[%add3A_967, %multiple_of3A_965] : memref<1024x100000xf32, #tpu.memory_space<hbm>> -> memref<1x16xf32, #tpu.memory_space<hbm>>
    %dma_start3A_971 = tpu.memref_squeeze %dma_start3A_970 : memref<1x16xf32, #tpu.memory_space<hbm>> -> memref<16xf32, #tpu.memory_space<hbm>>
    %dma_start3A_972 = arith.constant 384 : i32
    %dma_start3A_973 = tpu.memref_slice %arg6[%dma_start3A_972] : memref<512xf32, #tpu.memory_space<vmem>> -> memref<16xf32, #tpu.memory_space<vmem>>
    %dma_start3A_974 = tpu.memref_slice %arg2[%add3A_967, %multiple_of3A_965] : memref<1024x100000xf32, #tpu.memory_space<hbm>> -> memref<1x16xf32, #tpu.memory_space<hbm>>
    %dma_start3A_975 = tpu.memref_squeeze %dma_start3A_974 : memref<1x16xf32, #tpu.memory_space<hbm>> -> memref<16xf32, #tpu.memory_space<hbm>>
    tpu.enqueue_dma source(%dma_start3A_975 : memref<16xf32, #tpu.memory_space<hbm>>) target(%dma_start3A_973 : memref<16xf32, #tpu.memory_space<vmem>>) target_semaphore(%arg8 : memref<!tpu.dma_semaphore, #tpu.memory_space<semaphore_mem>>)
    %slice3A_976 = vector.extract_strided_slice %max3A_624 {offsets = [9], sizes = [1], strides = [1]} : vector<16xi32> to vector<1xi32>
    %squeeze3A_977 = vector.extract %slice3A_976[0] : i32 from vector<1xi32>
    %jit3A_978 = arith.constant 16 : i32
    %div3A_979 = arith.divsi %squeeze3A_977, %jit3A_978 : i32
    %sign3A_980 = arith.constant 0 : i32
    %sign3A_981 = arith.cmpi sgt, %squeeze3A_977, %sign3A_980 : i32
    %sign3A_982 = arith.extui %sign3A_981 : i1 to i32
    %sign3A_983 = arith.constant 0 : i32
    %sign3A_984 = arith.cmpi slt, %squeeze3A_977, %sign3A_983 : i32
    %sign3A_985 = arith.extui %sign3A_984 : i1 to i32
    %sign3A_986 = arith.subi %sign3A_982, %sign3A_985 : i32
    %sign3A_987 = arith.constant 0 : i32
    %sign3A_988 = arith.cmpi sgt, %jit3A_978, %sign3A_987 : i32
    %sign3A_989 = arith.extui %sign3A_988 : i1 to i32
    %sign3A_990 = arith.constant 0 : i32
    %sign3A_991 = arith.cmpi slt, %jit3A_978, %sign3A_990 : i32
    %sign3A_992 = arith.extui %sign3A_991 : i1 to i32
    %sign3A_993 = arith.subi %sign3A_989, %sign3A_992 : i32
    %ne3A_994 = arith.cmpi ne, %sign3A_986, %sign3A_993 : i32
    %rem3A_995 = arith.remsi %squeeze3A_977, %jit3A_978 : i32
    %ne3A_996 = arith.constant 0 : i32
    %ne3A_997 = arith.cmpi ne, %rem3A_995, %ne3A_996 : i32
    %and3A_998 = arith.andi %ne3A_994, %ne3A_997 : i1
    %sub3A_999 = arith.constant 1 : i32
    %sub3A_1000 = arith.subi %div3A_979, %sub3A_999 : i32
    %select_n3A_1001 = arith.select %and3A_998, %sub3A_1000, %div3A_979 : i32
    %mul3A_1002 = arith.constant 16 : i32
    %mul3A_1003 = arith.muli %select_n3A_1001, %mul3A_1002 : i32
    %multiple_of3A_1004 = tpu.assume_multiple %mul3A_1003, 16 : i32
    %add3A_1005 = arith.constant 25 : i32
    %add3A_1006 = arith.addi %mul3A_2, %add3A_1005 : i32
    %dma_start3A_1007 = arith.constant 400 : i32
    %dma_start3A_1008 = tpu.memref_slice %arg6[%dma_start3A_1007] : memref<512xf32, #tpu.memory_space<vmem>> -> memref<16xf32, #tpu.memory_space<vmem>>
    %dma_start3A_1009 = tpu.memref_slice %arg2[%add3A_1006, %multiple_of3A_1004] : memref<1024x100000xf32, #tpu.memory_space<hbm>> -> memref<1x16xf32, #tpu.memory_space<hbm>>
    %dma_start3A_1010 = tpu.memref_squeeze %dma_start3A_1009 : memref<1x16xf32, #tpu.memory_space<hbm>> -> memref<16xf32, #tpu.memory_space<hbm>>
    %dma_start3A_1011 = arith.constant 400 : i32
    %dma_start3A_1012 = tpu.memref_slice %arg6[%dma_start3A_1011] : memref<512xf32, #tpu.memory_space<vmem>> -> memref<16xf32, #tpu.memory_space<vmem>>
    %dma_start3A_1013 = tpu.memref_slice %arg2[%add3A_1006, %multiple_of3A_1004] : memref<1024x100000xf32, #tpu.memory_space<hbm>> -> memref<1x16xf32, #tpu.memory_space<hbm>>
    %dma_start3A_1014 = tpu.memref_squeeze %dma_start3A_1013 : memref<1x16xf32, #tpu.memory_space<hbm>> -> memref<16xf32, #tpu.memory_space<hbm>>
    tpu.enqueue_dma source(%dma_start3A_1014 : memref<16xf32, #tpu.memory_space<hbm>>) target(%dma_start3A_1012 : memref<16xf32, #tpu.memory_space<vmem>>) target_semaphore(%arg8 : memref<!tpu.dma_semaphore, #tpu.memory_space<semaphore_mem>>)
    %slice3A_1015 = vector.extract_strided_slice %max3A_624 {offsets = [10], sizes = [1], strides = [1]} : vector<16xi32> to vector<1xi32>
    %squeeze3A_1016 = vector.extract %slice3A_1015[0] : i32 from vector<1xi32>
    %jit3A_1017 = arith.constant 16 : i32
    %div3A_1018 = arith.divsi %squeeze3A_1016, %jit3A_1017 : i32
    %sign3A_1019 = arith.constant 0 : i32
    %sign3A_1020 = arith.cmpi sgt, %squeeze3A_1016, %sign3A_1019 : i32
    %sign3A_1021 = arith.extui %sign3A_1020 : i1 to i32
    %sign3A_1022 = arith.constant 0 : i32
    %sign3A_1023 = arith.cmpi slt, %squeeze3A_1016, %sign3A_1022 : i32
    %sign3A_1024 = arith.extui %sign3A_1023 : i1 to i32
    %sign3A_1025 = arith.subi %sign3A_1021, %sign3A_1024 : i32
    %sign3A_1026 = arith.constant 0 : i32
    %sign3A_1027 = arith.cmpi sgt, %jit3A_1017, %sign3A_1026 : i32
    %sign3A_1028 = arith.extui %sign3A_1027 : i1 to i32
    %sign3A_1029 = arith.constant 0 : i32
    %sign3A_1030 = arith.cmpi slt, %jit3A_1017, %sign3A_1029 : i32
    %sign3A_1031 = arith.extui %sign3A_1030 : i1 to i32
    %sign3A_1032 = arith.subi %sign3A_1028, %sign3A_1031 : i32
    %ne3A_1033 = arith.cmpi ne, %sign3A_1025, %sign3A_1032 : i32
    %rem3A_1034 = arith.remsi %squeeze3A_1016, %jit3A_1017 : i32
    %ne3A_1035 = arith.constant 0 : i32
    %ne3A_1036 = arith.cmpi ne, %rem3A_1034, %ne3A_1035 : i32
    %and3A_1037 = arith.andi %ne3A_1033, %ne3A_1036 : i1
    %sub3A_1038 = arith.constant 1 : i32
    %sub3A_1039 = arith.subi %div3A_1018, %sub3A_1038 : i32
    %select_n3A_1040 = arith.select %and3A_1037, %sub3A_1039, %div3A_1018 : i32
    %mul3A_1041 = arith.constant 16 : i32
    %mul3A_1042 = arith.muli %select_n3A_1040, %mul3A_1041 : i32
    %multiple_of3A_1043 = tpu.assume_multiple %mul3A_1042, 16 : i32
    %add3A_1044 = arith.constant 26 : i32
    %add3A_1045 = arith.addi %mul3A_2, %add3A_1044 : i32
    %dma_start3A_1046 = arith.constant 416 : i32
    %dma_start3A_1047 = tpu.memref_slice %arg6[%dma_start3A_1046] : memref<512xf32, #tpu.memory_space<vmem>> -> memref<16xf32, #tpu.memory_space<vmem>>
    %dma_start3A_1048 = tpu.memref_slice %arg2[%add3A_1045, %multiple_of3A_1043] : memref<1024x100000xf32, #tpu.memory_space<hbm>> -> memref<1x16xf32, #tpu.memory_space<hbm>>
    %dma_start3A_1049 = tpu.memref_squeeze %dma_start3A_1048 : memref<1x16xf32, #tpu.memory_space<hbm>> -> memref<16xf32, #tpu.memory_space<hbm>>
    %dma_start3A_1050 = arith.constant 416 : i32
    %dma_start3A_1051 = tpu.memref_slice %arg6[%dma_start3A_1050] : memref<512xf32, #tpu.memory_space<vmem>> -> memref<16xf32, #tpu.memory_space<vmem>>
    %dma_start3A_1052 = tpu.memref_slice %arg2[%add3A_1045, %multiple_of3A_1043] : memref<1024x100000xf32, #tpu.memory_space<hbm>> -> memref<1x16xf32, #tpu.memory_space<hbm>>
    %dma_start3A_1053 = tpu.memref_squeeze %dma_start3A_1052 : memref<1x16xf32, #tpu.memory_space<hbm>> -> memref<16xf32, #tpu.memory_space<hbm>>
    tpu.enqueue_dma source(%dma_start3A_1053 : memref<16xf32, #tpu.memory_space<hbm>>) target(%dma_start3A_1051 : memref<16xf32, #tpu.memory_space<vmem>>) target_semaphore(%arg8 : memref<!tpu.dma_semaphore, #tpu.memory_space<semaphore_mem>>)
    %slice3A_1054 = vector.extract_strided_slice %max3A_624 {offsets = [11], sizes = [1], strides = [1]} : vector<16xi32> to vector<1xi32>
    %squeeze3A_1055 = vector.extract %slice3A_1054[0] : i32 from vector<1xi32>
    %jit3A_1056 = arith.constant 16 : i32
    %div3A_1057 = arith.divsi %squeeze3A_1055, %jit3A_1056 : i32
    %sign3A_1058 = arith.constant 0 : i32
    %sign3A_1059 = arith.cmpi sgt, %squeeze3A_1055, %sign3A_1058 : i32
    %sign3A_1060 = arith.extui %sign3A_1059 : i1 to i32
    %sign3A_1061 = arith.constant 0 : i32
    %sign3A_1062 = arith.cmpi slt, %squeeze3A_1055, %sign3A_1061 : i32
    %sign3A_1063 = arith.extui %sign3A_1062 : i1 to i32
    %sign3A_1064 = arith.subi %sign3A_1060, %sign3A_1063 : i32
    %sign3A_1065 = arith.constant 0 : i32
    %sign3A_1066 = arith.cmpi sgt, %jit3A_1056, %sign3A_1065 : i32
    %sign3A_1067 = arith.extui %sign3A_1066 : i1 to i32
    %sign3A_1068 = arith.constant 0 : i32
    %sign3A_1069 = arith.cmpi slt, %jit3A_1056, %sign3A_1068 : i32
    %sign3A_1070 = arith.extui %sign3A_1069 : i1 to i32
    %sign3A_1071 = arith.subi %sign3A_1067, %sign3A_1070 : i32
    %ne3A_1072 = arith.cmpi ne, %sign3A_1064, %sign3A_1071 : i32
    %rem3A_1073 = arith.remsi %squeeze3A_1055, %jit3A_1056 : i32
    %ne3A_1074 = arith.constant 0 : i32
    %ne3A_1075 = arith.cmpi ne, %rem3A_1073, %ne3A_1074 : i32
    %and3A_1076 = arith.andi %ne3A_1072, %ne3A_1075 : i1
    %sub3A_1077 = arith.constant 1 : i32
    %sub3A_1078 = arith.subi %div3A_1057, %sub3A_1077 : i32
    %select_n3A_1079 = arith.select %and3A_1076, %sub3A_1078, %div3A_1057 : i32
    %mul3A_1080 = arith.constant 16 : i32
    %mul3A_1081 = arith.muli %select_n3A_1079, %mul3A_1080 : i32
    %multiple_of3A_1082 = tpu.assume_multiple %mul3A_1081, 16 : i32
    %add3A_1083 = arith.constant 27 : i32
    %add3A_1084 = arith.addi %mul3A_2, %add3A_1083 : i32
    %dma_start3A_1085 = arith.constant 432 : i32
    %dma_start3A_1086 = tpu.memref_slice %arg6[%dma_start3A_1085] : memref<512xf32, #tpu.memory_space<vmem>> -> memref<16xf32, #tpu.memory_space<vmem>>
    %dma_start3A_1087 = tpu.memref_slice %arg2[%add3A_1084, %multiple_of3A_1082] : memref<1024x100000xf32, #tpu.memory_space<hbm>> -> memref<1x16xf32, #tpu.memory_space<hbm>>
    %dma_start3A_1088 = tpu.memref_squeeze %dma_start3A_1087 : memref<1x16xf32, #tpu.memory_space<hbm>> -> memref<16xf32, #tpu.memory_space<hbm>>
    %dma_start3A_1089 = arith.constant 432 : i32
    %dma_start3A_1090 = tpu.memref_slice %arg6[%dma_start3A_1089] : memref<512xf32, #tpu.memory_space<vmem>> -> memref<16xf32, #tpu.memory_space<vmem>>
    %dma_start3A_1091 = tpu.memref_slice %arg2[%add3A_1084, %multiple_of3A_1082] : memref<1024x100000xf32, #tpu.memory_space<hbm>> -> memref<1x16xf32, #tpu.memory_space<hbm>>
    %dma_start3A_1092 = tpu.memref_squeeze %dma_start3A_1091 : memref<1x16xf32, #tpu.memory_space<hbm>> -> memref<16xf32, #tpu.memory_space<hbm>>
    tpu.enqueue_dma source(%dma_start3A_1092 : memref<16xf32, #tpu.memory_space<hbm>>) target(%dma_start3A_1090 : memref<16xf32, #tpu.memory_space<vmem>>) target_semaphore(%arg8 : memref<!tpu.dma_semaphore, #tpu.memory_space<semaphore_mem>>)
    %slice3A_1093 = vector.extract_strided_slice %max3A_624 {offsets = [12], sizes = [1], strides = [1]} : vector<16xi32> to vector<1xi32>
    %squeeze3A_1094 = vector.extract %slice3A_1093[0] : i32 from vector<1xi32>
    %jit3A_1095 = arith.constant 16 : i32
    %div3A_1096 = arith.divsi %squeeze3A_1094, %jit3A_1095 : i32
    %sign3A_1097 = arith.constant 0 : i32
    %sign3A_1098 = arith.cmpi sgt, %squeeze3A_1094, %sign3A_1097 : i32
    %sign3A_1099 = arith.extui %sign3A_1098 : i1 to i32
    %sign3A_1100 = arith.constant 0 : i32
    %sign3A_1101 = arith.cmpi slt, %squeeze3A_1094, %sign3A_1100 : i32
    %sign3A_1102 = arith.extui %sign3A_1101 : i1 to i32
    %sign3A_1103 = arith.subi %sign3A_1099, %sign3A_1102 : i32
    %sign3A_1104 = arith.constant 0 : i32
    %sign3A_1105 = arith.cmpi sgt, %jit3A_1095, %sign3A_1104 : i32
    %sign3A_1106 = arith.extui %sign3A_1105 : i1 to i32
    %sign3A_1107 = arith.constant 0 : i32
    %sign3A_1108 = arith.cmpi slt, %jit3A_1095, %sign3A_1107 : i32
    %sign3A_1109 = arith.extui %sign3A_1108 : i1 to i32
    %sign3A_1110 = arith.subi %sign3A_1106, %sign3A_1109 : i32
    %ne3A_1111 = arith.cmpi ne, %sign3A_1103, %sign3A_1110 : i32
    %rem3A_1112 = arith.remsi %squeeze3A_1094, %jit3A_1095 : i32
    %ne3A_1113 = arith.constant 0 : i32
    %ne3A_1114 = arith.cmpi ne, %rem3A_1112, %ne3A_1113 : i32
    %and3A_1115 = arith.andi %ne3A_1111, %ne3A_1114 : i1
    %sub3A_1116 = arith.constant 1 : i32
    %sub3A_1117 = arith.subi %div3A_1096, %sub3A_1116 : i32
    %select_n3A_1118 = arith.select %and3A_1115, %sub3A_1117, %div3A_1096 : i32
    %mul3A_1119 = arith.constant 16 : i32
    %mul3A_1120 = arith.muli %select_n3A_1118, %mul3A_1119 : i32
    %multiple_of3A_1121 = tpu.assume_multiple %mul3A_1120, 16 : i32
    %add3A_1122 = arith.constant 28 : i32
    %add3A_1123 = arith.addi %mul3A_2, %add3A_1122 : i32
    %dma_start3A_1124 = arith.constant 448 : i32
    %dma_start3A_1125 = tpu.memref_slice %arg6[%dma_start3A_1124] : memref<512xf32, #tpu.memory_space<vmem>> -> memref<16xf32, #tpu.memory_space<vmem>>
    %dma_start3A_1126 = tpu.memref_slice %arg2[%add3A_1123, %multiple_of3A_1121] : memref<1024x100000xf32, #tpu.memory_space<hbm>> -> memref<1x16xf32, #tpu.memory_space<hbm>>
    %dma_start3A_1127 = tpu.memref_squeeze %dma_start3A_1126 : memref<1x16xf32, #tpu.memory_space<hbm>> -> memref<16xf32, #tpu.memory_space<hbm>>
    %dma_start3A_1128 = arith.constant 448 : i32
    %dma_start3A_1129 = tpu.memref_slice %arg6[%dma_start3A_1128] : memref<512xf32, #tpu.memory_space<vmem>> -> memref<16xf32, #tpu.memory_space<vmem>>
    %dma_start3A_1130 = tpu.memref_slice %arg2[%add3A_1123, %multiple_of3A_1121] : memref<1024x100000xf32, #tpu.memory_space<hbm>> -> memref<1x16xf32, #tpu.memory_space<hbm>>
    %dma_start3A_1131 = tpu.memref_squeeze %dma_start3A_1130 : memref<1x16xf32, #tpu.memory_space<hbm>> -> memref<16xf32, #tpu.memory_space<hbm>>
    tpu.enqueue_dma source(%dma_start3A_1131 : memref<16xf32, #tpu.memory_space<hbm>>) target(%dma_start3A_1129 : memref<16xf32, #tpu.memory_space<vmem>>) target_semaphore(%arg8 : memref<!tpu.dma_semaphore, #tpu.memory_space<semaphore_mem>>)
    %slice3A_1132 = vector.extract_strided_slice %max3A_624 {offsets = [13], sizes = [1], strides = [1]} : vector<16xi32> to vector<1xi32>
    %squeeze3A_1133 = vector.extract %slice3A_1132[0] : i32 from vector<1xi32>
    %jit3A_1134 = arith.constant 16 : i32
    %div3A_1135 = arith.divsi %squeeze3A_1133, %jit3A_1134 : i32
    %sign3A_1136 = arith.constant 0 : i32
    %sign3A_1137 = arith.cmpi sgt, %squeeze3A_1133, %sign3A_1136 : i32
    %sign3A_1138 = arith.extui %sign3A_1137 : i1 to i32
    %sign3A_1139 = arith.constant 0 : i32
    %sign3A_1140 = arith.cmpi slt, %squeeze3A_1133, %sign3A_1139 : i32
    %sign3A_1141 = arith.extui %sign3A_1140 : i1 to i32
    %sign3A_1142 = arith.subi %sign3A_1138, %sign3A_1141 : i32
    %sign3A_1143 = arith.constant 0 : i32
    %sign3A_1144 = arith.cmpi sgt, %jit3A_1134, %sign3A_1143 : i32
    %sign3A_1145 = arith.extui %sign3A_1144 : i1 to i32
    %sign3A_1146 = arith.constant 0 : i32
    %sign3A_1147 = arith.cmpi slt, %jit3A_1134, %sign3A_1146 : i32
    %sign3A_1148 = arith.extui %sign3A_1147 : i1 to i32
    %sign3A_1149 = arith.subi %sign3A_1145, %sign3A_1148 : i32
    %ne3A_1150 = arith.cmpi ne, %sign3A_1142, %sign3A_1149 : i32
    %rem3A_1151 = arith.remsi %squeeze3A_1133, %jit3A_1134 : i32
    %ne3A_1152 = arith.constant 0 : i32
    %ne3A_1153 = arith.cmpi ne, %rem3A_1151, %ne3A_1152 : i32
    %and3A_1154 = arith.andi %ne3A_1150, %ne3A_1153 : i1
    %sub3A_1155 = arith.constant 1 : i32
    %sub3A_1156 = arith.subi %div3A_1135, %sub3A_1155 : i32
    %select_n3A_1157 = arith.select %and3A_1154, %sub3A_1156, %div3A_1135 : i32
    %mul3A_1158 = arith.constant 16 : i32
    %mul3A_1159 = arith.muli %select_n3A_1157, %mul3A_1158 : i32
    %multiple_of3A_1160 = tpu.assume_multiple %mul3A_1159, 16 : i32
    %add3A_1161 = arith.constant 29 : i32
    %add3A_1162 = arith.addi %mul3A_2, %add3A_1161 : i32
    %dma_start3A_1163 = arith.constant 464 : i32
    %dma_start3A_1164 = tpu.memref_slice %arg6[%dma_start3A_1163] : memref<512xf32, #tpu.memory_space<vmem>> -> memref<16xf32, #tpu.memory_space<vmem>>
    %dma_start3A_1165 = tpu.memref_slice %arg2[%add3A_1162, %multiple_of3A_1160] : memref<1024x100000xf32, #tpu.memory_space<hbm>> -> memref<1x16xf32, #tpu.memory_space<hbm>>
    %dma_start3A_1166 = tpu.memref_squeeze %dma_start3A_1165 : memref<1x16xf32, #tpu.memory_space<hbm>> -> memref<16xf32, #tpu.memory_space<hbm>>
    %dma_start3A_1167 = arith.constant 464 : i32
    %dma_start3A_1168 = tpu.memref_slice %arg6[%dma_start3A_1167] : memref<512xf32, #tpu.memory_space<vmem>> -> memref<16xf32, #tpu.memory_space<vmem>>
    %dma_start3A_1169 = tpu.memref_slice %arg2[%add3A_1162, %multiple_of3A_1160] : memref<1024x100000xf32, #tpu.memory_space<hbm>> -> memref<1x16xf32, #tpu.memory_space<hbm>>
    %dma_start3A_1170 = tpu.memref_squeeze %dma_start3A_1169 : memref<1x16xf32, #tpu.memory_space<hbm>> -> memref<16xf32, #tpu.memory_space<hbm>>
    tpu.enqueue_dma source(%dma_start3A_1170 : memref<16xf32, #tpu.memory_space<hbm>>) target(%dma_start3A_1168 : memref<16xf32, #tpu.memory_space<vmem>>) target_semaphore(%arg8 : memref<!tpu.dma_semaphore, #tpu.memory_space<semaphore_mem>>)
    %slice3A_1171 = vector.extract_strided_slice %max3A_624 {offsets = [14], sizes = [1], strides = [1]} : vector<16xi32> to vector<1xi32>
    %squeeze3A_1172 = vector.extract %slice3A_1171[0] : i32 from vector<1xi32>
    %jit3A_1173 = arith.constant 16 : i32
    %div3A_1174 = arith.divsi %squeeze3A_1172, %jit3A_1173 : i32
    %sign3A_1175 = arith.constant 0 : i32
    %sign3A_1176 = arith.cmpi sgt, %squeeze3A_1172, %sign3A_1175 : i32
    %sign3A_1177 = arith.extui %sign3A_1176 : i1 to i32
    %sign3A_1178 = arith.constant 0 : i32
    %sign3A_1179 = arith.cmpi slt, %squeeze3A_1172, %sign3A_1178 : i32
    %sign3A_1180 = arith.extui %sign3A_1179 : i1 to i32
    %sign3A_1181 = arith.subi %sign3A_1177, %sign3A_1180 : i32
    %sign3A_1182 = arith.constant 0 : i32
    %sign3A_1183 = arith.cmpi sgt, %jit3A_1173, %sign3A_1182 : i32
    %sign3A_1184 = arith.extui %sign3A_1183 : i1 to i32
    %sign3A_1185 = arith.constant 0 : i32
    %sign3A_1186 = arith.cmpi slt, %jit3A_1173, %sign3A_1185 : i32
    %sign3A_1187 = arith.extui %sign3A_1186 : i1 to i32
    %sign3A_1188 = arith.subi %sign3A_1184, %sign3A_1187 : i32
    %ne3A_1189 = arith.cmpi ne, %sign3A_1181, %sign3A_1188 : i32
    %rem3A_1190 = arith.remsi %squeeze3A_1172, %jit3A_1173 : i32
    %ne3A_1191 = arith.constant 0 : i32
    %ne3A_1192 = arith.cmpi ne, %rem3A_1190, %ne3A_1191 : i32
    %and3A_1193 = arith.andi %ne3A_1189, %ne3A_1192 : i1
    %sub3A_1194 = arith.constant 1 : i32
    %sub3A_1195 = arith.subi %div3A_1174, %sub3A_1194 : i32
    %select_n3A_1196 = arith.select %and3A_1193, %sub3A_1195, %div3A_1174 : i32
    %mul3A_1197 = arith.constant 16 : i32
    %mul3A_1198 = arith.muli %select_n3A_1196, %mul3A_1197 : i32
    %multiple_of3A_1199 = tpu.assume_multiple %mul3A_1198, 16 : i32
    %add3A_1200 = arith.constant 30 : i32
    %add3A_1201 = arith.addi %mul3A_2, %add3A_1200 : i32
    %dma_start3A_1202 = arith.constant 480 : i32
    %dma_start3A_1203 = tpu.memref_slice %arg6[%dma_start3A_1202] : memref<512xf32, #tpu.memory_space<vmem>> -> memref<16xf32, #tpu.memory_space<vmem>>
    %dma_start3A_1204 = tpu.memref_slice %arg2[%add3A_1201, %multiple_of3A_1199] : memref<1024x100000xf32, #tpu.memory_space<hbm>> -> memref<1x16xf32, #tpu.memory_space<hbm>>
    %dma_start3A_1205 = tpu.memref_squeeze %dma_start3A_1204 : memref<1x16xf32, #tpu.memory_space<hbm>> -> memref<16xf32, #tpu.memory_space<hbm>>
    %dma_start3A_1206 = arith.constant 480 : i32
    %dma_start3A_1207 = tpu.memref_slice %arg6[%dma_start3A_1206] : memref<512xf32, #tpu.memory_space<vmem>> -> memref<16xf32, #tpu.memory_space<vmem>>
    %dma_start3A_1208 = tpu.memref_slice %arg2[%add3A_1201, %multiple_of3A_1199] : memref<1024x100000xf32, #tpu.memory_space<hbm>> -> memref<1x16xf32, #tpu.memory_space<hbm>>
    %dma_start3A_1209 = tpu.memref_squeeze %dma_start3A_1208 : memref<1x16xf32, #tpu.memory_space<hbm>> -> memref<16xf32, #tpu.memory_space<hbm>>
    tpu.enqueue_dma source(%dma_start3A_1209 : memref<16xf32, #tpu.memory_space<hbm>>) target(%dma_start3A_1207 : memref<16xf32, #tpu.memory_space<vmem>>) target_semaphore(%arg8 : memref<!tpu.dma_semaphore, #tpu.memory_space<semaphore_mem>>)
    %slice3A_1210 = vector.extract_strided_slice %max3A_624 {offsets = [15], sizes = [1], strides = [1]} : vector<16xi32> to vector<1xi32>
    %squeeze3A_1211 = vector.extract %slice3A_1210[0] : i32 from vector<1xi32>
    %jit3A_1212 = arith.constant 16 : i32
    %div3A_1213 = arith.divsi %squeeze3A_1211, %jit3A_1212 : i32
    %sign3A_1214 = arith.constant 0 : i32
    %sign3A_1215 = arith.cmpi sgt, %squeeze3A_1211, %sign3A_1214 : i32
    %sign3A_1216 = arith.extui %sign3A_1215 : i1 to i32
    %sign3A_1217 = arith.constant 0 : i32
    %sign3A_1218 = arith.cmpi slt, %squeeze3A_1211, %sign3A_1217 : i32
    %sign3A_1219 = arith.extui %sign3A_1218 : i1 to i32
    %sign3A_1220 = arith.subi %sign3A_1216, %sign3A_1219 : i32
    %sign3A_1221 = arith.constant 0 : i32
    %sign3A_1222 = arith.cmpi sgt, %jit3A_1212, %sign3A_1221 : i32
    %sign3A_1223 = arith.extui %sign3A_1222 : i1 to i32
    %sign3A_1224 = arith.constant 0 : i32
    %sign3A_1225 = arith.cmpi slt, %jit3A_1212, %sign3A_1224 : i32
    %sign3A_1226 = arith.extui %sign3A_1225 : i1 to i32
    %sign3A_1227 = arith.subi %sign3A_1223, %sign3A_1226 : i32
    %ne3A_1228 = arith.cmpi ne, %sign3A_1220, %sign3A_1227 : i32
    %rem3A_1229 = arith.remsi %squeeze3A_1211, %jit3A_1212 : i32
    %ne3A_1230 = arith.constant 0 : i32
    %ne3A_1231 = arith.cmpi ne, %rem3A_1229, %ne3A_1230 : i32
    %and3A_1232 = arith.andi %ne3A_1228, %ne3A_1231 : i1
    %sub3A_1233 = arith.constant 1 : i32
    %sub3A_1234 = arith.subi %div3A_1213, %sub3A_1233 : i32
    %select_n3A_1235 = arith.select %and3A_1232, %sub3A_1234, %div3A_1213 : i32
    %mul3A_1236 = arith.constant 16 : i32
    %mul3A_1237 = arith.muli %select_n3A_1235, %mul3A_1236 : i32
    %multiple_of3A_1238 = tpu.assume_multiple %mul3A_1237, 16 : i32
    %add3A_1239 = arith.constant 31 : i32
    %add3A_1240 = arith.addi %mul3A_2, %add3A_1239 : i32
    %dma_start3A_1241 = arith.constant 496 : i32
    %dma_start3A_1242 = tpu.memref_slice %arg6[%dma_start3A_1241] : memref<512xf32, #tpu.memory_space<vmem>> -> memref<16xf32, #tpu.memory_space<vmem>>
    %dma_start3A_1243 = tpu.memref_slice %arg2[%add3A_1240, %multiple_of3A_1238] : memref<1024x100000xf32, #tpu.memory_space<hbm>> -> memref<1x16xf32, #tpu.memory_space<hbm>>
    %dma_start3A_1244 = tpu.memref_squeeze %dma_start3A_1243 : memref<1x16xf32, #tpu.memory_space<hbm>> -> memref<16xf32, #tpu.memory_space<hbm>>
    %dma_start3A_1245 = arith.constant 496 : i32
    %dma_start3A_1246 = tpu.memref_slice %arg6[%dma_start3A_1245] : memref<512xf32, #tpu.memory_space<vmem>> -> memref<16xf32, #tpu.memory_space<vmem>>
    %dma_start3A_1247 = tpu.memref_slice %arg2[%add3A_1240, %multiple_of3A_1238] : memref<1024x100000xf32, #tpu.memory_space<hbm>> -> memref<1x16xf32, #tpu.memory_space<hbm>>
    %dma_start3A_1248 = tpu.memref_squeeze %dma_start3A_1247 : memref<1x16xf32, #tpu.memory_space<hbm>> -> memref<16xf32, #tpu.memory_space<hbm>>
    tpu.enqueue_dma source(%dma_start3A_1248 : memref<16xf32, #tpu.memory_space<hbm>>) target(%dma_start3A_1246 : memref<16xf32, #tpu.memory_space<vmem>>) target_semaphore(%arg8 : memref<!tpu.dma_semaphore, #tpu.memory_space<semaphore_mem>>)
    %dma_wait3A = arith.constant 0 : i32
    %dma_wait3A_1249 = tpu.memref_slice %arg6[%dma_wait3A] : memref<512xf32, #tpu.memory_space<vmem>> -> memref<16xf32, #tpu.memory_space<vmem>>
    %dma_wait3A_1250 = tpu.memref_slice %arg2[%add3A_26, %multiple_of3A] : memref<1024x100000xf32, #tpu.memory_space<hbm>> -> memref<1x16xf32, #tpu.memory_space<hbm>>
    %dma_wait3A_1251 = tpu.memref_squeeze %dma_wait3A_1250 : memref<1x16xf32, #tpu.memory_space<hbm>> -> memref<16xf32, #tpu.memory_space<hbm>>
    %dma_wait3A_1252 = arith.constant 0 : i32
    %dma_wait3A_1253 = tpu.memref_slice %arg6[%dma_wait3A_1252] : memref<512xf32, #tpu.memory_space<vmem>> -> memref<16xf32, #tpu.memory_space<vmem>>
    %dma_wait3A_1254 = tpu.memref_slice %arg2[%add3A_26, %multiple_of3A] : memref<1024x100000xf32, #tpu.memory_space<hbm>> -> memref<1x16xf32, #tpu.memory_space<hbm>>
    %dma_wait3A_1255 = tpu.memref_squeeze %dma_wait3A_1254 : memref<1x16xf32, #tpu.memory_space<hbm>> -> memref<16xf32, #tpu.memory_space<hbm>>
    tpu.wait_dma2 semaphore(%arg8 : memref<!tpu.dma_semaphore, #tpu.memory_space<semaphore_mem>>) src(%dma_wait3A_1255 : memref<16xf32, #tpu.memory_space<hbm>>) dst(%dma_wait3A_1253 : memref<16xf32, #tpu.memory_space<vmem>>)
    %dma_wait3A_1256 = arith.constant 16 : i32
    %dma_wait3A_1257 = tpu.memref_slice %arg6[%dma_wait3A_1256] : memref<512xf32, #tpu.memory_space<vmem>> -> memref<16xf32, #tpu.memory_space<vmem>>
    %dma_wait3A_1258 = tpu.memref_slice %arg2[%add3A_64, %multiple_of3A_62] : memref<1024x100000xf32, #tpu.memory_space<hbm>> -> memref<1x16xf32, #tpu.memory_space<hbm>>
    %dma_wait3A_1259 = tpu.memref_squeeze %dma_wait3A_1258 : memref<1x16xf32, #tpu.memory_space<hbm>> -> memref<16xf32, #tpu.memory_space<hbm>>
    %dma_wait3A_1260 = arith.constant 16 : i32
    %dma_wait3A_1261 = tpu.memref_slice %arg6[%dma_wait3A_1260] : memref<512xf32, #tpu.memory_space<vmem>> -> memref<16xf32, #tpu.memory_space<vmem>>
    %dma_wait3A_1262 = tpu.memref_slice %arg2[%add3A_64, %multiple_of3A_62] : memref<1024x100000xf32, #tpu.memory_space<hbm>> -> memref<1x16xf32, #tpu.memory_space<hbm>>
    %dma_wait3A_1263 = tpu.memref_squeeze %dma_wait3A_1262 : memref<1x16xf32, #tpu.memory_space<hbm>> -> memref<16xf32, #tpu.memory_space<hbm>>
    tpu.wait_dma2 semaphore(%arg8 : memref<!tpu.dma_semaphore, #tpu.memory_space<semaphore_mem>>) src(%dma_wait3A_1263 : memref<16xf32, #tpu.memory_space<hbm>>) dst(%dma_wait3A_1261 : memref<16xf32, #tpu.memory_space<vmem>>)
    %dma_wait3A_1264 = arith.constant 32 : i32
    %dma_wait3A_1265 = tpu.memref_slice %arg6[%dma_wait3A_1264] : memref<512xf32, #tpu.memory_space<vmem>> -> memref<16xf32, #tpu.memory_space<vmem>>
    %dma_wait3A_1266 = tpu.memref_slice %arg2[%add3A_103, %multiple_of3A_101] : memref<1024x100000xf32, #tpu.memory_space<hbm>> -> memref<1x16xf32, #tpu.memory_space<hbm>>
    %dma_wait3A_1267 = tpu.memref_squeeze %dma_wait3A_1266 : memref<1x16xf32, #tpu.memory_space<hbm>> -> memref<16xf32, #tpu.memory_space<hbm>>
    %dma_wait3A_1268 = arith.constant 32 : i32
    %dma_wait3A_1269 = tpu.memref_slice %arg6[%dma_wait3A_1268] : memref<512xf32, #tpu.memory_space<vmem>> -> memref<16xf32, #tpu.memory_space<vmem>>
    %dma_wait3A_1270 = tpu.memref_slice %arg2[%add3A_103, %multiple_of3A_101] : memref<1024x100000xf32, #tpu.memory_space<hbm>> -> memref<1x16xf32, #tpu.memory_space<hbm>>
    %dma_wait3A_1271 = tpu.memref_squeeze %dma_wait3A_1270 : memref<1x16xf32, #tpu.memory_space<hbm>> -> memref<16xf32, #tpu.memory_space<hbm>>
    tpu.wait_dma2 semaphore(%arg8 : memref<!tpu.dma_semaphore, #tpu.memory_space<semaphore_mem>>) src(%dma_wait3A_1271 : memref<16xf32, #tpu.memory_space<hbm>>) dst(%dma_wait3A_1269 : memref<16xf32, #tpu.memory_space<vmem>>)
    %dma_wait3A_1272 = arith.constant 48 : i32
    %dma_wait3A_1273 = tpu.memref_slice %arg6[%dma_wait3A_1272] : memref<512xf32, #tpu.memory_space<vmem>> -> memref<16xf32, #tpu.memory_space<vmem>>
    %dma_wait3A_1274 = tpu.memref_slice %arg2[%add3A_142, %multiple_of3A_140] : memref<1024x100000xf32, #tpu.memory_space<hbm>> -> memref<1x16xf32, #tpu.memory_space<hbm>>
    %dma_wait3A_1275 = tpu.memref_squeeze %dma_wait3A_1274 : memref<1x16xf32, #tpu.memory_space<hbm>> -> memref<16xf32, #tpu.memory_space<hbm>>
    %dma_wait3A_1276 = arith.constant 48 : i32
    %dma_wait3A_1277 = tpu.memref_slice %arg6[%dma_wait3A_1276] : memref<512xf32, #tpu.memory_space<vmem>> -> memref<16xf32, #tpu.memory_space<vmem>>
    %dma_wait3A_1278 = tpu.memref_slice %arg2[%add3A_142, %multiple_of3A_140] : memref<1024x100000xf32, #tpu.memory_space<hbm>> -> memref<1x16xf32, #tpu.memory_space<hbm>>
    %dma_wait3A_1279 = tpu.memref_squeeze %dma_wait3A_1278 : memref<1x16xf32, #tpu.memory_space<hbm>> -> memref<16xf32, #tpu.memory_space<hbm>>
    tpu.wait_dma2 semaphore(%arg8 : memref<!tpu.dma_semaphore, #tpu.memory_space<semaphore_mem>>) src(%dma_wait3A_1279 : memref<16xf32, #tpu.memory_space<hbm>>) dst(%dma_wait3A_1277 : memref<16xf32, #tpu.memory_space<vmem>>)
    %dma_wait3A_1280 = arith.constant 64 : i32
    %dma_wait3A_1281 = tpu.memref_slice %arg6[%dma_wait3A_1280] : memref<512xf32, #tpu.memory_space<vmem>> -> memref<16xf32, #tpu.memory_space<vmem>>
    %dma_wait3A_1282 = tpu.memref_slice %arg2[%add3A_181, %multiple_of3A_179] : memref<1024x100000xf32, #tpu.memory_space<hbm>> -> memref<1x16xf32, #tpu.memory_space<hbm>>
    %dma_wait3A_1283 = tpu.memref_squeeze %dma_wait3A_1282 : memref<1x16xf32, #tpu.memory_space<hbm>> -> memref<16xf32, #tpu.memory_space<hbm>>
    %dma_wait3A_1284 = arith.constant 64 : i32
    %dma_wait3A_1285 = tpu.memref_slice %arg6[%dma_wait3A_1284] : memref<512xf32, #tpu.memory_space<vmem>> -> memref<16xf32, #tpu.memory_space<vmem>>
    %dma_wait3A_1286 = tpu.memref_slice %arg2[%add3A_181, %multiple_of3A_179] : memref<1024x100000xf32, #tpu.memory_space<hbm>> -> memref<1x16xf32, #tpu.memory_space<hbm>>
    %dma_wait3A_1287 = tpu.memref_squeeze %dma_wait3A_1286 : memref<1x16xf32, #tpu.memory_space<hbm>> -> memref<16xf32, #tpu.memory_space<hbm>>
    tpu.wait_dma2 semaphore(%arg8 : memref<!tpu.dma_semaphore, #tpu.memory_space<semaphore_mem>>) src(%dma_wait3A_1287 : memref<16xf32, #tpu.memory_space<hbm>>) dst(%dma_wait3A_1285 : memref<16xf32, #tpu.memory_space<vmem>>)
    %dma_wait3A_1288 = arith.constant 80 : i32
    %dma_wait3A_1289 = tpu.memref_slice %arg6[%dma_wait3A_1288] : memref<512xf32, #tpu.memory_space<vmem>> -> memref<16xf32, #tpu.memory_space<vmem>>
    %dma_wait3A_1290 = tpu.memref_slice %arg2[%add3A_220, %multiple_of3A_218] : memref<1024x100000xf32, #tpu.memory_space<hbm>> -> memref<1x16xf32, #tpu.memory_space<hbm>>
    %dma_wait3A_1291 = tpu.memref_squeeze %dma_wait3A_1290 : memref<1x16xf32, #tpu.memory_space<hbm>> -> memref<16xf32, #tpu.memory_space<hbm>>
    %dma_wait3A_1292 = arith.constant 80 : i32
    %dma_wait3A_1293 = tpu.memref_slice %arg6[%dma_wait3A_1292] : memref<512xf32, #tpu.memory_space<vmem>> -> memref<16xf32, #tpu.memory_space<vmem>>
    %dma_wait3A_1294 = tpu.memref_slice %arg2[%add3A_220, %multiple_of3A_218] : memref<1024x100000xf32, #tpu.memory_space<hbm>> -> memref<1x16xf32, #tpu.memory_space<hbm>>
    %dma_wait3A_1295 = tpu.memref_squeeze %dma_wait3A_1294 : memref<1x16xf32, #tpu.memory_space<hbm>> -> memref<16xf32, #tpu.memory_space<hbm>>
    tpu.wait_dma2 semaphore(%arg8 : memref<!tpu.dma_semaphore, #tpu.memory_space<semaphore_mem>>) src(%dma_wait3A_1295 : memref<16xf32, #tpu.memory_space<hbm>>) dst(%dma_wait3A_1293 : memref<16xf32, #tpu.memory_space<vmem>>)
    %dma_wait3A_1296 = arith.constant 96 : i32
    %dma_wait3A_1297 = tpu.memref_slice %arg6[%dma_wait3A_1296] : memref<512xf32, #tpu.memory_space<vmem>> -> memref<16xf32, #tpu.memory_space<vmem>>
    %dma_wait3A_1298 = tpu.memref_slice %arg2[%add3A_259, %multiple_of3A_257] : memref<1024x100000xf32, #tpu.memory_space<hbm>> -> memref<1x16xf32, #tpu.memory_space<hbm>>
    %dma_wait3A_1299 = tpu.memref_squeeze %dma_wait3A_1298 : memref<1x16xf32, #tpu.memory_space<hbm>> -> memref<16xf32, #tpu.memory_space<hbm>>
    %dma_wait3A_1300 = arith.constant 96 : i32
    %dma_wait3A_1301 = tpu.memref_slice %arg6[%dma_wait3A_1300] : memref<512xf32, #tpu.memory_space<vmem>> -> memref<16xf32, #tpu.memory_space<vmem>>
    %dma_wait3A_1302 = tpu.memref_slice %arg2[%add3A_259, %multiple_of3A_257] : memref<1024x100000xf32, #tpu.memory_space<hbm>> -> memref<1x16xf32, #tpu.memory_space<hbm>>
    %dma_wait3A_1303 = tpu.memref_squeeze %dma_wait3A_1302 : memref<1x16xf32, #tpu.memory_space<hbm>> -> memref<16xf32, #tpu.memory_space<hbm>>
    tpu.wait_dma2 semaphore(%arg8 : memref<!tpu.dma_semaphore, #tpu.memory_space<semaphore_mem>>) src(%dma_wait3A_1303 : memref<16xf32, #tpu.memory_space<hbm>>) dst(%dma_wait3A_1301 : memref<16xf32, #tpu.memory_space<vmem>>)
    %dma_wait3A_1304 = arith.constant 112 : i32
    %dma_wait3A_1305 = tpu.memref_slice %arg6[%dma_wait3A_1304] : memref<512xf32, #tpu.memory_space<vmem>> -> memref<16xf32, #tpu.memory_space<vmem>>
    %dma_wait3A_1306 = tpu.memref_slice %arg2[%add3A_298, %multiple_of3A_296] : memref<1024x100000xf32, #tpu.memory_space<hbm>> -> memref<1x16xf32, #tpu.memory_space<hbm>>
    %dma_wait3A_1307 = tpu.memref_squeeze %dma_wait3A_1306 : memref<1x16xf32, #tpu.memory_space<hbm>> -> memref<16xf32, #tpu.memory_space<hbm>>
    %dma_wait3A_1308 = arith.constant 112 : i32
    %dma_wait3A_1309 = tpu.memref_slice %arg6[%dma_wait3A_1308] : memref<512xf32, #tpu.memory_space<vmem>> -> memref<16xf32, #tpu.memory_space<vmem>>
    %dma_wait3A_1310 = tpu.memref_slice %arg2[%add3A_298, %multiple_of3A_296] : memref<1024x100000xf32, #tpu.memory_space<hbm>> -> memref<1x16xf32, #tpu.memory_space<hbm>>
    %dma_wait3A_1311 = tpu.memref_squeeze %dma_wait3A_1310 : memref<1x16xf32, #tpu.memory_space<hbm>> -> memref<16xf32, #tpu.memory_space<hbm>>
    tpu.wait_dma2 semaphore(%arg8 : memref<!tpu.dma_semaphore, #tpu.memory_space<semaphore_mem>>) src(%dma_wait3A_1311 : memref<16xf32, #tpu.memory_space<hbm>>) dst(%dma_wait3A_1309 : memref<16xf32, #tpu.memory_space<vmem>>)
    %dma_wait3A_1312 = arith.constant 128 : i32
    %dma_wait3A_1313 = tpu.memref_slice %arg6[%dma_wait3A_1312] : memref<512xf32, #tpu.memory_space<vmem>> -> memref<16xf32, #tpu.memory_space<vmem>>
    %dma_wait3A_1314 = tpu.memref_slice %arg2[%add3A_337, %multiple_of3A_335] : memref<1024x100000xf32, #tpu.memory_space<hbm>> -> memref<1x16xf32, #tpu.memory_space<hbm>>
    %dma_wait3A_1315 = tpu.memref_squeeze %dma_wait3A_1314 : memref<1x16xf32, #tpu.memory_space<hbm>> -> memref<16xf32, #tpu.memory_space<hbm>>
    %dma_wait3A_1316 = arith.constant 128 : i32
    %dma_wait3A_1317 = tpu.memref_slice %arg6[%dma_wait3A_1316] : memref<512xf32, #tpu.memory_space<vmem>> -> memref<16xf32, #tpu.memory_space<vmem>>
    %dma_wait3A_1318 = tpu.memref_slice %arg2[%add3A_337, %multiple_of3A_335] : memref<1024x100000xf32, #tpu.memory_space<hbm>> -> memref<1x16xf32, #tpu.memory_space<hbm>>
    %dma_wait3A_1319 = tpu.memref_squeeze %dma_wait3A_1318 : memref<1x16xf32, #tpu.memory_space<hbm>> -> memref<16xf32, #tpu.memory_space<hbm>>
    tpu.wait_dma2 semaphore(%arg8 : memref<!tpu.dma_semaphore, #tpu.memory_space<semaphore_mem>>) src(%dma_wait3A_1319 : memref<16xf32, #tpu.memory_space<hbm>>) dst(%dma_wait3A_1317 : memref<16xf32, #tpu.memory_space<vmem>>)
    %dma_wait3A_1320 = arith.constant 144 : i32
    %dma_wait3A_1321 = tpu.memref_slice %arg6[%dma_wait3A_1320] : memref<512xf32, #tpu.memory_space<vmem>> -> memref<16xf32, #tpu.memory_space<vmem>>
    %dma_wait3A_1322 = tpu.memref_slice %arg2[%add3A_376, %multiple_of3A_374] : memref<1024x100000xf32, #tpu.memory_space<hbm>> -> memref<1x16xf32, #tpu.memory_space<hbm>>
    %dma_wait3A_1323 = tpu.memref_squeeze %dma_wait3A_1322 : memref<1x16xf32, #tpu.memory_space<hbm>> -> memref<16xf32, #tpu.memory_space<hbm>>
    %dma_wait3A_1324 = arith.constant 144 : i32
    %dma_wait3A_1325 = tpu.memref_slice %arg6[%dma_wait3A_1324] : memref<512xf32, #tpu.memory_space<vmem>> -> memref<16xf32, #tpu.memory_space<vmem>>
    %dma_wait3A_1326 = tpu.memref_slice %arg2[%add3A_376, %multiple_of3A_374] : memref<1024x100000xf32, #tpu.memory_space<hbm>> -> memref<1x16xf32, #tpu.memory_space<hbm>>
    %dma_wait3A_1327 = tpu.memref_squeeze %dma_wait3A_1326 : memref<1x16xf32, #tpu.memory_space<hbm>> -> memref<16xf32, #tpu.memory_space<hbm>>
    tpu.wait_dma2 semaphore(%arg8 : memref<!tpu.dma_semaphore, #tpu.memory_space<semaphore_mem>>) src(%dma_wait3A_1327 : memref<16xf32, #tpu.memory_space<hbm>>) dst(%dma_wait3A_1325 : memref<16xf32, #tpu.memory_space<vmem>>)
    %dma_wait3A_1328 = arith.constant 160 : i32
    %dma_wait3A_1329 = tpu.memref_slice %arg6[%dma_wait3A_1328] : memref<512xf32, #tpu.memory_space<vmem>> -> memref<16xf32, #tpu.memory_space<vmem>>
    %dma_wait3A_1330 = tpu.memref_slice %arg2[%add3A_415, %multiple_of3A_413] : memref<1024x100000xf32, #tpu.memory_space<hbm>> -> memref<1x16xf32, #tpu.memory_space<hbm>>
    %dma_wait3A_1331 = tpu.memref_squeeze %dma_wait3A_1330 : memref<1x16xf32, #tpu.memory_space<hbm>> -> memref<16xf32, #tpu.memory_space<hbm>>
    %dma_wait3A_1332 = arith.constant 160 : i32
    %dma_wait3A_1333 = tpu.memref_slice %arg6[%dma_wait3A_1332] : memref<512xf32, #tpu.memory_space<vmem>> -> memref<16xf32, #tpu.memory_space<vmem>>
    %dma_wait3A_1334 = tpu.memref_slice %arg2[%add3A_415, %multiple_of3A_413] : memref<1024x100000xf32, #tpu.memory_space<hbm>> -> memref<1x16xf32, #tpu.memory_space<hbm>>
    %dma_wait3A_1335 = tpu.memref_squeeze %dma_wait3A_1334 : memref<1x16xf32, #tpu.memory_space<hbm>> -> memref<16xf32, #tpu.memory_space<hbm>>
    tpu.wait_dma2 semaphore(%arg8 : memref<!tpu.dma_semaphore, #tpu.memory_space<semaphore_mem>>) src(%dma_wait3A_1335 : memref<16xf32, #tpu.memory_space<hbm>>) dst(%dma_wait3A_1333 : memref<16xf32, #tpu.memory_space<vmem>>)
    %dma_wait3A_1336 = arith.constant 176 : i32
    %dma_wait3A_1337 = tpu.memref_slice %arg6[%dma_wait3A_1336] : memref<512xf32, #tpu.memory_space<vmem>> -> memref<16xf32, #tpu.memory_space<vmem>>
    %dma_wait3A_1338 = tpu.memref_slice %arg2[%add3A_454, %multiple_of3A_452] : memref<1024x100000xf32, #tpu.memory_space<hbm>> -> memref<1x16xf32, #tpu.memory_space<hbm>>
    %dma_wait3A_1339 = tpu.memref_squeeze %dma_wait3A_1338 : memref<1x16xf32, #tpu.memory_space<hbm>> -> memref<16xf32, #tpu.memory_space<hbm>>
    %dma_wait3A_1340 = arith.constant 176 : i32
    %dma_wait3A_1341 = tpu.memref_slice %arg6[%dma_wait3A_1340] : memref<512xf32, #tpu.memory_space<vmem>> -> memref<16xf32, #tpu.memory_space<vmem>>
    %dma_wait3A_1342 = tpu.memref_slice %arg2[%add3A_454, %multiple_of3A_452] : memref<1024x100000xf32, #tpu.memory_space<hbm>> -> memref<1x16xf32, #tpu.memory_space<hbm>>
    %dma_wait3A_1343 = tpu.memref_squeeze %dma_wait3A_1342 : memref<1x16xf32, #tpu.memory_space<hbm>> -> memref<16xf32, #tpu.memory_space<hbm>>
    tpu.wait_dma2 semaphore(%arg8 : memref<!tpu.dma_semaphore, #tpu.memory_space<semaphore_mem>>) src(%dma_wait3A_1343 : memref<16xf32, #tpu.memory_space<hbm>>) dst(%dma_wait3A_1341 : memref<16xf32, #tpu.memory_space<vmem>>)
    %dma_wait3A_1344 = arith.constant 192 : i32
    %dma_wait3A_1345 = tpu.memref_slice %arg6[%dma_wait3A_1344] : memref<512xf32, #tpu.memory_space<vmem>> -> memref<16xf32, #tpu.memory_space<vmem>>
    %dma_wait3A_1346 = tpu.memref_slice %arg2[%add3A_493, %multiple_of3A_491] : memref<1024x100000xf32, #tpu.memory_space<hbm>> -> memref<1x16xf32, #tpu.memory_space<hbm>>
    %dma_wait3A_1347 = tpu.memref_squeeze %dma_wait3A_1346 : memref<1x16xf32, #tpu.memory_space<hbm>> -> memref<16xf32, #tpu.memory_space<hbm>>
    %dma_wait3A_1348 = arith.constant 192 : i32
    %dma_wait3A_1349 = tpu.memref_slice %arg6[%dma_wait3A_1348] : memref<512xf32, #tpu.memory_space<vmem>> -> memref<16xf32, #tpu.memory_space<vmem>>
    %dma_wait3A_1350 = tpu.memref_slice %arg2[%add3A_493, %multiple_of3A_491] : memref<1024x100000xf32, #tpu.memory_space<hbm>> -> memref<1x16xf32, #tpu.memory_space<hbm>>
    %dma_wait3A_1351 = tpu.memref_squeeze %dma_wait3A_1350 : memref<1x16xf32, #tpu.memory_space<hbm>> -> memref<16xf32, #tpu.memory_space<hbm>>
    tpu.wait_dma2 semaphore(%arg8 : memref<!tpu.dma_semaphore, #tpu.memory_space<semaphore_mem>>) src(%dma_wait3A_1351 : memref<16xf32, #tpu.memory_space<hbm>>) dst(%dma_wait3A_1349 : memref<16xf32, #tpu.memory_space<vmem>>)
    %dma_wait3A_1352 = arith.constant 208 : i32
    %dma_wait3A_1353 = tpu.memref_slice %arg6[%dma_wait3A_1352] : memref<512xf32, #tpu.memory_space<vmem>> -> memref<16xf32, #tpu.memory_space<vmem>>
    %dma_wait3A_1354 = tpu.memref_slice %arg2[%add3A_532, %multiple_of3A_530] : memref<1024x100000xf32, #tpu.memory_space<hbm>> -> memref<1x16xf32, #tpu.memory_space<hbm>>
    %dma_wait3A_1355 = tpu.memref_squeeze %dma_wait3A_1354 : memref<1x16xf32, #tpu.memory_space<hbm>> -> memref<16xf32, #tpu.memory_space<hbm>>
    %dma_wait3A_1356 = arith.constant 208 : i32
    %dma_wait3A_1357 = tpu.memref_slice %arg6[%dma_wait3A_1356] : memref<512xf32, #tpu.memory_space<vmem>> -> memref<16xf32, #tpu.memory_space<vmem>>
    %dma_wait3A_1358 = tpu.memref_slice %arg2[%add3A_532, %multiple_of3A_530] : memref<1024x100000xf32, #tpu.memory_space<hbm>> -> memref<1x16xf32, #tpu.memory_space<hbm>>
    %dma_wait3A_1359 = tpu.memref_squeeze %dma_wait3A_1358 : memref<1x16xf32, #tpu.memory_space<hbm>> -> memref<16xf32, #tpu.memory_space<hbm>>
    tpu.wait_dma2 semaphore(%arg8 : memref<!tpu.dma_semaphore, #tpu.memory_space<semaphore_mem>>) src(%dma_wait3A_1359 : memref<16xf32, #tpu.memory_space<hbm>>) dst(%dma_wait3A_1357 : memref<16xf32, #tpu.memory_space<vmem>>)
    %dma_wait3A_1360 = arith.constant 224 : i32
    %dma_wait3A_1361 = tpu.memref_slice %arg6[%dma_wait3A_1360] : memref<512xf32, #tpu.memory_space<vmem>> -> memref<16xf32, #tpu.memory_space<vmem>>
    %dma_wait3A_1362 = tpu.memref_slice %arg2[%add3A_571, %multiple_of3A_569] : memref<1024x100000xf32, #tpu.memory_space<hbm>> -> memref<1x16xf32, #tpu.memory_space<hbm>>
    %dma_wait3A_1363 = tpu.memref_squeeze %dma_wait3A_1362 : memref<1x16xf32, #tpu.memory_space<hbm>> -> memref<16xf32, #tpu.memory_space<hbm>>
    %dma_wait3A_1364 = arith.constant 224 : i32
    %dma_wait3A_1365 = tpu.memref_slice %arg6[%dma_wait3A_1364] : memref<512xf32, #tpu.memory_space<vmem>> -> memref<16xf32, #tpu.memory_space<vmem>>
    %dma_wait3A_1366 = tpu.memref_slice %arg2[%add3A_571, %multiple_of3A_569] : memref<1024x100000xf32, #tpu.memory_space<hbm>> -> memref<1x16xf32, #tpu.memory_space<hbm>>
    %dma_wait3A_1367 = tpu.memref_squeeze %dma_wait3A_1366 : memref<1x16xf32, #tpu.memory_space<hbm>> -> memref<16xf32, #tpu.memory_space<hbm>>
    tpu.wait_dma2 semaphore(%arg8 : memref<!tpu.dma_semaphore, #tpu.memory_space<semaphore_mem>>) src(%dma_wait3A_1367 : memref<16xf32, #tpu.memory_space<hbm>>) dst(%dma_wait3A_1365 : memref<16xf32, #tpu.memory_space<vmem>>)
    %dma_wait3A_1368 = arith.constant 240 : i32
    %dma_wait3A_1369 = tpu.memref_slice %arg6[%dma_wait3A_1368] : memref<512xf32, #tpu.memory_space<vmem>> -> memref<16xf32, #tpu.memory_space<vmem>>
    %dma_wait3A_1370 = tpu.memref_slice %arg2[%add3A_610, %multiple_of3A_608] : memref<1024x100000xf32, #tpu.memory_space<hbm>> -> memref<1x16xf32, #tpu.memory_space<hbm>>
    %dma_wait3A_1371 = tpu.memref_squeeze %dma_wait3A_1370 : memref<1x16xf32, #tpu.memory_space<hbm>> -> memref<16xf32, #tpu.memory_space<hbm>>
    %dma_wait3A_1372 = arith.constant 240 : i32
    %dma_wait3A_1373 = tpu.memref_slice %arg6[%dma_wait3A_1372] : memref<512xf32, #tpu.memory_space<vmem>> -> memref<16xf32, #tpu.memory_space<vmem>>
    %dma_wait3A_1374 = tpu.memref_slice %arg2[%add3A_610, %multiple_of3A_608] : memref<1024x100000xf32, #tpu.memory_space<hbm>> -> memref<1x16xf32, #tpu.memory_space<hbm>>
    %dma_wait3A_1375 = tpu.memref_squeeze %dma_wait3A_1374 : memref<1x16xf32, #tpu.memory_space<hbm>> -> memref<16xf32, #tpu.memory_space<hbm>>
    tpu.wait_dma2 semaphore(%arg8 : memref<!tpu.dma_semaphore, #tpu.memory_space<semaphore_mem>>) src(%dma_wait3A_1375 : memref<16xf32, #tpu.memory_space<hbm>>) dst(%dma_wait3A_1373 : memref<16xf32, #tpu.memory_space<vmem>>)
    %dma_wait3A_1376 = arith.constant 256 : i32
    %dma_wait3A_1377 = tpu.memref_slice %arg6[%dma_wait3A_1376] : memref<512xf32, #tpu.memory_space<vmem>> -> memref<16xf32, #tpu.memory_space<vmem>>
    %dma_wait3A_1378 = tpu.memref_slice %arg2[%add3A_655, %multiple_of3A_653] : memref<1024x100000xf32, #tpu.memory_space<hbm>> -> memref<1x16xf32, #tpu.memory_space<hbm>>
    %dma_wait3A_1379 = tpu.memref_squeeze %dma_wait3A_1378 : memref<1x16xf32, #tpu.memory_space<hbm>> -> memref<16xf32, #tpu.memory_space<hbm>>
    %dma_wait3A_1380 = arith.constant 256 : i32
    %dma_wait3A_1381 = tpu.memref_slice %arg6[%dma_wait3A_1380] : memref<512xf32, #tpu.memory_space<vmem>> -> memref<16xf32, #tpu.memory_space<vmem>>
    %dma_wait3A_1382 = tpu.memref_slice %arg2[%add3A_655, %multiple_of3A_653] : memref<1024x100000xf32, #tpu.memory_space<hbm>> -> memref<1x16xf32, #tpu.memory_space<hbm>>
    %dma_wait3A_1383 = tpu.memref_squeeze %dma_wait3A_1382 : memref<1x16xf32, #tpu.memory_space<hbm>> -> memref<16xf32, #tpu.memory_space<hbm>>
    tpu.wait_dma2 semaphore(%arg8 : memref<!tpu.dma_semaphore, #tpu.memory_space<semaphore_mem>>) src(%dma_wait3A_1383 : memref<16xf32, #tpu.memory_space<hbm>>) dst(%dma_wait3A_1381 : memref<16xf32, #tpu.memory_space<vmem>>)
    %dma_wait3A_1384 = arith.constant 272 : i32
    %dma_wait3A_1385 = tpu.memref_slice %arg6[%dma_wait3A_1384] : memref<512xf32, #tpu.memory_space<vmem>> -> memref<16xf32, #tpu.memory_space<vmem>>
    %dma_wait3A_1386 = tpu.memref_slice %arg2[%add3A_694, %multiple_of3A_692] : memref<1024x100000xf32, #tpu.memory_space<hbm>> -> memref<1x16xf32, #tpu.memory_space<hbm>>
    %dma_wait3A_1387 = tpu.memref_squeeze %dma_wait3A_1386 : memref<1x16xf32, #tpu.memory_space<hbm>> -> memref<16xf32, #tpu.memory_space<hbm>>
    %dma_wait3A_1388 = arith.constant 272 : i32
    %dma_wait3A_1389 = tpu.memref_slice %arg6[%dma_wait3A_1388] : memref<512xf32, #tpu.memory_space<vmem>> -> memref<16xf32, #tpu.memory_space<vmem>>
    %dma_wait3A_1390 = tpu.memref_slice %arg2[%add3A_694, %multiple_of3A_692] : memref<1024x100000xf32, #tpu.memory_space<hbm>> -> memref<1x16xf32, #tpu.memory_space<hbm>>
    %dma_wait3A_1391 = tpu.memref_squeeze %dma_wait3A_1390 : memref<1x16xf32, #tpu.memory_space<hbm>> -> memref<16xf32, #tpu.memory_space<hbm>>
    tpu.wait_dma2 semaphore(%arg8 : memref<!tpu.dma_semaphore, #tpu.memory_space<semaphore_mem>>) src(%dma_wait3A_1391 : memref<16xf32, #tpu.memory_space<hbm>>) dst(%dma_wait3A_1389 : memref<16xf32, #tpu.memory_space<vmem>>)
    %dma_wait3A_1392 = arith.constant 288 : i32
    %dma_wait3A_1393 = tpu.memref_slice %arg6[%dma_wait3A_1392] : memref<512xf32, #tpu.memory_space<vmem>> -> memref<16xf32, #tpu.memory_space<vmem>>
    %dma_wait3A_1394 = tpu.memref_slice %arg2[%add3A_733, %multiple_of3A_731] : memref<1024x100000xf32, #tpu.memory_space<hbm>> -> memref<1x16xf32, #tpu.memory_space<hbm>>
    %dma_wait3A_1395 = tpu.memref_squeeze %dma_wait3A_1394 : memref<1x16xf32, #tpu.memory_space<hbm>> -> memref<16xf32, #tpu.memory_space<hbm>>
    %dma_wait3A_1396 = arith.constant 288 : i32
    %dma_wait3A_1397 = tpu.memref_slice %arg6[%dma_wait3A_1396] : memref<512xf32, #tpu.memory_space<vmem>> -> memref<16xf32, #tpu.memory_space<vmem>>
    %dma_wait3A_1398 = tpu.memref_slice %arg2[%add3A_733, %multiple_of3A_731] : memref<1024x100000xf32, #tpu.memory_space<hbm>> -> memref<1x16xf32, #tpu.memory_space<hbm>>
    %dma_wait3A_1399 = tpu.memref_squeeze %dma_wait3A_1398 : memref<1x16xf32, #tpu.memory_space<hbm>> -> memref<16xf32, #tpu.memory_space<hbm>>
    tpu.wait_dma2 semaphore(%arg8 : memref<!tpu.dma_semaphore, #tpu.memory_space<semaphore_mem>>) src(%dma_wait3A_1399 : memref<16xf32, #tpu.memory_space<hbm>>) dst(%dma_wait3A_1397 : memref<16xf32, #tpu.memory_space<vmem>>)
    %dma_wait3A_1400 = arith.constant 304 : i32
    %dma_wait3A_1401 = tpu.memref_slice %arg6[%dma_wait3A_1400] : memref<512xf32, #tpu.memory_space<vmem>> -> memref<16xf32, #tpu.memory_space<vmem>>
    %dma_wait3A_1402 = tpu.memref_slice %arg2[%add3A_772, %multiple_of3A_770] : memref<1024x100000xf32, #tpu.memory_space<hbm>> -> memref<1x16xf32, #tpu.memory_space<hbm>>
    %dma_wait3A_1403 = tpu.memref_squeeze %dma_wait3A_1402 : memref<1x16xf32, #tpu.memory_space<hbm>> -> memref<16xf32, #tpu.memory_space<hbm>>
    %dma_wait3A_1404 = arith.constant 304 : i32
    %dma_wait3A_1405 = tpu.memref_slice %arg6[%dma_wait3A_1404] : memref<512xf32, #tpu.memory_space<vmem>> -> memref<16xf32, #tpu.memory_space<vmem>>
    %dma_wait3A_1406 = tpu.memref_slice %arg2[%add3A_772, %multiple_of3A_770] : memref<1024x100000xf32, #tpu.memory_space<hbm>> -> memref<1x16xf32, #tpu.memory_space<hbm>>
    %dma_wait3A_1407 = tpu.memref_squeeze %dma_wait3A_1406 : memref<1x16xf32, #tpu.memory_space<hbm>> -> memref<16xf32, #tpu.memory_space<hbm>>
    tpu.wait_dma2 semaphore(%arg8 : memref<!tpu.dma_semaphore, #tpu.memory_space<semaphore_mem>>) src(%dma_wait3A_1407 : memref<16xf32, #tpu.memory_space<hbm>>) dst(%dma_wait3A_1405 : memref<16xf32, #tpu.memory_space<vmem>>)
    %dma_wait3A_1408 = arith.constant 320 : i32
    %dma_wait3A_1409 = tpu.memref_slice %arg6[%dma_wait3A_1408] : memref<512xf32, #tpu.memory_space<vmem>> -> memref<16xf32, #tpu.memory_space<vmem>>
    %dma_wait3A_1410 = tpu.memref_slice %arg2[%add3A_811, %multiple_of3A_809] : memref<1024x100000xf32, #tpu.memory_space<hbm>> -> memref<1x16xf32, #tpu.memory_space<hbm>>
    %dma_wait3A_1411 = tpu.memref_squeeze %dma_wait3A_1410 : memref<1x16xf32, #tpu.memory_space<hbm>> -> memref<16xf32, #tpu.memory_space<hbm>>
    %dma_wait3A_1412 = arith.constant 320 : i32
    %dma_wait3A_1413 = tpu.memref_slice %arg6[%dma_wait3A_1412] : memref<512xf32, #tpu.memory_space<vmem>> -> memref<16xf32, #tpu.memory_space<vmem>>
    %dma_wait3A_1414 = tpu.memref_slice %arg2[%add3A_811, %multiple_of3A_809] : memref<1024x100000xf32, #tpu.memory_space<hbm>> -> memref<1x16xf32, #tpu.memory_space<hbm>>
    %dma_wait3A_1415 = tpu.memref_squeeze %dma_wait3A_1414 : memref<1x16xf32, #tpu.memory_space<hbm>> -> memref<16xf32, #tpu.memory_space<hbm>>
    tpu.wait_dma2 semaphore(%arg8 : memref<!tpu.dma_semaphore, #tpu.memory_space<semaphore_mem>>) src(%dma_wait3A_1415 : memref<16xf32, #tpu.memory_space<hbm>>) dst(%dma_wait3A_1413 : memref<16xf32, #tpu.memory_space<vmem>>)
    %dma_wait3A_1416 = arith.constant 336 : i32
    %dma_wait3A_1417 = tpu.memref_slice %arg6[%dma_wait3A_1416] : memref<512xf32, #tpu.memory_space<vmem>> -> memref<16xf32, #tpu.memory_space<vmem>>
    %dma_wait3A_1418 = tpu.memref_slice %arg2[%add3A_850, %multiple_of3A_848] : memref<1024x100000xf32, #tpu.memory_space<hbm>> -> memref<1x16xf32, #tpu.memory_space<hbm>>
    %dma_wait3A_1419 = tpu.memref_squeeze %dma_wait3A_1418 : memref<1x16xf32, #tpu.memory_space<hbm>> -> memref<16xf32, #tpu.memory_space<hbm>>
    %dma_wait3A_1420 = arith.constant 336 : i32
    %dma_wait3A_1421 = tpu.memref_slice %arg6[%dma_wait3A_1420] : memref<512xf32, #tpu.memory_space<vmem>> -> memref<16xf32, #tpu.memory_space<vmem>>
    %dma_wait3A_1422 = tpu.memref_slice %arg2[%add3A_850, %multiple_of3A_848] : memref<1024x100000xf32, #tpu.memory_space<hbm>> -> memref<1x16xf32, #tpu.memory_space<hbm>>
    %dma_wait3A_1423 = tpu.memref_squeeze %dma_wait3A_1422 : memref<1x16xf32, #tpu.memory_space<hbm>> -> memref<16xf32, #tpu.memory_space<hbm>>
    tpu.wait_dma2 semaphore(%arg8 : memref<!tpu.dma_semaphore, #tpu.memory_space<semaphore_mem>>) src(%dma_wait3A_1423 : memref<16xf32, #tpu.memory_space<hbm>>) dst(%dma_wait3A_1421 : memref<16xf32, #tpu.memory_space<vmem>>)
    %dma_wait3A_1424 = arith.constant 352 : i32
    %dma_wait3A_1425 = tpu.memref_slice %arg6[%dma_wait3A_1424] : memref<512xf32, #tpu.memory_space<vmem>> -> memref<16xf32, #tpu.memory_space<vmem>>
    %dma_wait3A_1426 = tpu.memref_slice %arg2[%add3A_889, %multiple_of3A_887] : memref<1024x100000xf32, #tpu.memory_space<hbm>> -> memref<1x16xf32, #tpu.memory_space<hbm>>
    %dma_wait3A_1427 = tpu.memref_squeeze %dma_wait3A_1426 : memref<1x16xf32, #tpu.memory_space<hbm>> -> memref<16xf32, #tpu.memory_space<hbm>>
    %dma_wait3A_1428 = arith.constant 352 : i32
    %dma_wait3A_1429 = tpu.memref_slice %arg6[%dma_wait3A_1428] : memref<512xf32, #tpu.memory_space<vmem>> -> memref<16xf32, #tpu.memory_space<vmem>>
    %dma_wait3A_1430 = tpu.memref_slice %arg2[%add3A_889, %multiple_of3A_887] : memref<1024x100000xf32, #tpu.memory_space<hbm>> -> memref<1x16xf32, #tpu.memory_space<hbm>>
    %dma_wait3A_1431 = tpu.memref_squeeze %dma_wait3A_1430 : memref<1x16xf32, #tpu.memory_space<hbm>> -> memref<16xf32, #tpu.memory_space<hbm>>
    tpu.wait_dma2 semaphore(%arg8 : memref<!tpu.dma_semaphore, #tpu.memory_space<semaphore_mem>>) src(%dma_wait3A_1431 : memref<16xf32, #tpu.memory_space<hbm>>) dst(%dma_wait3A_1429 : memref<16xf32, #tpu.memory_space<vmem>>)
    %dma_wait3A_1432 = arith.constant 368 : i32
    %dma_wait3A_1433 = tpu.memref_slice %arg6[%dma_wait3A_1432] : memref<512xf32, #tpu.memory_space<vmem>> -> memref<16xf32, #tpu.memory_space<vmem>>
    %dma_wait3A_1434 = tpu.memref_slice %arg2[%add3A_928, %multiple_of3A_926] : memref<1024x100000xf32, #tpu.memory_space<hbm>> -> memref<1x16xf32, #tpu.memory_space<hbm>>
    %dma_wait3A_1435 = tpu.memref_squeeze %dma_wait3A_1434 : memref<1x16xf32, #tpu.memory_space<hbm>> -> memref<16xf32, #tpu.memory_space<hbm>>
    %dma_wait3A_1436 = arith.constant 368 : i32
    %dma_wait3A_1437 = tpu.memref_slice %arg6[%dma_wait3A_1436] : memref<512xf32, #tpu.memory_space<vmem>> -> memref<16xf32, #tpu.memory_space<vmem>>
    %dma_wait3A_1438 = tpu.memref_slice %arg2[%add3A_928, %multiple_of3A_926] : memref<1024x100000xf32, #tpu.memory_space<hbm>> -> memref<1x16xf32, #tpu.memory_space<hbm>>
    %dma_wait3A_1439 = tpu.memref_squeeze %dma_wait3A_1438 : memref<1x16xf32, #tpu.memory_space<hbm>> -> memref<16xf32, #tpu.memory_space<hbm>>
    tpu.wait_dma2 semaphore(%arg8 : memref<!tpu.dma_semaphore, #tpu.memory_space<semaphore_mem>>) src(%dma_wait3A_1439 : memref<16xf32, #tpu.memory_space<hbm>>) dst(%dma_wait3A_1437 : memref<16xf32, #tpu.memory_space<vmem>>)
    %dma_wait3A_1440 = arith.constant 384 : i32
    %dma_wait3A_1441 = tpu.memref_slice %arg6[%dma_wait3A_1440] : memref<512xf32, #tpu.memory_space<vmem>> -> memref<16xf32, #tpu.memory_space<vmem>>
    %dma_wait3A_1442 = tpu.memref_slice %arg2[%add3A_967, %multiple_of3A_965] : memref<1024x100000xf32, #tpu.memory_space<hbm>> -> memref<1x16xf32, #tpu.memory_space<hbm>>
    %dma_wait3A_1443 = tpu.memref_squeeze %dma_wait3A_1442 : memref<1x16xf32, #tpu.memory_space<hbm>> -> memref<16xf32, #tpu.memory_space<hbm>>
    %dma_wait3A_1444 = arith.constant 384 : i32
    %dma_wait3A_1445 = tpu.memref_slice %arg6[%dma_wait3A_1444] : memref<512xf32, #tpu.memory_space<vmem>> -> memref<16xf32, #tpu.memory_space<vmem>>
    %dma_wait3A_1446 = tpu.memref_slice %arg2[%add3A_967, %multiple_of3A_965] : memref<1024x100000xf32, #tpu.memory_space<hbm>> -> memref<1x16xf32, #tpu.memory_space<hbm>>
    %dma_wait3A_1447 = tpu.memref_squeeze %dma_wait3A_1446 : memref<1x16xf32, #tpu.memory_space<hbm>> -> memref<16xf32, #tpu.memory_space<hbm>>
    tpu.wait_dma2 semaphore(%arg8 : memref<!tpu.dma_semaphore, #tpu.memory_space<semaphore_mem>>) src(%dma_wait3A_1447 : memref<16xf32, #tpu.memory_space<hbm>>) dst(%dma_wait3A_1445 : memref<16xf32, #tpu.memory_space<vmem>>)
    %dma_wait3A_1448 = arith.constant 400 : i32
    %dma_wait3A_1449 = tpu.memref_slice %arg6[%dma_wait3A_1448] : memref<512xf32, #tpu.memory_space<vmem>> -> memref<16xf32, #tpu.memory_space<vmem>>
    %dma_wait3A_1450 = tpu.memref_slice %arg2[%add3A_1006, %multiple_of3A_1004] : memref<1024x100000xf32, #tpu.memory_space<hbm>> -> memref<1x16xf32, #tpu.memory_space<hbm>>
    %dma_wait3A_1451 = tpu.memref_squeeze %dma_wait3A_1450 : memref<1x16xf32, #tpu.memory_space<hbm>> -> memref<16xf32, #tpu.memory_space<hbm>>
    %dma_wait3A_1452 = arith.constant 400 : i32
    %dma_wait3A_1453 = tpu.memref_slice %arg6[%dma_wait3A_1452] : memref<512xf32, #tpu.memory_space<vmem>> -> memref<16xf32, #tpu.memory_space<vmem>>
    %dma_wait3A_1454 = tpu.memref_slice %arg2[%add3A_1006, %multiple_of3A_1004] : memref<1024x100000xf32, #tpu.memory_space<hbm>> -> memref<1x16xf32, #tpu.memory_space<hbm>>
    %dma_wait3A_1455 = tpu.memref_squeeze %dma_wait3A_1454 : memref<1x16xf32, #tpu.memory_space<hbm>> -> memref<16xf32, #tpu.memory_space<hbm>>
    tpu.wait_dma2 semaphore(%arg8 : memref<!tpu.dma_semaphore, #tpu.memory_space<semaphore_mem>>) src(%dma_wait3A_1455 : memref<16xf32, #tpu.memory_space<hbm>>) dst(%dma_wait3A_1453 : memref<16xf32, #tpu.memory_space<vmem>>)
    %dma_wait3A_1456 = arith.constant 416 : i32
    %dma_wait3A_1457 = tpu.memref_slice %arg6[%dma_wait3A_1456] : memref<512xf32, #tpu.memory_space<vmem>> -> memref<16xf32, #tpu.memory_space<vmem>>
    %dma_wait3A_1458 = tpu.memref_slice %arg2[%add3A_1045, %multiple_of3A_1043] : memref<1024x100000xf32, #tpu.memory_space<hbm>> -> memref<1x16xf32, #tpu.memory_space<hbm>>
    %dma_wait3A_1459 = tpu.memref_squeeze %dma_wait3A_1458 : memref<1x16xf32, #tpu.memory_space<hbm>> -> memref<16xf32, #tpu.memory_space<hbm>>
    %dma_wait3A_1460 = arith.constant 416 : i32
    %dma_wait3A_1461 = tpu.memref_slice %arg6[%dma_wait3A_1460] : memref<512xf32, #tpu.memory_space<vmem>> -> memref<16xf32, #tpu.memory_space<vmem>>
    %dma_wait3A_1462 = tpu.memref_slice %arg2[%add3A_1045, %multiple_of3A_1043] : memref<1024x100000xf32, #tpu.memory_space<hbm>> -> memref<1x16xf32, #tpu.memory_space<hbm>>
    %dma_wait3A_1463 = tpu.memref_squeeze %dma_wait3A_1462 : memref<1x16xf32, #tpu.memory_space<hbm>> -> memref<16xf32, #tpu.memory_space<hbm>>
    tpu.wait_dma2 semaphore(%arg8 : memref<!tpu.dma_semaphore, #tpu.memory_space<semaphore_mem>>) src(%dma_wait3A_1463 : memref<16xf32, #tpu.memory_space<hbm>>) dst(%dma_wait3A_1461 : memref<16xf32, #tpu.memory_space<vmem>>)
    %dma_wait3A_1464 = arith.constant 432 : i32
    %dma_wait3A_1465 = tpu.memref_slice %arg6[%dma_wait3A_1464] : memref<512xf32, #tpu.memory_space<vmem>> -> memref<16xf32, #tpu.memory_space<vmem>>
    %dma_wait3A_1466 = tpu.memref_slice %arg2[%add3A_1084, %multiple_of3A_1082] : memref<1024x100000xf32, #tpu.memory_space<hbm>> -> memref<1x16xf32, #tpu.memory_space<hbm>>
    %dma_wait3A_1467 = tpu.memref_squeeze %dma_wait3A_1466 : memref<1x16xf32, #tpu.memory_space<hbm>> -> memref<16xf32, #tpu.memory_space<hbm>>
    %dma_wait3A_1468 = arith.constant 432 : i32
    %dma_wait3A_1469 = tpu.memref_slice %arg6[%dma_wait3A_1468] : memref<512xf32, #tpu.memory_space<vmem>> -> memref<16xf32, #tpu.memory_space<vmem>>
    %dma_wait3A_1470 = tpu.memref_slice %arg2[%add3A_1084, %multiple_of3A_1082] : memref<1024x100000xf32, #tpu.memory_space<hbm>> -> memref<1x16xf32, #tpu.memory_space<hbm>>
    %dma_wait3A_1471 = tpu.memref_squeeze %dma_wait3A_1470 : memref<1x16xf32, #tpu.memory_space<hbm>> -> memref<16xf32, #tpu.memory_space<hbm>>
    tpu.wait_dma2 semaphore(%arg8 : memref<!tpu.dma_semaphore, #tpu.memory_space<semaphore_mem>>) src(%dma_wait3A_1471 : memref<16xf32, #tpu.memory_space<hbm>>) dst(%dma_wait3A_1469 : memref<16xf32, #tpu.memory_space<vmem>>)
    %dma_wait3A_1472 = arith.constant 448 : i32
    %dma_wait3A_1473 = tpu.memref_slice %arg6[%dma_wait3A_1472] : memref<512xf32, #tpu.memory_space<vmem>> -> memref<16xf32, #tpu.memory_space<vmem>>
    %dma_wait3A_1474 = tpu.memref_slice %arg2[%add3A_1123, %multiple_of3A_1121] : memref<1024x100000xf32, #tpu.memory_space<hbm>> -> memref<1x16xf32, #tpu.memory_space<hbm>>
    %dma_wait3A_1475 = tpu.memref_squeeze %dma_wait3A_1474 : memref<1x16xf32, #tpu.memory_space<hbm>> -> memref<16xf32, #tpu.memory_space<hbm>>
    %dma_wait3A_1476 = arith.constant 448 : i32
    %dma_wait3A_1477 = tpu.memref_slice %arg6[%dma_wait3A_1476] : memref<512xf32, #tpu.memory_space<vmem>> -> memref<16xf32, #tpu.memory_space<vmem>>
    %dma_wait3A_1478 = tpu.memref_slice %arg2[%add3A_1123, %multiple_of3A_1121] : memref<1024x100000xf32, #tpu.memory_space<hbm>> -> memref<1x16xf32, #tpu.memory_space<hbm>>
    %dma_wait3A_1479 = tpu.memref_squeeze %dma_wait3A_1478 : memref<1x16xf32, #tpu.memory_space<hbm>> -> memref<16xf32, #tpu.memory_space<hbm>>
    tpu.wait_dma2 semaphore(%arg8 : memref<!tpu.dma_semaphore, #tpu.memory_space<semaphore_mem>>) src(%dma_wait3A_1479 : memref<16xf32, #tpu.memory_space<hbm>>) dst(%dma_wait3A_1477 : memref<16xf32, #tpu.memory_space<vmem>>)
    %dma_wait3A_1480 = arith.constant 464 : i32
    %dma_wait3A_1481 = tpu.memref_slice %arg6[%dma_wait3A_1480] : memref<512xf32, #tpu.memory_space<vmem>> -> memref<16xf32, #tpu.memory_space<vmem>>
    %dma_wait3A_1482 = tpu.memref_slice %arg2[%add3A_1162, %multiple_of3A_1160] : memref<1024x100000xf32, #tpu.memory_space<hbm>> -> memref<1x16xf32, #tpu.memory_space<hbm>>
    %dma_wait3A_1483 = tpu.memref_squeeze %dma_wait3A_1482 : memref<1x16xf32, #tpu.memory_space<hbm>> -> memref<16xf32, #tpu.memory_space<hbm>>
    %dma_wait3A_1484 = arith.constant 464 : i32
    %dma_wait3A_1485 = tpu.memref_slice %arg6[%dma_wait3A_1484] : memref<512xf32, #tpu.memory_space<vmem>> -> memref<16xf32, #tpu.memory_space<vmem>>
    %dma_wait3A_1486 = tpu.memref_slice %arg2[%add3A_1162, %multiple_of3A_1160] : memref<1024x100000xf32, #tpu.memory_space<hbm>> -> memref<1x16xf32, #tpu.memory_space<hbm>>
    %dma_wait3A_1487 = tpu.memref_squeeze %dma_wait3A_1486 : memref<1x16xf32, #tpu.memory_space<hbm>> -> memref<16xf32, #tpu.memory_space<hbm>>
    tpu.wait_dma2 semaphore(%arg8 : memref<!tpu.dma_semaphore, #tpu.memory_space<semaphore_mem>>) src(%dma_wait3A_1487 : memref<16xf32, #tpu.memory_space<hbm>>) dst(%dma_wait3A_1485 : memref<16xf32, #tpu.memory_space<vmem>>)
    %dma_wait3A_1488 = arith.constant 480 : i32
    %dma_wait3A_1489 = tpu.memref_slice %arg6[%dma_wait3A_1488] : memref<512xf32, #tpu.memory_space<vmem>> -> memref<16xf32, #tpu.memory_space<vmem>>
    %dma_wait3A_1490 = tpu.memref_slice %arg2[%add3A_1201, %multiple_of3A_1199] : memref<1024x100000xf32, #tpu.memory_space<hbm>> -> memref<1x16xf32, #tpu.memory_space<hbm>>
    %dma_wait3A_1491 = tpu.memref_squeeze %dma_wait3A_1490 : memref<1x16xf32, #tpu.memory_space<hbm>> -> memref<16xf32, #tpu.memory_space<hbm>>
    %dma_wait3A_1492 = arith.constant 480 : i32
    %dma_wait3A_1493 = tpu.memref_slice %arg6[%dma_wait3A_1492] : memref<512xf32, #tpu.memory_space<vmem>> -> memref<16xf32, #tpu.memory_space<vmem>>
    %dma_wait3A_1494 = tpu.memref_slice %arg2[%add3A_1201, %multiple_of3A_1199] : memref<1024x100000xf32, #tpu.memory_space<hbm>> -> memref<1x16xf32, #tpu.memory_space<hbm>>
    %dma_wait3A_1495 = tpu.memref_squeeze %dma_wait3A_1494 : memref<1x16xf32, #tpu.memory_space<hbm>> -> memref<16xf32, #tpu.memory_space<hbm>>
    tpu.wait_dma2 semaphore(%arg8 : memref<!tpu.dma_semaphore, #tpu.memory_space<semaphore_mem>>) src(%dma_wait3A_1495 : memref<16xf32, #tpu.memory_space<hbm>>) dst(%dma_wait3A_1493 : memref<16xf32, #tpu.memory_space<vmem>>)
    %dma_wait3A_1496 = arith.constant 496 : i32
    %dma_wait3A_1497 = tpu.memref_slice %arg6[%dma_wait3A_1496] : memref<512xf32, #tpu.memory_space<vmem>> -> memref<16xf32, #tpu.memory_space<vmem>>
    %dma_wait3A_1498 = tpu.memref_slice %arg2[%add3A_1240, %multiple_of3A_1238] : memref<1024x100000xf32, #tpu.memory_space<hbm>> -> memref<1x16xf32, #tpu.memory_space<hbm>>
    %dma_wait3A_1499 = tpu.memref_squeeze %dma_wait3A_1498 : memref<1x16xf32, #tpu.memory_space<hbm>> -> memref<16xf32, #tpu.memory_space<hbm>>
    %dma_wait3A_1500 = arith.constant 496 : i32
    %dma_wait3A_1501 = tpu.memref_slice %arg6[%dma_wait3A_1500] : memref<512xf32, #tpu.memory_space<vmem>> -> memref<16xf32, #tpu.memory_space<vmem>>
    %dma_wait3A_1502 = tpu.memref_slice %arg2[%add3A_1240, %multiple_of3A_1238] : memref<1024x100000xf32, #tpu.memory_space<hbm>> -> memref<1x16xf32, #tpu.memory_space<hbm>>
    %dma_wait3A_1503 = tpu.memref_squeeze %dma_wait3A_1502 : memref<1x16xf32, #tpu.memory_space<hbm>> -> memref<16xf32, #tpu.memory_space<hbm>>
    tpu.wait_dma2 semaphore(%arg8 : memref<!tpu.dma_semaphore, #tpu.memory_space<semaphore_mem>>) src(%dma_wait3A_1503 : memref<16xf32, #tpu.memory_space<hbm>>) dst(%dma_wait3A_1501 : memref<16xf32, #tpu.memory_space<vmem>>)
    %iota3A = tpu.iota {dimensions = array<i32: 0>} : vector<16xi32>
    %get3A_1504 = arith.constant 0 : index
    %get3A_1505 = tpu.vector_load %arg5[%get3A_1504] {strides = array<i32>} : memref<32xi32, #tpu.memory_space<vmem>>, vector<16xi32>,
    %get3A_1506 = vector.shape_cast %get3A_1505 : vector<16xi32> to vector<16xi32>
    %max3A_1507 = arith.constant 0 : i32
    %max3A_1508 = vector.broadcast %max3A_1507 : i32 to vector<16xi32>
    %max3A_1509 = arith.maxsi %get3A_1506, %max3A_1508 : vector<16xi32>
    %jit3A_1510 = arith.constant 16 : i32
    %eq3A = arith.constant 0 : i32
    %eq3A_1511 = arith.cmpi eq, %jit3A_1510, %eq3A : i32
    %jit3A_1512 = arith.constant 1 : i32
    %select_n3A_1513 = arith.select %eq3A_1511, %jit3A_1512, %jit3A_1510 : i32
    %rem3A_1514 = vector.broadcast %select_n3A_1513 : i32 to vector<16xi32>
    %rem3A_1515 = arith.remsi %max3A_1509, %rem3A_1514 : vector<16xi32>
    %ne3A_1516 = arith.constant 0 : i32
    %ne3A_1517 = vector.broadcast %ne3A_1516 : i32 to vector<16xi32>
    %ne3A_1518 = arith.cmpi ne, %rem3A_1515, %ne3A_1517 : vector<16xi32>
    %lt3A = arith.constant 0 : i32
    %lt3A_1519 = vector.broadcast %lt3A : i32 to vector<16xi32>
    %lt3A_1520 = arith.cmpi slt, %rem3A_1515, %lt3A_1519 : vector<16xi32>
    %lt3A_1521 = arith.constant 0 : i32
    %lt3A_1522 = arith.cmpi slt, %select_n3A_1513, %lt3A_1521 : i32
    %ne3A_1523 = vector.broadcast %lt3A_1522 : i1 to vector<16xi1>
    %ne3A_1524 = vector.broadcast %ne3A_1523 : vector<16xi1> to vector<16xi1>
    %ne3A_1525 = arith.xori %lt3A_1520, %ne3A_1524 : vector<16xi1>
    %and3A_1526 = arith.andi %ne3A_1525, %ne3A_1518 : vector<16xi1>
    %add3A_1527 = vector.broadcast %select_n3A_1513 : i32 to vector<16xi32>
    %add3A_1528 = arith.addi %rem3A_1515, %add3A_1527 : vector<16xi32>
    %select_n3A_1529 = arith.select %and3A_1526, %add3A_1528, %rem3A_1515 : vector<16xi1>, vector<16xi32>
    %broadcast_in_dim3A = arith.constant 0.000000e+00 : f32
    %broadcast_in_dim3A_1530 = vector.broadcast %broadcast_in_dim3A : f32 to vector<16xf32>
    %get3A_1531 = arith.constant 0 : index
    %get3A_1532 = tpu.vector_load %arg6[%get3A_1531] {strides = array<i32>} : memref<512xf32, #tpu.memory_space<vmem>>, vector<16xf32>,
    %get3A_1533 = vector.shape_cast %get3A_1532 : vector<16xf32> to vector<16xf32>
    %broadcast_in_dim3A_1534 = vector.shape_cast %select_n3A_1529 : vector<16xi32> to vector<16x1xi32>
    %gather3A = vector.shape_cast %broadcast_in_dim3A_1534 : vector<16x1xi32> to vector<16xi32>
    %gather3A_1535 = tpu.dynamic_gather %get3A_1533[%gather3A] in [0] : vector<16xf32>, vector<16xi32> -> vector<16xf32>
    %eq3A_1536 = arith.constant 0 : i32
    %eq3A_1537 = vector.broadcast %eq3A_1536 : i32 to vector<16xi32>
    %eq3A_1538 = arith.cmpi eq, %iota3A, %eq3A_1537 : vector<16xi32>
    %jit3A_1539 = arith.constant 0.000000e+00 : f32
    %broadcast_in_dim3A_1540 = vector.broadcast %jit3A_1539 : f32 to vector<16xf32>
    %select_n3A_1541 = arith.select %eq3A_1538, %gather3A_1535, %broadcast_in_dim3A_1540 : vector<16xi1>, vector<16xf32>
    %add3A_1542 = arith.addf %broadcast_in_dim3A_1530, %select_n3A_1541 : vector<16xf32>
    %get3A_1543 = arith.constant 16 : index
    %get3A_1544 = tpu.vector_load %arg6[%get3A_1543] {strides = array<i32>} : memref<512xf32, #tpu.memory_space<vmem>>, vector<16xf32>,
    %get3A_1545 = vector.shape_cast %get3A_1544 : vector<16xf32> to vector<16xf32>
    %broadcast_in_dim3A_1546 = vector.shape_cast %select_n3A_1529 : vector<16xi32> to vector<16x1xi32>
    %gather3A_1547 = vector.shape_cast %broadcast_in_dim3A_1546 : vector<16x1xi32> to vector<16xi32>
    %gather3A_1548 = tpu.dynamic_gather %get3A_1545[%gather3A_1547] in [0] : vector<16xf32>, vector<16xi32> -> vector<16xf32>
    %eq3A_1549 = arith.constant 1 : i32
    %eq3A_1550 = vector.broadcast %eq3A_1549 : i32 to vector<16xi32>
    %eq3A_1551 = arith.cmpi eq, %iota3A, %eq3A_1550 : vector<16xi32>
    %jit3A_1552 = arith.constant 0.000000e+00 : f32
    %broadcast_in_dim3A_1553 = vector.broadcast %jit3A_1552 : f32 to vector<16xf32>
    %select_n3A_1554 = arith.select %eq3A_1551, %gather3A_1548, %broadcast_in_dim3A_1553 : vector<16xi1>, vector<16xf32>
    %add3A_1555 = arith.addf %add3A_1542, %select_n3A_1554 : vector<16xf32>
    %get3A_1556 = arith.constant 32 : index
    %get3A_1557 = tpu.vector_load %arg6[%get3A_1556] {strides = array<i32>} : memref<512xf32, #tpu.memory_space<vmem>>, vector<16xf32>,
    %get3A_1558 = vector.shape_cast %get3A_1557 : vector<16xf32> to vector<16xf32>
    %broadcast_in_dim3A_1559 = vector.shape_cast %select_n3A_1529 : vector<16xi32> to vector<16x1xi32>
    %gather3A_1560 = vector.shape_cast %broadcast_in_dim3A_1559 : vector<16x1xi32> to vector<16xi32>
    %gather3A_1561 = tpu.dynamic_gather %get3A_1558[%gather3A_1560] in [0] : vector<16xf32>, vector<16xi32> -> vector<16xf32>
    %eq3A_1562 = arith.constant 2 : i32
    %eq3A_1563 = vector.broadcast %eq3A_1562 : i32 to vector<16xi32>
    %eq3A_1564 = arith.cmpi eq, %iota3A, %eq3A_1563 : vector<16xi32>
    %jit3A_1565 = arith.constant 0.000000e+00 : f32
    %broadcast_in_dim3A_1566 = vector.broadcast %jit3A_1565 : f32 to vector<16xf32>
    %select_n3A_1567 = arith.select %eq3A_1564, %gather3A_1561, %broadcast_in_dim3A_1566 : vector<16xi1>, vector<16xf32>
    %add3A_1568 = arith.addf %add3A_1555, %select_n3A_1567 : vector<16xf32>
    %get3A_1569 = arith.constant 48 : index
    %get3A_1570 = tpu.vector_load %arg6[%get3A_1569] {strides = array<i32>} : memref<512xf32, #tpu.memory_space<vmem>>, vector<16xf32>,
    %get3A_1571 = vector.shape_cast %get3A_1570 : vector<16xf32> to vector<16xf32>
    %broadcast_in_dim3A_1572 = vector.shape_cast %select_n3A_1529 : vector<16xi32> to vector<16x1xi32>
    %gather3A_1573 = vector.shape_cast %broadcast_in_dim3A_1572 : vector<16x1xi32> to vector<16xi32>
    %gather3A_1574 = tpu.dynamic_gather %get3A_1571[%gather3A_1573] in [0] : vector<16xf32>, vector<16xi32> -> vector<16xf32>
    %eq3A_1575 = arith.constant 3 : i32
    %eq3A_1576 = vector.broadcast %eq3A_1575 : i32 to vector<16xi32>
    %eq3A_1577 = arith.cmpi eq, %iota3A, %eq3A_1576 : vector<16xi32>
    %jit3A_1578 = arith.constant 0.000000e+00 : f32
    %broadcast_in_dim3A_1579 = vector.broadcast %jit3A_1578 : f32 to vector<16xf32>
    %select_n3A_1580 = arith.select %eq3A_1577, %gather3A_1574, %broadcast_in_dim3A_1579 : vector<16xi1>, vector<16xf32>
    %add3A_1581 = arith.addf %add3A_1568, %select_n3A_1580 : vector<16xf32>
    %get3A_1582 = arith.constant 64 : index
    %get3A_1583 = tpu.vector_load %arg6[%get3A_1582] {strides = array<i32>} : memref<512xf32, #tpu.memory_space<vmem>>, vector<16xf32>,
    %get3A_1584 = vector.shape_cast %get3A_1583 : vector<16xf32> to vector<16xf32>
    %broadcast_in_dim3A_1585 = vector.shape_cast %select_n3A_1529 : vector<16xi32> to vector<16x1xi32>
    %gather3A_1586 = vector.shape_cast %broadcast_in_dim3A_1585 : vector<16x1xi32> to vector<16xi32>
    %gather3A_1587 = tpu.dynamic_gather %get3A_1584[%gather3A_1586] in [0] : vector<16xf32>, vector<16xi32> -> vector<16xf32>
    %eq3A_1588 = arith.constant 4 : i32
    %eq3A_1589 = vector.broadcast %eq3A_1588 : i32 to vector<16xi32>
    %eq3A_1590 = arith.cmpi eq, %iota3A, %eq3A_1589 : vector<16xi32>
    %jit3A_1591 = arith.constant 0.000000e+00 : f32
    %broadcast_in_dim3A_1592 = vector.broadcast %jit3A_1591 : f32 to vector<16xf32>
    %select_n3A_1593 = arith.select %eq3A_1590, %gather3A_1587, %broadcast_in_dim3A_1592 : vector<16xi1>, vector<16xf32>
    %add3A_1594 = arith.addf %add3A_1581, %select_n3A_1593 : vector<16xf32>
    %get3A_1595 = arith.constant 80 : index
    %get3A_1596 = tpu.vector_load %arg6[%get3A_1595] {strides = array<i32>} : memref<512xf32, #tpu.memory_space<vmem>>, vector<16xf32>,
    %get3A_1597 = vector.shape_cast %get3A_1596 : vector<16xf32> to vector<16xf32>
    %broadcast_in_dim3A_1598 = vector.shape_cast %select_n3A_1529 : vector<16xi32> to vector<16x1xi32>
    %gather3A_1599 = vector.shape_cast %broadcast_in_dim3A_1598 : vector<16x1xi32> to vector<16xi32>
    %gather3A_1600 = tpu.dynamic_gather %get3A_1597[%gather3A_1599] in [0] : vector<16xf32>, vector<16xi32> -> vector<16xf32>
    %eq3A_1601 = arith.constant 5 : i32
    %eq3A_1602 = vector.broadcast %eq3A_1601 : i32 to vector<16xi32>
    %eq3A_1603 = arith.cmpi eq, %iota3A, %eq3A_1602 : vector<16xi32>
    %jit3A_1604 = arith.constant 0.000000e+00 : f32
    %broadcast_in_dim3A_1605 = vector.broadcast %jit3A_1604 : f32 to vector<16xf32>
    %select_n3A_1606 = arith.select %eq3A_1603, %gather3A_1600, %broadcast_in_dim3A_1605 : vector<16xi1>, vector<16xf32>
    %add3A_1607 = arith.addf %add3A_1594, %select_n3A_1606 : vector<16xf32>
    %get3A_1608 = arith.constant 96 : index
    %get3A_1609 = tpu.vector_load %arg6[%get3A_1608] {strides = array<i32>} : memref<512xf32, #tpu.memory_space<vmem>>, vector<16xf32>,
    %get3A_1610 = vector.shape_cast %get3A_1609 : vector<16xf32> to vector<16xf32>
    %broadcast_in_dim3A_1611 = vector.shape_cast %select_n3A_1529 : vector<16xi32> to vector<16x1xi32>
    %gather3A_1612 = vector.shape_cast %broadcast_in_dim3A_1611 : vector<16x1xi32> to vector<16xi32>
    %gather3A_1613 = tpu.dynamic_gather %get3A_1610[%gather3A_1612] in [0] : vector<16xf32>, vector<16xi32> -> vector<16xf32>
    %eq3A_1614 = arith.constant 6 : i32
    %eq3A_1615 = vector.broadcast %eq3A_1614 : i32 to vector<16xi32>
    %eq3A_1616 = arith.cmpi eq, %iota3A, %eq3A_1615 : vector<16xi32>
    %jit3A_1617 = arith.constant 0.000000e+00 : f32
    %broadcast_in_dim3A_1618 = vector.broadcast %jit3A_1617 : f32 to vector<16xf32>
    %select_n3A_1619 = arith.select %eq3A_1616, %gather3A_1613, %broadcast_in_dim3A_1618 : vector<16xi1>, vector<16xf32>
    %add3A_1620 = arith.addf %add3A_1607, %select_n3A_1619 : vector<16xf32>
    %get3A_1621 = arith.constant 112 : index
    %get3A_1622 = tpu.vector_load %arg6[%get3A_1621] {strides = array<i32>} : memref<512xf32, #tpu.memory_space<vmem>>, vector<16xf32>,
    %get3A_1623 = vector.shape_cast %get3A_1622 : vector<16xf32> to vector<16xf32>
    %broadcast_in_dim3A_1624 = vector.shape_cast %select_n3A_1529 : vector<16xi32> to vector<16x1xi32>
    %gather3A_1625 = vector.shape_cast %broadcast_in_dim3A_1624 : vector<16x1xi32> to vector<16xi32>
    %gather3A_1626 = tpu.dynamic_gather %get3A_1623[%gather3A_1625] in [0] : vector<16xf32>, vector<16xi32> -> vector<16xf32>
    %eq3A_1627 = arith.constant 7 : i32
    %eq3A_1628 = vector.broadcast %eq3A_1627 : i32 to vector<16xi32>
    %eq3A_1629 = arith.cmpi eq, %iota3A, %eq3A_1628 : vector<16xi32>
    %jit3A_1630 = arith.constant 0.000000e+00 : f32
    %broadcast_in_dim3A_1631 = vector.broadcast %jit3A_1630 : f32 to vector<16xf32>
    %select_n3A_1632 = arith.select %eq3A_1629, %gather3A_1626, %broadcast_in_dim3A_1631 : vector<16xi1>, vector<16xf32>
    %add3A_1633 = arith.addf %add3A_1620, %select_n3A_1632 : vector<16xf32>
    %get3A_1634 = arith.constant 128 : index
    %get3A_1635 = tpu.vector_load %arg6[%get3A_1634] {strides = array<i32>} : memref<512xf32, #tpu.memory_space<vmem>>, vector<16xf32>,
    %get3A_1636 = vector.shape_cast %get3A_1635 : vector<16xf32> to vector<16xf32>
    %broadcast_in_dim3A_1637 = vector.shape_cast %select_n3A_1529 : vector<16xi32> to vector<16x1xi32>
    %gather3A_1638 = vector.shape_cast %broadcast_in_dim3A_1637 : vector<16x1xi32> to vector<16xi32>
    %gather3A_1639 = tpu.dynamic_gather %get3A_1636[%gather3A_1638] in [0] : vector<16xf32>, vector<16xi32> -> vector<16xf32>
    %eq3A_1640 = arith.constant 8 : i32
    %eq3A_1641 = vector.broadcast %eq3A_1640 : i32 to vector<16xi32>
    %eq3A_1642 = arith.cmpi eq, %iota3A, %eq3A_1641 : vector<16xi32>
    %jit3A_1643 = arith.constant 0.000000e+00 : f32
    %broadcast_in_dim3A_1644 = vector.broadcast %jit3A_1643 : f32 to vector<16xf32>
    %select_n3A_1645 = arith.select %eq3A_1642, %gather3A_1639, %broadcast_in_dim3A_1644 : vector<16xi1>, vector<16xf32>
    %add3A_1646 = arith.addf %add3A_1633, %select_n3A_1645 : vector<16xf32>
    %get3A_1647 = arith.constant 144 : index
    %get3A_1648 = tpu.vector_load %arg6[%get3A_1647] {strides = array<i32>} : memref<512xf32, #tpu.memory_space<vmem>>, vector<16xf32>,
    %get3A_1649 = vector.shape_cast %get3A_1648 : vector<16xf32> to vector<16xf32>
    %broadcast_in_dim3A_1650 = vector.shape_cast %select_n3A_1529 : vector<16xi32> to vector<16x1xi32>
    %gather3A_1651 = vector.shape_cast %broadcast_in_dim3A_1650 : vector<16x1xi32> to vector<16xi32>
    %gather3A_1652 = tpu.dynamic_gather %get3A_1649[%gather3A_1651] in [0] : vector<16xf32>, vector<16xi32> -> vector<16xf32>
    %eq3A_1653 = arith.constant 9 : i32
    %eq3A_1654 = vector.broadcast %eq3A_1653 : i32 to vector<16xi32>
    %eq3A_1655 = arith.cmpi eq, %iota3A, %eq3A_1654 : vector<16xi32>
    %jit3A_1656 = arith.constant 0.000000e+00 : f32
    %broadcast_in_dim3A_1657 = vector.broadcast %jit3A_1656 : f32 to vector<16xf32>
    %select_n3A_1658 = arith.select %eq3A_1655, %gather3A_1652, %broadcast_in_dim3A_1657 : vector<16xi1>, vector<16xf32>
    %add3A_1659 = arith.addf %add3A_1646, %select_n3A_1658 : vector<16xf32>
    %get3A_1660 = arith.constant 160 : index
    %get3A_1661 = tpu.vector_load %arg6[%get3A_1660] {strides = array<i32>} : memref<512xf32, #tpu.memory_space<vmem>>, vector<16xf32>,
    %get3A_1662 = vector.shape_cast %get3A_1661 : vector<16xf32> to vector<16xf32>
    %broadcast_in_dim3A_1663 = vector.shape_cast %select_n3A_1529 : vector<16xi32> to vector<16x1xi32>
    %gather3A_1664 = vector.shape_cast %broadcast_in_dim3A_1663 : vector<16x1xi32> to vector<16xi32>
    %gather3A_1665 = tpu.dynamic_gather %get3A_1662[%gather3A_1664] in [0] : vector<16xf32>, vector<16xi32> -> vector<16xf32>
    %eq3A_1666 = arith.constant 10 : i32
    %eq3A_1667 = vector.broadcast %eq3A_1666 : i32 to vector<16xi32>
    %eq3A_1668 = arith.cmpi eq, %iota3A, %eq3A_1667 : vector<16xi32>
    %jit3A_1669 = arith.constant 0.000000e+00 : f32
    %broadcast_in_dim3A_1670 = vector.broadcast %jit3A_1669 : f32 to vector<16xf32>
    %select_n3A_1671 = arith.select %eq3A_1668, %gather3A_1665, %broadcast_in_dim3A_1670 : vector<16xi1>, vector<16xf32>
    %add3A_1672 = arith.addf %add3A_1659, %select_n3A_1671 : vector<16xf32>
    %get3A_1673 = arith.constant 176 : index
    %get3A_1674 = tpu.vector_load %arg6[%get3A_1673] {strides = array<i32>} : memref<512xf32, #tpu.memory_space<vmem>>, vector<16xf32>,
    %get3A_1675 = vector.shape_cast %get3A_1674 : vector<16xf32> to vector<16xf32>
    %broadcast_in_dim3A_1676 = vector.shape_cast %select_n3A_1529 : vector<16xi32> to vector<16x1xi32>
    %gather3A_1677 = vector.shape_cast %broadcast_in_dim3A_1676 : vector<16x1xi32> to vector<16xi32>
    %gather3A_1678 = tpu.dynamic_gather %get3A_1675[%gather3A_1677] in [0] : vector<16xf32>, vector<16xi32> -> vector<16xf32>
    %eq3A_1679 = arith.constant 11 : i32
    %eq3A_1680 = vector.broadcast %eq3A_1679 : i32 to vector<16xi32>
    %eq3A_1681 = arith.cmpi eq, %iota3A, %eq3A_1680 : vector<16xi32>
    %jit3A_1682 = arith.constant 0.000000e+00 : f32
    %broadcast_in_dim3A_1683 = vector.broadcast %jit3A_1682 : f32 to vector<16xf32>
    %select_n3A_1684 = arith.select %eq3A_1681, %gather3A_1678, %broadcast_in_dim3A_1683 : vector<16xi1>, vector<16xf32>
    %add3A_1685 = arith.addf %add3A_1672, %select_n3A_1684 : vector<16xf32>
    %get3A_1686 = arith.constant 192 : index
    %get3A_1687 = tpu.vector_load %arg6[%get3A_1686] {strides = array<i32>} : memref<512xf32, #tpu.memory_space<vmem>>, vector<16xf32>,
    %get3A_1688 = vector.shape_cast %get3A_1687 : vector<16xf32> to vector<16xf32>
    %broadcast_in_dim3A_1689 = vector.shape_cast %select_n3A_1529 : vector<16xi32> to vector<16x1xi32>
    %gather3A_1690 = vector.shape_cast %broadcast_in_dim3A_1689 : vector<16x1xi32> to vector<16xi32>
    %gather3A_1691 = tpu.dynamic_gather %get3A_1688[%gather3A_1690] in [0] : vector<16xf32>, vector<16xi32> -> vector<16xf32>
    %eq3A_1692 = arith.constant 12 : i32
    %eq3A_1693 = vector.broadcast %eq3A_1692 : i32 to vector<16xi32>
    %eq3A_1694 = arith.cmpi eq, %iota3A, %eq3A_1693 : vector<16xi32>
    %jit3A_1695 = arith.constant 0.000000e+00 : f32
    %broadcast_in_dim3A_1696 = vector.broadcast %jit3A_1695 : f32 to vector<16xf32>
    %select_n3A_1697 = arith.select %eq3A_1694, %gather3A_1691, %broadcast_in_dim3A_1696 : vector<16xi1>, vector<16xf32>
    %add3A_1698 = arith.addf %add3A_1685, %select_n3A_1697 : vector<16xf32>
    %get3A_1699 = arith.constant 208 : index
    %get3A_1700 = tpu.vector_load %arg6[%get3A_1699] {strides = array<i32>} : memref<512xf32, #tpu.memory_space<vmem>>, vector<16xf32>,
    %get3A_1701 = vector.shape_cast %get3A_1700 : vector<16xf32> to vector<16xf32>
    %broadcast_in_dim3A_1702 = vector.shape_cast %select_n3A_1529 : vector<16xi32> to vector<16x1xi32>
    %gather3A_1703 = vector.shape_cast %broadcast_in_dim3A_1702 : vector<16x1xi32> to vector<16xi32>
    %gather3A_1704 = tpu.dynamic_gather %get3A_1701[%gather3A_1703] in [0] : vector<16xf32>, vector<16xi32> -> vector<16xf32>
    %eq3A_1705 = arith.constant 13 : i32
    %eq3A_1706 = vector.broadcast %eq3A_1705 : i32 to vector<16xi32>
    %eq3A_1707 = arith.cmpi eq, %iota3A, %eq3A_1706 : vector<16xi32>
    %jit3A_1708 = arith.constant 0.000000e+00 : f32
    %broadcast_in_dim3A_1709 = vector.broadcast %jit3A_1708 : f32 to vector<16xf32>
    %select_n3A_1710 = arith.select %eq3A_1707, %gather3A_1704, %broadcast_in_dim3A_1709 : vector<16xi1>, vector<16xf32>
    %add3A_1711 = arith.addf %add3A_1698, %select_n3A_1710 : vector<16xf32>
    %get3A_1712 = arith.constant 224 : index
    %get3A_1713 = tpu.vector_load %arg6[%get3A_1712] {strides = array<i32>} : memref<512xf32, #tpu.memory_space<vmem>>, vector<16xf32>,
    %get3A_1714 = vector.shape_cast %get3A_1713 : vector<16xf32> to vector<16xf32>
    %broadcast_in_dim3A_1715 = vector.shape_cast %select_n3A_1529 : vector<16xi32> to vector<16x1xi32>
    %gather3A_1716 = vector.shape_cast %broadcast_in_dim3A_1715 : vector<16x1xi32> to vector<16xi32>
    %gather3A_1717 = tpu.dynamic_gather %get3A_1714[%gather3A_1716] in [0] : vector<16xf32>, vector<16xi32> -> vector<16xf32>
    %eq3A_1718 = arith.constant 14 : i32
    %eq3A_1719 = vector.broadcast %eq3A_1718 : i32 to vector<16xi32>
    %eq3A_1720 = arith.cmpi eq, %iota3A, %eq3A_1719 : vector<16xi32>
    %jit3A_1721 = arith.constant 0.000000e+00 : f32
    %broadcast_in_dim3A_1722 = vector.broadcast %jit3A_1721 : f32 to vector<16xf32>
    %select_n3A_1723 = arith.select %eq3A_1720, %gather3A_1717, %broadcast_in_dim3A_1722 : vector<16xi1>, vector<16xf32>
    %add3A_1724 = arith.addf %add3A_1711, %select_n3A_1723 : vector<16xf32>
    %get3A_1725 = arith.constant 240 : index
    %get3A_1726 = tpu.vector_load %arg6[%get3A_1725] {strides = array<i32>} : memref<512xf32, #tpu.memory_space<vmem>>, vector<16xf32>,
    %get3A_1727 = vector.shape_cast %get3A_1726 : vector<16xf32> to vector<16xf32>
    %broadcast_in_dim3A_1728 = vector.shape_cast %select_n3A_1529 : vector<16xi32> to vector<16x1xi32>
    %gather3A_1729 = vector.shape_cast %broadcast_in_dim3A_1728 : vector<16x1xi32> to vector<16xi32>
    %gather3A_1730 = tpu.dynamic_gather %get3A_1727[%gather3A_1729] in [0] : vector<16xf32>, vector<16xi32> -> vector<16xf32>
    %eq3A_1731 = arith.constant 15 : i32
    %eq3A_1732 = vector.broadcast %eq3A_1731 : i32 to vector<16xi32>
    %eq3A_1733 = arith.cmpi eq, %iota3A, %eq3A_1732 : vector<16xi32>
    %jit3A_1734 = arith.constant 0.000000e+00 : f32
    %broadcast_in_dim3A_1735 = vector.broadcast %jit3A_1734 : f32 to vector<16xf32>
    %select_n3A_1736 = arith.select %eq3A_1733, %gather3A_1730, %broadcast_in_dim3A_1735 : vector<16xi1>, vector<16xf32>
    %add3A_1737 = arith.addf %add3A_1724, %select_n3A_1736 : vector<16xf32>
    %swap3A = arith.constant 0 : index
    %swap3A_1738 = tpu.vector_load %arg7[%swap3A] {strides = array<i32>} : memref<32xf32, #tpu.memory_space<vmem>>, vector<16xf32>,
    %swap3A_1739 = vector.shape_cast %swap3A_1738 : vector<16xf32> to vector<16xf32>
    %swap3A_1740 = vector.shape_cast %add3A_1737 : vector<16xf32> to vector<16xf32>
    tpu.vector_store %arg7[%swap3A], %swap3A_1740 {strides = array<i32>} : memref<32xf32, #tpu.memory_space<vmem>>, vector<16xf32>,
    %get3A_1741 = arith.constant 16 : index
    %get3A_1742 = tpu.vector_load %arg5[%get3A_1741] {strides = array<i32>} : memref<32xi32, #tpu.memory_space<vmem>>, vector<16xi32>,
    %get3A_1743 = vector.shape_cast %get3A_1742 : vector<16xi32> to vector<16xi32>
    %max3A_1744 = arith.constant 0 : i32
    %max3A_1745 = vector.broadcast %max3A_1744 : i32 to vector<16xi32>
    %max3A_1746 = arith.maxsi %get3A_1743, %max3A_1745 : vector<16xi32>
    %jit3A_1747 = arith.constant 16 : i32
    %eq3A_1748 = arith.constant 0 : i32
    %eq3A_1749 = arith.cmpi eq, %jit3A_1747, %eq3A_1748 : i32
    %jit3A_1750 = arith.constant 1 : i32
    %select_n3A_1751 = arith.select %eq3A_1749, %jit3A_1750, %jit3A_1747 : i32
    %rem3A_1752 = vector.broadcast %select_n3A_1751 : i32 to vector<16xi32>
    %rem3A_1753 = arith.remsi %max3A_1746, %rem3A_1752 : vector<16xi32>
    %ne3A_1754 = arith.constant 0 : i32
    %ne3A_1755 = vector.broadcast %ne3A_1754 : i32 to vector<16xi32>
    %ne3A_1756 = arith.cmpi ne, %rem3A_1753, %ne3A_1755 : vector<16xi32>
    %lt3A_1757 = arith.constant 0 : i32
    %lt3A_1758 = vector.broadcast %lt3A_1757 : i32 to vector<16xi32>
    %lt3A_1759 = arith.cmpi slt, %rem3A_1753, %lt3A_1758 : vector<16xi32>
    %lt3A_1760 = arith.constant 0 : i32
    %lt3A_1761 = arith.cmpi slt, %select_n3A_1751, %lt3A_1760 : i32
    %ne3A_1762 = vector.broadcast %lt3A_1761 : i1 to vector<16xi1>
    %ne3A_1763 = vector.broadcast %ne3A_1762 : vector<16xi1> to vector<16xi1>
    %ne3A_1764 = arith.xori %lt3A_1759, %ne3A_1763 : vector<16xi1>
    %and3A_1765 = arith.andi %ne3A_1764, %ne3A_1756 : vector<16xi1>
    %add3A_1766 = vector.broadcast %select_n3A_1751 : i32 to vector<16xi32>
    %add3A_1767 = arith.addi %rem3A_1753, %add3A_1766 : vector<16xi32>
    %select_n3A_1768 = arith.select %and3A_1765, %add3A_1767, %rem3A_1753 : vector<16xi1>, vector<16xi32>
    %broadcast_in_dim3A_1769 = arith.constant 0.000000e+00 : f32
    %broadcast_in_dim3A_1770 = vector.broadcast %broadcast_in_dim3A_1769 : f32 to vector<16xf32>
    %get3A_1771 = arith.constant 256 : index
    %get3A_1772 = tpu.vector_load %arg6[%get3A_1771] {strides = array<i32>} : memref<512xf32, #tpu.memory_space<vmem>>, vector<16xf32>,
    %get3A_1773 = vector.shape_cast %get3A_1772 : vector<16xf32> to vector<16xf32>
    %broadcast_in_dim3A_1774 = vector.shape_cast %select_n3A_1768 : vector<16xi32> to vector<16x1xi32>
    %gather3A_1775 = vector.shape_cast %broadcast_in_dim3A_1774 : vector<16x1xi32> to vector<16xi32>
    %gather3A_1776 = tpu.dynamic_gather %get3A_1773[%gather3A_1775] in [0] : vector<16xf32>, vector<16xi32> -> vector<16xf32>
    %eq3A_1777 = arith.constant 0 : i32
    %eq3A_1778 = vector.broadcast %eq3A_1777 : i32 to vector<16xi32>
    %eq3A_1779 = arith.cmpi eq, %iota3A, %eq3A_1778 : vector<16xi32>
    %jit3A_1780 = arith.constant 0.000000e+00 : f32
    %broadcast_in_dim3A_1781 = vector.broadcast %jit3A_1780 : f32 to vector<16xf32>
    %select_n3A_1782 = arith.select %eq3A_1779, %gather3A_1776, %broadcast_in_dim3A_1781 : vector<16xi1>, vector<16xf32>
    %add3A_1783 = arith.addf %broadcast_in_dim3A_1770, %select_n3A_1782 : vector<16xf32>
    %get3A_1784 = arith.constant 272 : index
    %get3A_1785 = tpu.vector_load %arg6[%get3A_1784] {strides = array<i32>} : memref<512xf32, #tpu.memory_space<vmem>>, vector<16xf32>,
    %get3A_1786 = vector.shape_cast %get3A_1785 : vector<16xf32> to vector<16xf32>
    %broadcast_in_dim3A_1787 = vector.shape_cast %select_n3A_1768 : vector<16xi32> to vector<16x1xi32>
    %gather3A_1788 = vector.shape_cast %broadcast_in_dim3A_1787 : vector<16x1xi32> to vector<16xi32>
    %gather3A_1789 = tpu.dynamic_gather %get3A_1786[%gather3A_1788] in [0] : vector<16xf32>, vector<16xi32> -> vector<16xf32>
    %eq3A_1790 = arith.constant 1 : i32
    %eq3A_1791 = vector.broadcast %eq3A_1790 : i32 to vector<16xi32>
    %eq3A_1792 = arith.cmpi eq, %iota3A, %eq3A_1791 : vector<16xi32>
    %jit3A_1793 = arith.constant 0.000000e+00 : f32
    %broadcast_in_dim3A_1794 = vector.broadcast %jit3A_1793 : f32 to vector<16xf32>
    %select_n3A_1795 = arith.select %eq3A_1792, %gather3A_1789, %broadcast_in_dim3A_1794 : vector<16xi1>, vector<16xf32>
    %add3A_1796 = arith.addf %add3A_1783, %select_n3A_1795 : vector<16xf32>
    %get3A_1797 = arith.constant 288 : index
    %get3A_1798 = tpu.vector_load %arg6[%get3A_1797] {strides = array<i32>} : memref<512xf32, #tpu.memory_space<vmem>>, vector<16xf32>,
    %get3A_1799 = vector.shape_cast %get3A_1798 : vector<16xf32> to vector<16xf32>
    %broadcast_in_dim3A_1800 = vector.shape_cast %select_n3A_1768 : vector<16xi32> to vector<16x1xi32>
    %gather3A_1801 = vector.shape_cast %broadcast_in_dim3A_1800 : vector<16x1xi32> to vector<16xi32>
    %gather3A_1802 = tpu.dynamic_gather %get3A_1799[%gather3A_1801] in [0] : vector<16xf32>, vector<16xi32> -> vector<16xf32>
    %eq3A_1803 = arith.constant 2 : i32
    %eq3A_1804 = vector.broadcast %eq3A_1803 : i32 to vector<16xi32>
    %eq3A_1805 = arith.cmpi eq, %iota3A, %eq3A_1804 : vector<16xi32>
    %jit3A_1806 = arith.constant 0.000000e+00 : f32
    %broadcast_in_dim3A_1807 = vector.broadcast %jit3A_1806 : f32 to vector<16xf32>
    %select_n3A_1808 = arith.select %eq3A_1805, %gather3A_1802, %broadcast_in_dim3A_1807 : vector<16xi1>, vector<16xf32>
    %add3A_1809 = arith.addf %add3A_1796, %select_n3A_1808 : vector<16xf32>
    %get3A_1810 = arith.constant 304 : index
    %get3A_1811 = tpu.vector_load %arg6[%get3A_1810] {strides = array<i32>} : memref<512xf32, #tpu.memory_space<vmem>>, vector<16xf32>,
    %get3A_1812 = vector.shape_cast %get3A_1811 : vector<16xf32> to vector<16xf32>
    %broadcast_in_dim3A_1813 = vector.shape_cast %select_n3A_1768 : vector<16xi32> to vector<16x1xi32>
    %gather3A_1814 = vector.shape_cast %broadcast_in_dim3A_1813 : vector<16x1xi32> to vector<16xi32>
    %gather3A_1815 = tpu.dynamic_gather %get3A_1812[%gather3A_1814] in [0] : vector<16xf32>, vector<16xi32> -> vector<16xf32>
    %eq3A_1816 = arith.constant 3 : i32
    %eq3A_1817 = vector.broadcast %eq3A_1816 : i32 to vector<16xi32>
    %eq3A_1818 = arith.cmpi eq, %iota3A, %eq3A_1817 : vector<16xi32>
    %jit3A_1819 = arith.constant 0.000000e+00 : f32
    %broadcast_in_dim3A_1820 = vector.broadcast %jit3A_1819 : f32 to vector<16xf32>
    %select_n3A_1821 = arith.select %eq3A_1818, %gather3A_1815, %broadcast_in_dim3A_1820 : vector<16xi1>, vector<16xf32>
    %add3A_1822 = arith.addf %add3A_1809, %select_n3A_1821 : vector<16xf32>
    %get3A_1823 = arith.constant 320 : index
    %get3A_1824 = tpu.vector_load %arg6[%get3A_1823] {strides = array<i32>} : memref<512xf32, #tpu.memory_space<vmem>>, vector<16xf32>,
    %get3A_1825 = vector.shape_cast %get3A_1824 : vector<16xf32> to vector<16xf32>
    %broadcast_in_dim3A_1826 = vector.shape_cast %select_n3A_1768 : vector<16xi32> to vector<16x1xi32>
    %gather3A_1827 = vector.shape_cast %broadcast_in_dim3A_1826 : vector<16x1xi32> to vector<16xi32>
    %gather3A_1828 = tpu.dynamic_gather %get3A_1825[%gather3A_1827] in [0] : vector<16xf32>, vector<16xi32> -> vector<16xf32>
    %eq3A_1829 = arith.constant 4 : i32
    %eq3A_1830 = vector.broadcast %eq3A_1829 : i32 to vector<16xi32>
    %eq3A_1831 = arith.cmpi eq, %iota3A, %eq3A_1830 : vector<16xi32>
    %jit3A_1832 = arith.constant 0.000000e+00 : f32
    %broadcast_in_dim3A_1833 = vector.broadcast %jit3A_1832 : f32 to vector<16xf32>
    %select_n3A_1834 = arith.select %eq3A_1831, %gather3A_1828, %broadcast_in_dim3A_1833 : vector<16xi1>, vector<16xf32>
    %add3A_1835 = arith.addf %add3A_1822, %select_n3A_1834 : vector<16xf32>
    %get3A_1836 = arith.constant 336 : index
    %get3A_1837 = tpu.vector_load %arg6[%get3A_1836] {strides = array<i32>} : memref<512xf32, #tpu.memory_space<vmem>>, vector<16xf32>,
    %get3A_1838 = vector.shape_cast %get3A_1837 : vector<16xf32> to vector<16xf32>
    %broadcast_in_dim3A_1839 = vector.shape_cast %select_n3A_1768 : vector<16xi32> to vector<16x1xi32>
    %gather3A_1840 = vector.shape_cast %broadcast_in_dim3A_1839 : vector<16x1xi32> to vector<16xi32>
    %gather3A_1841 = tpu.dynamic_gather %get3A_1838[%gather3A_1840] in [0] : vector<16xf32>, vector<16xi32> -> vector<16xf32>
    %eq3A_1842 = arith.constant 5 : i32
    %eq3A_1843 = vector.broadcast %eq3A_1842 : i32 to vector<16xi32>
    %eq3A_1844 = arith.cmpi eq, %iota3A, %eq3A_1843 : vector<16xi32>
    %jit3A_1845 = arith.constant 0.000000e+00 : f32
    %broadcast_in_dim3A_1846 = vector.broadcast %jit3A_1845 : f32 to vector<16xf32>
    %select_n3A_1847 = arith.select %eq3A_1844, %gather3A_1841, %broadcast_in_dim3A_1846 : vector<16xi1>, vector<16xf32>
    %add3A_1848 = arith.addf %add3A_1835, %select_n3A_1847 : vector<16xf32>
    %get3A_1849 = arith.constant 352 : index
    %get3A_1850 = tpu.vector_load %arg6[%get3A_1849] {strides = array<i32>} : memref<512xf32, #tpu.memory_space<vmem>>, vector<16xf32>,
    %get3A_1851 = vector.shape_cast %get3A_1850 : vector<16xf32> to vector<16xf32>
    %broadcast_in_dim3A_1852 = vector.shape_cast %select_n3A_1768 : vector<16xi32> to vector<16x1xi32>
    %gather3A_1853 = vector.shape_cast %broadcast_in_dim3A_1852 : vector<16x1xi32> to vector<16xi32>
    %gather3A_1854 = tpu.dynamic_gather %get3A_1851[%gather3A_1853] in [0] : vector<16xf32>, vector<16xi32> -> vector<16xf32>
    %eq3A_1855 = arith.constant 6 : i32
    %eq3A_1856 = vector.broadcast %eq3A_1855 : i32 to vector<16xi32>
    %eq3A_1857 = arith.cmpi eq, %iota3A, %eq3A_1856 : vector<16xi32>
    %jit3A_1858 = arith.constant 0.000000e+00 : f32
    %broadcast_in_dim3A_1859 = vector.broadcast %jit3A_1858 : f32 to vector<16xf32>
    %select_n3A_1860 = arith.select %eq3A_1857, %gather3A_1854, %broadcast_in_dim3A_1859 : vector<16xi1>, vector<16xf32>
    %add3A_1861 = arith.addf %add3A_1848, %select_n3A_1860 : vector<16xf32>
    %get3A_1862 = arith.constant 368 : index
    %get3A_1863 = tpu.vector_load %arg6[%get3A_1862] {strides = array<i32>} : memref<512xf32, #tpu.memory_space<vmem>>, vector<16xf32>,
    %get3A_1864 = vector.shape_cast %get3A_1863 : vector<16xf32> to vector<16xf32>
    %broadcast_in_dim3A_1865 = vector.shape_cast %select_n3A_1768 : vector<16xi32> to vector<16x1xi32>
    %gather3A_1866 = vector.shape_cast %broadcast_in_dim3A_1865 : vector<16x1xi32> to vector<16xi32>
    %gather3A_1867 = tpu.dynamic_gather %get3A_1864[%gather3A_1866] in [0] : vector<16xf32>, vector<16xi32> -> vector<16xf32>
    %eq3A_1868 = arith.constant 7 : i32
    %eq3A_1869 = vector.broadcast %eq3A_1868 : i32 to vector<16xi32>
    %eq3A_1870 = arith.cmpi eq, %iota3A, %eq3A_1869 : vector<16xi32>
    %jit3A_1871 = arith.constant 0.000000e+00 : f32
    %broadcast_in_dim3A_1872 = vector.broadcast %jit3A_1871 : f32 to vector<16xf32>
    %select_n3A_1873 = arith.select %eq3A_1870, %gather3A_1867, %broadcast_in_dim3A_1872 : vector<16xi1>, vector<16xf32>
    %add3A_1874 = arith.addf %add3A_1861, %select_n3A_1873 : vector<16xf32>
    %get3A_1875 = arith.constant 384 : index
    %get3A_1876 = tpu.vector_load %arg6[%get3A_1875] {strides = array<i32>} : memref<512xf32, #tpu.memory_space<vmem>>, vector<16xf32>,
    %get3A_1877 = vector.shape_cast %get3A_1876 : vector<16xf32> to vector<16xf32>
    %broadcast_in_dim3A_1878 = vector.shape_cast %select_n3A_1768 : vector<16xi32> to vector<16x1xi32>
    %gather3A_1879 = vector.shape_cast %broadcast_in_dim3A_1878 : vector<16x1xi32> to vector<16xi32>
    %gather3A_1880 = tpu.dynamic_gather %get3A_1877[%gather3A_1879] in [0] : vector<16xf32>, vector<16xi32> -> vector<16xf32>
    %eq3A_1881 = arith.constant 8 : i32
    %eq3A_1882 = vector.broadcast %eq3A_1881 : i32 to vector<16xi32>
    %eq3A_1883 = arith.cmpi eq, %iota3A, %eq3A_1882 : vector<16xi32>
    %jit3A_1884 = arith.constant 0.000000e+00 : f32
    %broadcast_in_dim3A_1885 = vector.broadcast %jit3A_1884 : f32 to vector<16xf32>
    %select_n3A_1886 = arith.select %eq3A_1883, %gather3A_1880, %broadcast_in_dim3A_1885 : vector<16xi1>, vector<16xf32>
    %add3A_1887 = arith.addf %add3A_1874, %select_n3A_1886 : vector<16xf32>
    %get3A_1888 = arith.constant 400 : index
    %get3A_1889 = tpu.vector_load %arg6[%get3A_1888] {strides = array<i32>} : memref<512xf32, #tpu.memory_space<vmem>>, vector<16xf32>,
    %get3A_1890 = vector.shape_cast %get3A_1889 : vector<16xf32> to vector<16xf32>
    %broadcast_in_dim3A_1891 = vector.shape_cast %select_n3A_1768 : vector<16xi32> to vector<16x1xi32>
    %gather3A_1892 = vector.shape_cast %broadcast_in_dim3A_1891 : vector<16x1xi32> to vector<16xi32>
    %gather3A_1893 = tpu.dynamic_gather %get3A_1890[%gather3A_1892] in [0] : vector<16xf32>, vector<16xi32> -> vector<16xf32>
    %eq3A_1894 = arith.constant 9 : i32
    %eq3A_1895 = vector.broadcast %eq3A_1894 : i32 to vector<16xi32>
    %eq3A_1896 = arith.cmpi eq, %iota3A, %eq3A_1895 : vector<16xi32>
    %jit3A_1897 = arith.constant 0.000000e+00 : f32
    %broadcast_in_dim3A_1898 = vector.broadcast %jit3A_1897 : f32 to vector<16xf32>
    %select_n3A_1899 = arith.select %eq3A_1896, %gather3A_1893, %broadcast_in_dim3A_1898 : vector<16xi1>, vector<16xf32>
    %add3A_1900 = arith.addf %add3A_1887, %select_n3A_1899 : vector<16xf32>
    %get3A_1901 = arith.constant 416 : index
    %get3A_1902 = tpu.vector_load %arg6[%get3A_1901] {strides = array<i32>} : memref<512xf32, #tpu.memory_space<vmem>>, vector<16xf32>,
    %get3A_1903 = vector.shape_cast %get3A_1902 : vector<16xf32> to vector<16xf32>
    %broadcast_in_dim3A_1904 = vector.shape_cast %select_n3A_1768 : vector<16xi32> to vector<16x1xi32>
    %gather3A_1905 = vector.shape_cast %broadcast_in_dim3A_1904 : vector<16x1xi32> to vector<16xi32>
    %gather3A_1906 = tpu.dynamic_gather %get3A_1903[%gather3A_1905] in [0] : vector<16xf32>, vector<16xi32> -> vector<16xf32>
    %eq3A_1907 = arith.constant 10 : i32
    %eq3A_1908 = vector.broadcast %eq3A_1907 : i32 to vector<16xi32>
    %eq3A_1909 = arith.cmpi eq, %iota3A, %eq3A_1908 : vector<16xi32>
    %jit3A_1910 = arith.constant 0.000000e+00 : f32
    %broadcast_in_dim3A_1911 = vector.broadcast %jit3A_1910 : f32 to vector<16xf32>
    %select_n3A_1912 = arith.select %eq3A_1909, %gather3A_1906, %broadcast_in_dim3A_1911 : vector<16xi1>, vector<16xf32>
    %add3A_1913 = arith.addf %add3A_1900, %select_n3A_1912 : vector<16xf32>
    %get3A_1914 = arith.constant 432 : index
    %get3A_1915 = tpu.vector_load %arg6[%get3A_1914] {strides = array<i32>} : memref<512xf32, #tpu.memory_space<vmem>>, vector<16xf32>,
    %get3A_1916 = vector.shape_cast %get3A_1915 : vector<16xf32> to vector<16xf32>
    %broadcast_in_dim3A_1917 = vector.shape_cast %select_n3A_1768 : vector<16xi32> to vector<16x1xi32>
    %gather3A_1918 = vector.shape_cast %broadcast_in_dim3A_1917 : vector<16x1xi32> to vector<16xi32>
    %gather3A_1919 = tpu.dynamic_gather %get3A_1916[%gather3A_1918] in [0] : vector<16xf32>, vector<16xi32> -> vector<16xf32>
    %eq3A_1920 = arith.constant 11 : i32
    %eq3A_1921 = vector.broadcast %eq3A_1920 : i32 to vector<16xi32>
    %eq3A_1922 = arith.cmpi eq, %iota3A, %eq3A_1921 : vector<16xi32>
    %jit3A_1923 = arith.constant 0.000000e+00 : f32
    %broadcast_in_dim3A_1924 = vector.broadcast %jit3A_1923 : f32 to vector<16xf32>
    %select_n3A_1925 = arith.select %eq3A_1922, %gather3A_1919, %broadcast_in_dim3A_1924 : vector<16xi1>, vector<16xf32>
    %add3A_1926 = arith.addf %add3A_1913, %select_n3A_1925 : vector<16xf32>
    %get3A_1927 = arith.constant 448 : index
    %get3A_1928 = tpu.vector_load %arg6[%get3A_1927] {strides = array<i32>} : memref<512xf32, #tpu.memory_space<vmem>>, vector<16xf32>,
    %get3A_1929 = vector.shape_cast %get3A_1928 : vector<16xf32> to vector<16xf32>
    %broadcast_in_dim3A_1930 = vector.shape_cast %select_n3A_1768 : vector<16xi32> to vector<16x1xi32>
    %gather3A_1931 = vector.shape_cast %broadcast_in_dim3A_1930 : vector<16x1xi32> to vector<16xi32>
    %gather3A_1932 = tpu.dynamic_gather %get3A_1929[%gather3A_1931] in [0] : vector<16xf32>, vector<16xi32> -> vector<16xf32>
    %eq3A_1933 = arith.constant 12 : i32
    %eq3A_1934 = vector.broadcast %eq3A_1933 : i32 to vector<16xi32>
    %eq3A_1935 = arith.cmpi eq, %iota3A, %eq3A_1934 : vector<16xi32>
    %jit3A_1936 = arith.constant 0.000000e+00 : f32
    %broadcast_in_dim3A_1937 = vector.broadcast %jit3A_1936 : f32 to vector<16xf32>
    %select_n3A_1938 = arith.select %eq3A_1935, %gather3A_1932, %broadcast_in_dim3A_1937 : vector<16xi1>, vector<16xf32>
    %add3A_1939 = arith.addf %add3A_1926, %select_n3A_1938 : vector<16xf32>
    %get3A_1940 = arith.constant 464 : index
    %get3A_1941 = tpu.vector_load %arg6[%get3A_1940] {strides = array<i32>} : memref<512xf32, #tpu.memory_space<vmem>>, vector<16xf32>,
    %get3A_1942 = vector.shape_cast %get3A_1941 : vector<16xf32> to vector<16xf32>
    %broadcast_in_dim3A_1943 = vector.shape_cast %select_n3A_1768 : vector<16xi32> to vector<16x1xi32>
    %gather3A_1944 = vector.shape_cast %broadcast_in_dim3A_1943 : vector<16x1xi32> to vector<16xi32>
    %gather3A_1945 = tpu.dynamic_gather %get3A_1942[%gather3A_1944] in [0] : vector<16xf32>, vector<16xi32> -> vector<16xf32>
    %eq3A_1946 = arith.constant 13 : i32
    %eq3A_1947 = vector.broadcast %eq3A_1946 : i32 to vector<16xi32>
    %eq3A_1948 = arith.cmpi eq, %iota3A, %eq3A_1947 : vector<16xi32>
    %jit3A_1949 = arith.constant 0.000000e+00 : f32
    %broadcast_in_dim3A_1950 = vector.broadcast %jit3A_1949 : f32 to vector<16xf32>
    %select_n3A_1951 = arith.select %eq3A_1948, %gather3A_1945, %broadcast_in_dim3A_1950 : vector<16xi1>, vector<16xf32>
    %add3A_1952 = arith.addf %add3A_1939, %select_n3A_1951 : vector<16xf32>
    %get3A_1953 = arith.constant 480 : index
    %get3A_1954 = tpu.vector_load %arg6[%get3A_1953] {strides = array<i32>} : memref<512xf32, #tpu.memory_space<vmem>>, vector<16xf32>,
    %get3A_1955 = vector.shape_cast %get3A_1954 : vector<16xf32> to vector<16xf32>
    %broadcast_in_dim3A_1956 = vector.shape_cast %select_n3A_1768 : vector<16xi32> to vector<16x1xi32>
    %gather3A_1957 = vector.shape_cast %broadcast_in_dim3A_1956 : vector<16x1xi32> to vector<16xi32>
    %gather3A_1958 = tpu.dynamic_gather %get3A_1955[%gather3A_1957] in [0] : vector<16xf32>, vector<16xi32> -> vector<16xf32>
    %eq3A_1959 = arith.constant 14 : i32
    %eq3A_1960 = vector.broadcast %eq3A_1959 : i32 to vector<16xi32>
    %eq3A_1961 = arith.cmpi eq, %iota3A, %eq3A_1960 : vector<16xi32>
    %jit3A_1962 = arith.constant 0.000000e+00 : f32
    %broadcast_in_dim3A_1963 = vector.broadcast %jit3A_1962 : f32 to vector<16xf32>
    %select_n3A_1964 = arith.select %eq3A_1961, %gather3A_1958, %broadcast_in_dim3A_1963 : vector<16xi1>, vector<16xf32>
    %add3A_1965 = arith.addf %add3A_1952, %select_n3A_1964 : vector<16xf32>
    %get3A_1966 = arith.constant 496 : index
    %get3A_1967 = tpu.vector_load %arg6[%get3A_1966] {strides = array<i32>} : memref<512xf32, #tpu.memory_space<vmem>>, vector<16xf32>,
    %get3A_1968 = vector.shape_cast %get3A_1967 : vector<16xf32> to vector<16xf32>
    %broadcast_in_dim3A_1969 = vector.shape_cast %select_n3A_1768 : vector<16xi32> to vector<16x1xi32>
    %gather3A_1970 = vector.shape_cast %broadcast_in_dim3A_1969 : vector<16x1xi32> to vector<16xi32>
    %gather3A_1971 = tpu.dynamic_gather %get3A_1968[%gather3A_1970] in [0] : vector<16xf32>, vector<16xi32> -> vector<16xf32>
    %eq3A_1972 = arith.constant 15 : i32
    %eq3A_1973 = vector.broadcast %eq3A_1972 : i32 to vector<16xi32>
    %eq3A_1974 = arith.cmpi eq, %iota3A, %eq3A_1973 : vector<16xi32>
    %jit3A_1975 = arith.constant 0.000000e+00 : f32
    %broadcast_in_dim3A_1976 = vector.broadcast %jit3A_1975 : f32 to vector<16xf32>
    %select_n3A_1977 = arith.select %eq3A_1974, %gather3A_1971, %broadcast_in_dim3A_1976 : vector<16xi1>, vector<16xf32>
    %add3A_1978 = arith.addf %add3A_1965, %select_n3A_1977 : vector<16xf32>
    %swap3A_1979 = arith.constant 16 : index
    %swap3A_1980 = tpu.vector_load %arg7[%swap3A_1979] {strides = array<i32>} : memref<32xf32, #tpu.memory_space<vmem>>, vector<16xf32>,
    %swap3A_1981 = vector.shape_cast %swap3A_1980 : vector<16xf32> to vector<16xf32>
    %swap3A_1982 = vector.shape_cast %add3A_1978 : vector<16xf32> to vector<16xf32>
    tpu.vector_store %arg7[%swap3A_1979], %swap3A_1982 {strides = array<i32>} : memref<32xf32, #tpu.memory_space<vmem>>, vector<16xf32>,
    "tpu.region"() ({
      %run_scoped3A = tpu.sem_alloc : memref<!tpu.dma_semaphore, #tpu.memory_space<semaphore_mem>>
      %dma_start3A_1983 = tpu.memref_slice %arg4[%mul3A_2] : memref<1024xf32, #tpu.memory_space<hbm>> -> memref<32xf32, #tpu.memory_space<hbm>>
      %dma_start3A_1984 = tpu.memref_slice %arg4[%mul3A_2] : memref<1024xf32, #tpu.memory_space<hbm>> -> memref<32xf32, #tpu.memory_space<hbm>>
      tpu.enqueue_dma source(%arg7 : memref<32xf32, #tpu.memory_space<vmem>>) target(%dma_start3A_1984 : memref<32xf32, #tpu.memory_space<hbm>>) target_semaphore(%run_scoped3A : memref<!tpu.dma_semaphore, #tpu.memory_space<semaphore_mem>>)
      %dma_wait3A_1985 = tpu.memref_slice %arg4[%mul3A_2] : memref<1024xf32, #tpu.memory_space<hbm>> -> memref<32xf32, #tpu.memory_space<hbm>>
      %dma_wait3A_1986 = tpu.memref_slice %arg4[%mul3A_2] : memref<1024xf32, #tpu.memory_space<hbm>> -> memref<32xf32, #tpu.memory_space<hbm>>
      tpu.wait_dma2 semaphore(%run_scoped3A : memref<!tpu.dma_semaphore, #tpu.memory_space<semaphore_mem>>) src(%arg7 : memref<32xf32, #tpu.memory_space<vmem>>) dst(%dma_wait3A_1986 : memref<32xf32, #tpu.memory_space<hbm>>)
      tpu.yield
    }) : () -> ()
    return
  }
}

module attributes {stable_mosaic.version = 14 : i64} {
  func.func @_merge_body(%arg0: i32, %arg1: memref<16x1xi32, #tpu.memory_space<vmem>>, %arg2: memref<16x1xf32, #tpu.memory_space<vmem>>, %arg3: memref<16x100000xf32, #tpu.memory_space<vmem>>, %arg4: memref<16x100000xf32, #tpu.memory_space<vmem>>) attributes {dimension_semantics = [#tpu.dimension_semantics<arbitrary>], iteration_bounds = array<i64: 64>, scalar_prefetch = 0 : i64, scratch_operands = 0 : i64, tpu.core_type = #tpu.core_type<tc>, window_params = [{transform_indices = @transform_0, window_bounds = array<i64: 16, 1>}, {transform_indices = @transform_1, window_bounds = array<i64: 16, 1>}, {transform_indices = @transform_2, window_bounds = array<i64: 16, 100000>}, {transform_indices = @transform_3, window_bounds = array<i64: 16, 100000>}]} {
    %get3A = arith.constant 0 : index
    %get3A_0 = arith.constant 0 : index
    %get3A_1 = vector.load %arg3[%get3A, %get3A_0] : memref<16x100000xf32, #tpu.memory_space<vmem>>, vector<16x100000xf32>
    %get3A_2 = arith.constant 0 : index
    %get3A_3 = arith.constant 0 : index
    %get3A_4 = vector.load %arg1[%get3A_2, %get3A_3] : memref<16x1xi32, #tpu.memory_space<vmem>>, vector<16x1xi32>
    %get3A_5 = arith.constant 0 : index
    %get3A_6 = arith.constant 0 : index
    %get3A_7 = vector.load %arg2[%get3A_5, %get3A_6] : memref<16x1xf32, #tpu.memory_space<vmem>>, vector<16x1xf32>
    %mul3A = arith.mulf %get3A_7, %get3A_7 : vector<16x1xf32>
    %sub3A = arith.constant 1.000000e+00 : f32
    %sub3A_8 = vector.broadcast %sub3A : f32 to vector<16x1xf32>
    %sub3A_9 = arith.subf %sub3A_8, %mul3A : vector<16x1xf32>
    %sqrt3A = math.sqrt %sub3A_9 : vector<16x1xf32>
    %mul3A_10 = arith.constant 0.87758255 : f32
    %mul3A_11 = vector.broadcast %mul3A_10 : f32 to vector<16x1xf32>
    %mul3A_12 = arith.mulf %get3A_7, %mul3A_11 : vector<16x1xf32>
    %mul3A_13 = arith.constant 0.47942555 : f32
    %mul3A_14 = vector.broadcast %mul3A_13 : f32 to vector<16x1xf32>
    %mul3A_15 = arith.mulf %sqrt3A, %mul3A_14 : vector<16x1xf32>
    %sub3A_16 = arith.subf %mul3A_12, %mul3A_15 : vector<16x1xf32>
    %gt3A = arith.constant -0.87758255 : f32
    %gt3A_17 = vector.broadcast %gt3A : f32 to vector<16x1xf32>
    %gt3A_18 = arith.cmpf ogt, %get3A_7, %gt3A_17 : vector<16x1xf32>
    %sub3A_19 = arith.constant 0.239712775 : f32
    %sub3A_20 = vector.broadcast %sub3A_19 : f32 to vector<16x1xf32>
    %sub3A_21 = arith.subf %get3A_7, %sub3A_20 : vector<16x1xf32>
    %select_n3A = arith.select %gt3A_18, %sub3A_16, %sub3A_21 : vector<16x1xi1>, vector<16x1xf32>
    %ge3A = arith.constant 0 : i32
    %ge3A_22 = vector.broadcast %ge3A : i32 to vector<16x1xi32>
    %ge3A_23 = arith.cmpi sge, %get3A_4, %ge3A_22 : vector<16x1xi32>
    %select_n3A_24 = arith.select %ge3A_23, %select_n3A, %get3A_7 : vector<16x1xi1>, vector<16x1xf32>
    %iota3A = tpu.iota {dimensions = array<i32: 1>} : vector<16x100000xi32>
    %eq3A = vector.broadcast %get3A_4 : vector<16x1xi32> to vector<16x100000xi32>
    %eq3A_25 = arith.cmpi eq, %iota3A, %eq3A : vector<16x100000xi32>
    %broadcast_in_dim3A = vector.shape_cast %select_n3A_24 : vector<16x1xf32> to vector<16x1xf32>
    %broadcast_in_dim3A_26 = vector.broadcast %broadcast_in_dim3A : vector<16x1xf32> to vector<16x100000xf32>
    %select_n3A_27 = arith.select %eq3A_25, %broadcast_in_dim3A_26, %get3A_1 : vector<16x100000xi1>, vector<16x100000xf32>
    %mul3A_28 = arith.constant 6.400000e+01 : f32
    %mul3A_29 = vector.broadcast %mul3A_28 : f32 to vector<16x100000xf32>
    %mul3A_30 = arith.mulf %mul3A_29, %select_n3A_27 : vector<16x100000xf32>
    %swap3A = arith.constant 0 : index
    %swap3A_31 = arith.constant 0 : index
    %swap3A_32 = vector.load %arg4[%swap3A, %swap3A_31] : memref<16x100000xf32, #tpu.memory_space<vmem>>, vector<16x100000xf32>
    tpu.vector_store %arg4[%swap3A, %swap3A_31], %mul3A_30 {strides = array<i32>} : memref<16x100000xf32, #tpu.memory_space<vmem>>, vector<16x100000xf32>,
    return
  }
  func.func @transform_0(%arg0: i32) -> (i32, i32) {
    %c0_i32 = arith.constant 0 : i32
    %c0_i32_0 = arith.constant 0 : i32
    return %arg0, %c0_i32 : i32, i32
  }
  func.func @transform_1(%arg0: i32) -> (i32, i32) {
    %c0_i32 = arith.constant 0 : i32
    %c0_i32_0 = arith.constant 0 : i32
    return %arg0, %c0_i32 : i32, i32
  }
  func.func @transform_2(%arg0: i32) -> (i32, i32) {
    %c0_i32 = arith.constant 0 : i32
    %c0_i32_0 = arith.constant 0 : i32
    return %arg0, %c0_i32 : i32, i32
  }
  func.func @transform_3(%arg0: i32) -> (i32, i32) {
    %c0_i32 = arith.constant 0 : i32
    %c0_i32_0 = arith.constant 0 : i32
    return %arg0, %c0_i32 : i32, i32
  }
}

</mosaic_0001>

<sc_bundles>
// kernel: kernel.4.cloned.1.call-start
scs
__scs_entry_jumppad:
0x0: {  	(pc) =	sbr.rel $0x88, $3  }
0x1: {  	(tag) =	ssettag $0x0;
	lr =	simm.s32 $0x1  }
0x2: {  	[smem:$0x3F9F] =	sst lr;
	_ =	strace $0xD0000000  }
0x3: {  	_ = 	snop  }
0x4: {  	_ = 	snop  }
0x5: {  	_ = 	snop  }
0x6: {  	_ = 	snop  }
0x7: {  	_ = 	snop  }
__scs_overlays_trampoline_lowered:
0x8: {  	[smem:$0x3FAE] =	sst s0  }
0x9: {  	[smem:$0x3FAF] =	sst s1  }
0xa: {  	[smem:$0x3FB0] =	sst s2  }
0xb: {  	[smem:$0x3FB1] =	sst s3  }
0xc: {  	[smem:$0x3FB2] =	sst s4  }
0xd: {  	[smem:$0x3FB3] =	sst s5  }
0xe: {  	[smem:$0x3FB4] =	sst s6  }
0xf: {  	[smem:$0x3FB5] =	sst s7  }
0x10: {  	[smem:$0x3FB6] =	sst s8  }
0x11: {  	[smem:$0x3FB7] =	sst s9;
	s0 =	simm.s32 @!p0 $0x0  }
0x12: {  	s1 =	sld [smem:$0x3F9D];
	s0 =	simm.s32 @p0 $0x1  }
0x13: {  	[smem:$0x3FB8] =	sst s0;
	s0 =	simm.s32 @!p1 $0x0  }
0x14: {  	s2 =	sld [smem:$0x3F9C];
	s0 =	simm.s32 @p1 $0x1  }
0x15: {  	[smem:$0x3FB9] =	sst s0;
	s0 =	simm.s32 @!p2 $0x0  }
0x16: {  	s3 =	sld [smem:$0x3FDB];
	s0 =	simm.s32 @p2 $0x1  }
0x17: {  	s4 =	simm.s32 $0x1BF5;
	[smem:$0x3FBB] =	sst s0  }
0x18: {  	s0 =	sld [smem:$0x3F9E];
	_ =	swait.ge [sflag:s4], $0x0  }
0x19: {  	s7 =	sld [smem:$0x3F9F]  }
0x1a: {  	s8 =	sadd.s32 $0xFFFFE003, lr  }
0x1b: {  	s9 =	sadd.s32 $0xFFFFFEF7, lr;
	s5 =	simm.s32 $0xFFFFFFFF;
	p2 =	slt.u32 s8, $0xFFFFF086  }
0x1c: {  	p1 =	slt.u32 s9, $0xF7A;
	s5 =	simm.s32 @!p2 $0x0  }
0x1d: {  	s5 =	simm.s32 @p1 $0x1;
	p0 =	seq.s32 s7, s2  }
0x1e: {  	s7 =	smul.u32 @!p0 $0xF7A, s2;
	p2 =	seq.s32 @!p0 s5, $0x0  }
0x1f: {  	s9 =	smul.u32 $0xF7A, s1;
	s8 =	simm.s32 @!p0 $0x1BF5;
	p2 =	por !p2, p0  }
0x20: {  	[sflag:s8] =	ssyncset.s32 @!p0 $0xFFFFF086;
	s6 =	sadd.s32 @!p0 s3, s7;
	s7 =	simm.s32 @!p0 $0x108  }
0x21: {  	s3 =	sadd.s32 s3, s9;
	s6 =	sadd.s32 @!p0 $0x88, s6;
	s7 =	simm.s32 @p2 $0x1082  }
0x22: {  	[simem:s7], [sflag:s8] =	dma.local @!p0 [hbm:s6], $0xF7A  }
0x23: {  	s9 =	sor.u32 $0xD0000000, s2;
	s6 =	simm.s32 $0x108;
	_ =	swait.ge @!p0 [sflag:s8], $0x0  }
0x24: {  	s3 =	sadd.s32 $0x88, s3;
	s6 =	simm.s32 @!p1 $0x1082;
	[sflag:s4] =	ssyncset.s32 $0xFFFFF086  }
0x25: {  	[simem:s6], [sflag:s4] =	dma.local [hbm:s3], $0xF7A  }
0x26: {  	[smem:$0x3F9F] =	sst s1;
	(tag) =	ssettag s2;
	_ =	strace s9  }
0x27: {  	s1 =	sld [smem:$0x3FAF]  }
0x28: {  	s2 =	sld [smem:$0x3FB0]  }
0x29: {  	s4 =	sld [smem:$0x3FB2]  }
0x2a: {  	p0 =	seq.s32 s5, $0x0;
	s5 =	sld [smem:$0x3FB3]  }
0x2b: {  	s6 =	sld [smem:$0x3FB4]  }
0x2c: {  	s7 =	sld [smem:$0x3FB5]  }
0x2d: {  	s3 =	simm.s32 $0x108;
	s8 =	sld [smem:$0x3FB6]  }
0x2e: {  	s3 =	simm.s32 @!p0 $0x1082;
	s9 =	sld [smem:$0x3FB7]  }
0x2f: {  	lr =	sadd.s32 s0, s3;
	s0 =	sld [smem:$0x3FAE]  }
0x30: {  	s3 =	sld [smem:$0x3FB1]  }
0x31: {  	[smem:$0x3FBA] =	sst s10  }
0x32: {  	s10 =	sld [smem:$0x3FB8];
	_ =	sdelay $0x3  }
0x33: {  	p0 =	seq.s32 s10, $0x1;
	s10 =	sld [smem:$0x3FBA];
	_ =	sdelay $0x3  }
0x34: {  	[smem:$0x3FBA] =	sst s10  }
0x35: {  	s10 =	sld [smem:$0x3FB9];
	_ =	sdelay $0x3  }
0x36: {  	p1 =	seq.s32 s10, $0x1;
	s10 =	sld [smem:$0x3FBA];
	_ =	sdelay $0x3  }
0x37: {  	[smem:$0x3FBA] =	sst s10  }
0x38: {  	s10 =	sld [smem:$0x3FBB]  }
0x39: {  	_ = 	snop;
	(pc) =	sbr.ind lr, $3  }
0x3a: {  	_ = 	snop  }
0x3b: {  	_ = 	snop  }
0x3c: {  	p2 =	seq.s32 s10, $0x1;
	s10 =	sld [smem:$0x3FBA]  }
0x3d: {  	_ =	shalt  }
0x3e: {  	_ =	shalt  }
0x3f: {  	_ =	shalt  }
0x40: {  	_ =	shalt  }
0x41: {  	_ =	shalt  }
0x42: {  	_ =	shalt  }
0x43: {  	_ =	shalt  }
0x44: {  	_ =	shalt  }
0x45: {  	_ =	shalt  }
0x46: {  	_ =	shalt  }
0x47: {  	_ =	shalt  }
0x48: {  	_ =	shalt  }
0x49: {  	_ =	shalt  }
0x4a: {  	_ =	shalt  }
0x4b: {  	_ =	shalt  }
0x4c: {  	_ =	shalt  }
0x4d: {  	_ =	shalt  }
0x4e: {  	_ =	shalt  }
0x4f: {  	_ =	shalt  }
0x50: {  	_ =	shalt  }
0x51: {  	_ =	shalt  }
0x52: {  	_ =	shalt  }
0x53: {  	_ =	shalt  }
0x54: {  	_ =	shalt  }
0x55: {  	_ =	shalt  }
0x56: {  	_ =	shalt  }
0x57: {  	_ =	shalt  }
0x58: {  	_ =	shalt  }
0x59: {  	_ =	shalt  }
0x5a: {  	_ =	shalt  }
0x5b: {  	_ =	shalt  }
0x5c: {  	_ =	shalt  }
0x5d: {  	_ =	shalt  }
0x5e: {  	_ =	shalt  }
0x5f: {  	_ =	shalt  }
0x60: {  	_ =	shalt  }
0x61: {  	_ =	shalt  }
0x62: {  	_ =	shalt  }
0x63: {  	_ =	shalt  }
0x64: {  	_ =	shalt  }
0x65: {  	_ =	shalt  }
0x66: {  	_ =	shalt  }
0x67: {  	_ =	shalt  }
0x68: {  	_ =	shalt  }
0x69: {  	_ =	shalt  }
0x6a: {  	_ =	shalt  }
0x6b: {  	_ =	shalt  }
0x6c: {  	_ =	shalt  }
0x6d: {  	_ =	shalt  }
0x6e: {  	_ =	shalt  }
0x6f: {  	_ =	shalt  }
0x70: {  	_ =	shalt  }
0x71: {  	_ =	shalt  }
0x72: {  	_ =	shalt  }
0x73: {  	_ =	shalt  }
0x74: {  	_ =	shalt  }
0x75: {  	_ =	shalt  }
0x76: {  	_ =	shalt  }
0x77: {  	_ =	shalt  }
0x78: {  	_ =	shalt  }
0x79: {  	_ =	shalt  }
0x7a: {  	_ =	shalt  }
0x7b: {  	_ =	shalt  }
0x7c: {  	_ =	shalt  }
0x7d: {  	_ =	shalt  }
0x7e: {  	_ =	shalt  }
0x7f: {  	_ =	shalt  }
0x80: {  	_ =	shalt  }
0x81: {  	_ =	shalt  }
0x82: {  	_ =	shalt  }
0x83: {  	_ =	shalt  }
0x84: {  	_ =	shalt  }
0x85: {  	_ =	shalt  }
0x86: {  	_ =	shalt  }
0x87: {  	_ =	shalt  }
.Lfunc_end0:
.L_simem_size_0:
called_computation_lowered:
.L_overlay_start_0:
0x88: {  	s2 =	sld [smem:$0x3FD9]  }
0x89: {  	s3 =	sld [smem:$0x3FFE];
	_ =	sdelay $0x1  }
0x8a: {  	s1 =	srdreg.scid  }
0x8b: {  	s0 =	sand.u32 $0x1, s1  }
0x8c: {  	s17 =	sshll.u32 s0, $0xA;
	s2 =	sadd.s32 s3, s2  }
0x8d: {  	s2 =	sadd.s32 s2, s17  }
0x8e: {  	[smem:$0x3FC6] =	sst s2  }
0x8f: {  	_ = 	snop  }
0x90: {  	s2 =	sld [smem:$0x3FC8]  }
0x91: {  	s18 =	sld [smem:$0x3FD0];
	(tm) =	ssettm $0x1  }
0x92: {  	s4 =	sld [smem:$0x3FFB];
	_ =	sdelay $0x3  }
0x93: {  	_ =	strace s4  }
0x94: {  	s4 =	sld [smem:$0x3FFC];
	_ =	sdelay $0x3  }
0x95: {  	_ =	strace s4  }
0x96: {  	s4 =	sld [smem:$0x3FFD];
	_ =	sdelay $0x3  }
0x97: {  	_ =	strace s4  }
0x98: {  	_ =	strace $0x8FFFFFFF  }
0x99: {  	s19 =	sld [smem:$0x3FDB];
	_ =	sdelay $0x1  }
0x9a: {  	s5 =	simm.s32 $_scs_section_size  }
0x9b: {  	s6 =	simm.s32 $_size__tile_overlayer_lowered;
	s7 =	simm.s32 $_tile_overlayer_lowered  }
0x9c: {  	s22 =	simm.s32 $0x1BFF;
	s21 =	sshll.u32 s7, $0x1;
	s4 =	sadd.s32 s5, s19  }
0x9d: {  	s8 =	simm.s32 $0x0;
	s20 =	sshll.u32 s6, $0x1;
	s6 =	sadd.s32 s21, s4  }
0x9e: {  	[timem:s8], [sflag:s22] =	dma.local [hbm:s6], s20  }
0x9f: {  	_ =	swait.ge [sflag:s22], s20  }
0xa0: {  	s5 =	ssub.s32 $0x0, s20;
	[sflag:s22] =	ssyncset.done $0x0  }
0xa1: {  	[sflag:s22] =	ssyncadd.s32 s5;
	_ =	sdelay $0x1  }
0xa2: {  	s23 =	simm.s32 $0x1B8B  }
0xa3: {  	_ =	swait.ge [sflag:s23], $0x1  }
0xa4: {  	[sflag:s23] =	ssyncset.done $0x0  }
0xa5: {  	s25 =	simm.s32 $0x1B8E;
	s24 =	sld [smem:$0x3FFE];
	[sflag:s23] =	ssyncadd.s32 $0xFFFFFFFF  }
0xa6: {  	s26 =	simm.s32 $execute0_lowered;
	[smem:$0x3FD2] =	sst s25  }
0xa7: {  	s6 =	sshll.u32 s26, $0x1;
	_ =	strace $0x80000046;
	[dreg:$0x1] =	wrdreg $0xFFFFFFFF  }
0xa8: {  	s28 =	simm.s32 $_size_execute0_lowered;
	s4 =	sadd.s32 s4, s6;
	[dreg:$0x0] =	wrdreg $0x0  }
0xa9: {  	s6 =	sshll.u32 s28, $0x1;
	[dreg:$0x2] =	wrdreg s4  }
0xaa: {  	[dreg:$0x3] =	wrdreg s6  }
0xab: {  	[dreg:$0x4] =	wrdreg $0xC0  }
0xac: {  	_ =	task [dreg:s8], $0x5FFFF  }
0xad: {  	[dreg:$0x1] =	wrdreg $0xFFFFFFFF  }
0xae: {  	[dreg:$0x0] =	wrdreg $0x60  }
0xaf: {  	[dreg:$0x2] =	wrdreg s24  }
0xb0: {  	[dreg:$0x3] =	wrdreg s2  }
0xb1: {  	[dreg:$0x4] =	wrdreg s18  }
0xb2: {  	[dreg:$0x5] =	wrdreg $0x9  }
0xb3: {  	_ =	task.clear_ibuf [dreg:s8], $0x6FFFF;
	_ =	strace $0x90000046  }
0xb4: {  	s29 =	simm.s32 $0x9;
	_ =	strace $0x80000048  }
0xb5: {  	_ =	swait.ge [sflag:s29], $0x1  }
0xb6: {  	[sflag:s29] =	ssyncadd.s32 $0xFFFFFFFF  }
0xb7: {  	_ =	strace $0x90000048  }
0xb8: {  	_ =	sfence  }
0xb9: {  	s30 =	sld [smem:$0x0];
	_ =	sdelay $0x2  }
0xba: {  	s31 =	sshll.u32 s1, $0xD;
	s1 =	sshrl.u32 s1, $0x2  }
0xbb: {  	s3 =	sand.u32 $0x4000, s31;
	s1 =	sadd.s32 s1, s30  }
0xbc: {  	s0 =	sor.u32 s3, s0;
	s1 =	sshll.u32 s1, $0x11  }
0xbd: {  	s0 =	sor.u32 s1, s0  }
0xbe: {  	s0 =	sadd.s32 $0x8F2B, s0  }
0xbf: {  	[sflag:s0] =	ssyncadd.remote.s32 $0x1  }
0xc0: {  	_ =	sfence.sel $0xFFFF  }
0xc1: {  	[dreg:$0x0] =	wrdreg $0xFFFFFFFF;
	(pc) =	sbr.abs _section_cstart, $3  }
0xc2: {  	[dreg:$0x1] =	wrdreg $0xFFFFFFFF  }
0xc3: {  	_ =	task.clear_ibuf [dreg:s8], $0x2FFFF;
	_ =	strace $0x9FFFFFFF  }
0xc4: {  	(tm) =	ssettm $0x7FFFFFFF  }
0xc5: {  	_ =	shalt  }
tec
execute0_lowered:
.L_overlay_start_1:
0x0: {  	(tag) =	ssettag $0x1  }
0x1: {  	s11 =	rddreg [dreg:$0x0]  }
0x2: {  	s3 =	rddreg [dreg:$0x1]  }
0x3: {  	s4 =	rddreg [dreg:$0x2];
	s2 =	srdreg.scid  }
0x4: {  	s0 =	rddreg [dreg:$0x3];
	s5 =	sand.u32 $0x1, s2;
	s2 =	simm.s32 $0x0  }
0x5: {  	s30 =	simm.s32 $0x80;
	[smem:$0x7FF] =	sst s2  }
0x6: {  	s31 =	simm.s32 $0x90;
	_ =	strace $0x80000047;
	[dreg:$0x6] =	wrdreg s30  }
0x7: {  	s8 =	simm.s32 $0xC0;
	[dreg:$0x7] =	wrdreg s31  }
0x8: {  	s9 =	simm.s32 $0xD0;
	[dreg:$0xa] =	wrdreg s8  }
0x9: {  	s10 =	simm.s32 $0xE0;
	[dreg:$0xb] =	wrdreg s9  }
0xa: {  	s12 =	simm.s32 $0xF0;
	[dreg:$0xc] =	wrdreg s10  }
0xb: {  	s13 =	simm.s32 $0x100;
	[dreg:$0xd] =	wrdreg s12  }
0xc: {  	s14 =	simm.s32 $0x110;
	[dreg:$0xe] =	wrdreg s13  }
0xd: {  	s15 =	simm.s32 $0x120;
	[dreg:$0xf] =	wrdreg s14  }
0xe: {  	s16 =	simm.s32 $0x130;
	[dreg:$0x10] =	wrdreg s15  }
0xf: {  	s17 =	simm.s32 $0x140;
	[dreg:$0x11] =	wrdreg s16  }
0x10: {  	s18 =	simm.s32 $0x150;
	[dreg:$0x12] =	wrdreg s17  }
0x11: {  	s19 =	simm.s32 $0x160;
	[dreg:$0x13] =	wrdreg s18  }
0x12: {  	s20 =	simm.s32 $0x170;
	[dreg:$0x14] =	wrdreg s19  }
0x13: {  	s21 =	simm.s32 $0x180;
	[dreg:$0x15] =	wrdreg s20  }
0x14: {  	s22 =	simm.s32 $0x190;
	[dreg:$0x16] =	wrdreg s21  }
0x15: {  	s23 =	simm.s32 $0x1A0;
	[dreg:$0x17] =	wrdreg s22  }
0x16: {  	s1 =	stileid.u32;
	s25 =	simm.s32 $0x1B0;
	[dreg:$0x18] =	wrdreg s23  }
0x17: {  	s26 =	simm.s32 $0x1C0;
	s28 =	simm.s32 $0x1D0;
	[dreg:$0x19] =	wrdreg s25  }
0x18: {  	s6 =	sshll.u32 s1, $0x3;
	s7 =	sshll.u32 s5, $0x2;
	[dreg:$0x1a] =	wrdreg s26  }
0x19: {  	s6 =	sor.u32 s7, s6;
	s7 =	simm.s32 $0xB0;
	[dreg:$0x1b] =	wrdreg s28  }
0x1a: {  	s8 =	simm.s32 $0x1F0;
	[dreg:$0x9] =	wrdreg s7  }
0x1b: {  	s9 =	simm.s32 $0x200;
	[dreg:$0x1d] =	wrdreg s8  }
0x1c: {  	s10 =	simm.s32 $0x210;
	[dreg:$0x1e] =	wrdreg s9  }
0x1d: {  	s12 =	simm.s32 $0x220;
	[dreg:$0x1f] =	wrdreg s10  }
0x1e: {  	s5 =	ssub.s32 $0x2, s5;
	s30 =	simm.s32 $0x230;
	[smem:$0x7F7] =	sst s12  }
0x1f: {  	s24 =	sshrl.u32 s5, $0x1;
	s13 =	simm.s32 $0x240;
	[smem:$0x7F8] =	sst s30  }
0x20: {  	s14 =	simm.s32 $0x250;
	s16 =	simm.s32 $0x260;
	[smem:$0x7F9] =	sst s13  }
0x21: {  	s31 =	simm.s32 $0x270;
	s18 =	simm.s32 $0x280;
	[smem:$0x7FA] =	sst s14  }
0x22: {  	s17 =	simm.s32 $0x1;
	s3 =	sadd.s32 s3, s6;
	[smem:$0x7FB] =	sst s16  }
0x23: {  	s29 =	sadd.s32 s4, s6;
	s4 =	simm.s32 $0xA0;
	[smem:$0x7FC] =	sst s31  }
0x24: {  	s15 =	ssub.s32 s5, s24;
	s5 =	sadd.s32 $0x610, s11;
	[smem:$0x7FD] =	sst s18  }
0x25: {  	s7 =	sadd.s32 $0x630, s11;
	s8 =	sadd.s32 $0x640, s11;
	[dreg:$0x4] =	wrdreg s3  }
0x26: {  	vm0 =	vmmov $0x1;
	vm2 =	vcmask $0x70C;
	vm3 =	vcmask $0xB10;
	s9 =	sadd.s32 $0x650, s11;
	s10 =	sadd.s32 $0x660, s11;
	[dreg:$0x5] =	wrdreg s29  }
0x27: {  	vm4 =	vcmask $0xF14;
	vm5 =	vcmask $0x1318;
	vm6 =	vcmask $0x171C;
	s16 =	simm.s32 $0x2;
	[dreg:$0x8] =	wrdreg s4;
	s3 =	sadd.s32 $0x600, s11  }
0x28: {  	vm7 =	vcmask $0x1B20;
	vm8 =	vcmask $0x1F24;
	vm9 =	vcmask $0x2328;
	s4 =	smul.u32 $0xC3800, s6;
	s29 =	simm.s32 $0x1E0;
	s6 =	sadd.s32 $0x620, s11  }
0x29: {  	vm10 =	vcmask $0x272C;
	vm11 =	vcmask $0x2B30;
	vm12 =	vcmask $0x2F34;
	s11 =	sadd.s32 $0x670, s11;
	s15 =	smax.u32 s15, $0x1;
	[dreg:$0x1c] =	wrdreg s29  }
0x2a: {  	vm13 =	vcmask $0x3338;
	vm14 =	vcmask $0x373C;
	vm15 =	vmmov $0x7fff;
	s12 =	sadd.s32 $0xC3800, s4;
	s13 =	sadd.s32 $0x187000, s4;
	s14 =	sadd.s32 $0x24A800, s4  }
.LBB2_1:
0x2b: {  	s18 =	rddreg [dreg:$0x4]  }
0x2c: {  	[tilespmem:s2], [sflag:$0x2] =	stream.linear.gather [hbm4b:s18+s2], $0x20, $0x38;
	[tilespmem:$0x300] =	vst v63  }
0x2d: {  	_ =	swait.ge [sflag:s16], $0x20  }
0x2e: {  	[sflag:s16] =	ssyncset.done $0x0  }
0x2f: {  	[sflag:s16] =	ssyncadd.s32 $0xFFFFFFE0  }
0x30: {  	v0 =	vld [tilespmem:$0x0];
	_ =	sdelay $0x4  }
0x31: {  	vm1 =	vgt.s32 v0, $0x0  }
0x32: {  	v0 =	vnsel vm1, $0x0, v0  }
0x33: {  	(v2sf) =	vpush v0, $0x0;
	_ =	sdelay $0x3  }
0x34: {  	(v2sf) =	vpush v0, $0x1;
	_ =	sdelay $0xa  }
0x35: {  	s22 =	spop (v2sf);
	(v2sf) =	vpush v0, $0x2;
	_ =	sdelay $0x3  }
0x36: {  	s24 =	spop (v2sf);
	(v2sf) =	vpush v0, $0x3;
	_ =	sdelay $0xa  }
0x37: {  	s28 =	spop (v2sf);
	(v2sf) =	vpush v0, $0x4;
	_ =	sdelay $0x3  }
0x38: {  	s31 =	spop (v2sf);
	(v2sf) =	vpush v0, $0x5  }
0x39: {  	s19 =	sshll.u32 s22, $0x3  }
0x3a: {  	s19 =	sand.u32 $0xFFFFFC00, s19  }
0x3b: {  	s18 =	sand.u32 $0x70, s22;
	s19 =	sadd.s32 s4, s19  }
0x3c: {  	s18 =	sor.u32 s18, s19  }
0x3d: {  	s25 =	sshll.u32 s24, $0x3;
	s18 =	sshrl.u32 s18, $0x3  }
0x3e: {  	s23 =	rddreg [dreg:$0x6];
	s19 =	sand.u32 $0xFFFFFC00, s25;
	s18 =	sadd.s32 s3, s18  }
0x3f: {  	[tilespmem:s23], [sflag:$0x1] =	stream.linear.gather [hbm4b:s18+s2], $0x10, $0x38;
	[tilespmem:$0x300] =	vst v63  }
0x40: {  	s19 =	sadd.s32 s4, s19;
	s18 =	sand.u32 $0x70, s24  }
0x41: {  	s18 =	sor.u32 s18, s19  }
0x42: {  	s18 =	sshrl.u32 s18, $0x3  }
0x43: {  	s26 =	rddreg [dreg:$0x7];
	s18 =	sadd.s32 s18, s5;
	s22 =	spop (v2sf);
	(v2sf) =	vpush v0, $0x6  }
0x44: {  	[tilespmem:s26], [sflag:$0x1] =	stream.linear.gather [hbm4b:s18+s2], $0x10, $0x38;
	[tilespmem:$0x300] =	vst v63  }
0x45: {  	s29 =	sshll.u32 s28, $0x3  }
0x46: {  	s19 =	sand.u32 $0xFFFFFC00, s29  }
0x47: {  	s18 =	sand.u32 $0x70, s28;
	s19 =	sadd.s32 s4, s19;
	s25 =	spop (v2sf);
	(v2sf) =	vpush v0, $0x7  }
0x48: {  	s18 =	sor.u32 s18, s19  }
0x49: {  	s20 =	sshll.u32 s31, $0x3;
	s18 =	sshrl.u32 s18, $0x3  }
0x4a: {  	s30 =	rddreg [dreg:$0x8];
	s19 =	sand.u32 $0xFFFFFC00, s20;
	s18 =	sadd.s32 s18, s6  }
0x4b: {  	[tilespmem:s30], [sflag:$0x1] =	stream.linear.gather [hbm4b:s18+s2], $0x10, $0x38;
	[tilespmem:$0x300] =	vst v63  }
0x4c: {  	s19 =	sadd.s32 s4, s19;
	s18 =	sand.u32 $0x70, s31  }
0x4d: {  	s18 =	sor.u32 s18, s19  }
0x4e: {  	s18 =	sshrl.u32 s18, $0x3  }
0x4f: {  	s21 =	rddreg [dreg:$0x9];
	s18 =	sadd.s32 s18, s7  }
0x50: {  	[tilespmem:s21], [sflag:$0x1] =	stream.linear.gather [hbm4b:s18+s2], $0x10, $0x38;
	[tilespmem:$0x300] =	vst v63  }
0x51: {  	s23 =	sshll.u32 s22, $0x3  }
0x52: {  	s19 =	sand.u32 $0xFFFFFC00, s23;
	s29 =	spop (v2sf);
	(v2sf) =	vpush v0, $0x8  }
0x53: {  	s18 =	sand.u32 $0x70, s22;
	s19 =	sadd.s32 s4, s19  }
0x54: {  	s18 =	sor.u32 s18, s19  }
0x55: {  	s24 =	rddreg [dreg:$0xa];
	s26 =	sshll.u32 s25, $0x3;
	s18 =	sshrl.u32 s18, $0x3  }
0x56: {  	s19 =	sand.u32 $0xFFFFFC00, s26;
	s18 =	sadd.s32 s18, s8;
	s20 =	spop (v2sf);
	(v2sf) =	vpush v0, $0x9  }
0x57: {  	[tilespmem:s24], [sflag:$0x1] =	stream.linear.gather [hbm4b:s18+s2], $0x10, $0x38;
	[tilespmem:$0x300] =	vst v63  }
0x58: {  	s19 =	sadd.s32 s4, s19;
	s18 =	sand.u32 $0x70, s25  }
0x59: {  	s18 =	sor.u32 s18, s19  }
0x5a: {  	s18 =	sshrl.u32 s18, $0x3  }
0x5b: {  	s28 =	rddreg [dreg:$0xb];
	s18 =	sadd.s32 s18, s9  }
0x5c: {  	[tilespmem:s28], [sflag:$0x1] =	stream.linear.gather [hbm4b:s18+s2], $0x10, $0x38;
	[tilespmem:$0x300] =	vst v63  }
0x5d: {  	s30 =	sshll.u32 s29, $0x3  }
0x5e: {  	s19 =	sand.u32 $0xFFFFFC00, s30  }
0x5f: {  	s18 =	sand.u32 $0x70, s29;
	s19 =	sadd.s32 s4, s19  }
0x60: {  	s18 =	sor.u32 s18, s19  }
0x61: {  	s21 =	sshll.u32 s20, $0x3;
	s18 =	sshrl.u32 s18, $0x3;
	s23 =	spop (v2sf);
	(v2sf) =	vpush v0, $0xA  }
0x62: {  	s31 =	rddreg [dreg:$0xc];
	s19 =	sand.u32 $0xFFFFFC00, s21;
	s18 =	sadd.s32 s18, s10  }
0x63: {  	[tilespmem:s31], [sflag:$0x1] =	stream.linear.gather [hbm4b:s18+s2], $0x10, $0x38;
	[tilespmem:$0x300] =	vst v63  }
0x64: {  	s19 =	sadd.s32 s4, s19;
	s18 =	sand.u32 $0x70, s20  }
0x65: {  	s18 =	sor.u32 s18, s19;
	s26 =	spop (v2sf);
	(v2sf) =	vpush v0, $0xB  }
0x66: {  	s18 =	sshrl.u32 s18, $0x3  }
0x67: {  	s22 =	rddreg [dreg:$0xd];
	s18 =	sadd.s32 s18, s11  }
0x68: {  	[tilespmem:s22], [sflag:$0x1] =	stream.linear.gather [hbm4b:s18+s2], $0x10, $0x38;
	[tilespmem:$0x300] =	vst v63  }
0x69: {  	s24 =	sshll.u32 s23, $0x3  }
0x6a: {  	s19 =	sand.u32 $0xFFFFFC00, s24  }
0x6b: {  	s18 =	sand.u32 $0x70, s23;
	s19 =	sadd.s32 s12, s19  }
0x6c: {  	s18 =	sor.u32 s18, s19  }
0x6d: {  	s18 =	sshrl.u32 s18, $0x3  }
0x6e: {  	s25 =	rddreg [dreg:$0xe];
	s28 =	sshll.u32 s26, $0x3;
	s18 =	sadd.s32 s3, s18  }
0x6f: {  	[tilespmem:s25], [sflag:$0x1] =	stream.linear.gather [hbm4b:s18+s2], $0x10, $0x38;
	[tilespmem:$0x300] =	vst v63  }
0x70: {  	s19 =	sand.u32 $0xFFFFFC00, s28;
	s30 =	spop (v2sf);
	(v2sf) =	vpush v0, $0xC  }
0x71: {  	s19 =	sadd.s32 s12, s19;
	s18 =	sand.u32 $0x70, s26  }
0x72: {  	s18 =	sor.u32 s18, s19  }
0x73: {  	s18 =	sshrl.u32 s18, $0x3  }
0x74: {  	s29 =	rddreg [dreg:$0xf];
	s18 =	sadd.s32 s18, s5;
	s21 =	spop (v2sf);
	(v2sf) =	vpush v0, $0xD  }
0x75: {  	[tilespmem:s29], [sflag:$0x1] =	stream.linear.gather [hbm4b:s18+s2], $0x10, $0x38;
	[tilespmem:$0x300] =	vst v63  }
0x76: {  	s31 =	sshll.u32 s30, $0x3  }
0x77: {  	s19 =	sand.u32 $0xFFFFFC00, s31  }
0x78: {  	s18 =	sand.u32 $0x70, s30;
	s19 =	sadd.s32 s12, s19  }
0x79: {  	s18 =	sor.u32 s18, s19  }
0x7a: {  	s22 =	sshll.u32 s21, $0x3;
	s18 =	sshrl.u32 s18, $0x3  }
0x7b: {  	s20 =	rddreg [dreg:$0x10];
	s19 =	sand.u32 $0xFFFFFC00, s22;
	s18 =	sadd.s32 s18, s6  }
0x7c: {  	[tilespmem:s20], [sflag:$0x1] =	stream.linear.gather [hbm4b:s18+s2], $0x10, $0x38;
	[tilespmem:$0x300] =	vst v63  }
0x7d: {  	s19 =	sadd.s32 s12, s19;
	s18 =	sand.u32 $0x70, s21  }
0x7e: {  	s18 =	sor.u32 s18, s19  }
0x7f: {  	s18 =	sshrl.u32 s18, $0x3;
	s24 =	spop (v2sf);
	(v2sf) =	vpush v0, $0xE  }
0x80: {  	s23 =	rddreg [dreg:$0x11];
	s18 =	sadd.s32 s18, s7  }
0x81: {  	[tilespmem:s23], [sflag:$0x1] =	stream.linear.gather [hbm4b:s18+s2], $0x10, $0x38;
	[tilespmem:$0x300] =	vst v63  }
0x82: {  	s25 =	sshll.u32 s24, $0x3  }
0x83: {  	s28 =	spop (v2sf);
	(v2sf) =	vpush v0, $0xF;
	s19 =	sand.u32 $0xFFFFFC00, s25  }
0x84: {  	s18 =	sand.u32 $0x70, s24;
	s19 =	sadd.s32 s12, s19  }
0x85: {  	s18 =	sor.u32 s18, s19  }
0x86: {  	s29 =	sshll.u32 s28, $0x3;
	s18 =	sshrl.u32 s18, $0x3  }
0x87: {  	s26 =	rddreg [dreg:$0x12];
	s19 =	sand.u32 $0xFFFFFC00, s29;
	s18 =	sadd.s32 s18, s8  }
0x88: {  	[tilespmem:s26], [sflag:$0x1] =	stream.linear.gather [hbm4b:s18+s2], $0x10, $0x38;
	[tilespmem:$0x300] =	vst v63  }
0x89: {  	s19 =	sadd.s32 s12, s19;
	s18 =	sand.u32 $0x70, s28  }
0x8a: {  	s18 =	sor.u32 s18, s19  }
0x8b: {  	s18 =	sshrl.u32 s18, $0x3  }
0x8c: {  	s30 =	rddreg [dreg:$0x13];
	s18 =	sadd.s32 s18, s9  }
0x8d: {  	[tilespmem:s30], [sflag:$0x1] =	stream.linear.gather [hbm4b:s18+s2], $0x10, $0x38;
	[tilespmem:$0x300] =	vst v63  }
0x8e: {  	s31 =	spop (v2sf)  }
0x8f: {  	s20 =	sshll.u32 s31, $0x3  }
0x90: {  	s19 =	sand.u32 $0xFFFFFC00, s20  }
0x91: {  	s18 =	sand.u32 $0x70, s31;
	s19 =	sadd.s32 s12, s19  }
0x92: {  	s22 =	spop (v2sf);
	s18 =	sor.u32 s18, s19  }
0x93: {  	s23 =	sshll.u32 s22, $0x3;
	s18 =	sshrl.u32 s18, $0x3  }
0x94: {  	s21 =	rddreg [dreg:$0x14];
	s19 =	sand.u32 $0xFFFFFC00, s23;
	s18 =	sadd.s32 s18, s10  }
0x95: {  	[tilespmem:s21], [sflag:$0x1] =	stream.linear.gather [hbm4b:s18+s2], $0x10, $0x38;
	[tilespmem:$0x300] =	vst v63  }
0x96: {  	s19 =	sadd.s32 s12, s19;
	s18 =	sand.u32 $0x70, s22  }
0x97: {  	s18 =	sor.u32 s18, s19  }
0x98: {  	s18 =	sshrl.u32 s18, $0x3  }
0x99: {  	s24 =	rddreg [dreg:$0x15];
	s18 =	sadd.s32 s18, s11  }
0x9a: {  	[tilespmem:s24], [sflag:$0x1] =	stream.linear.gather [hbm4b:s18+s2], $0x10, $0x38;
	[tilespmem:$0x300] =	vst v63  }
0x9b: {  	v35 =	vld [tilespmem:$0x10];
	_ =	sdelay $0x4  }
0x9c: {  	vm1 =	vgt.s32 v35, $0x0  }
0x9d: {  	v0 =	vnsel vm1, $0x0, v35  }
0x9e: {  	(v2sf) =	vpush v0, $0x0;
	_ =	sdelay $0x3  }
0x9f: {  	(v2sf) =	vpush v0, $0x1;
	_ =	sdelay $0xa  }
0xa0: {  	s25 =	spop (v2sf);
	(v2sf) =	vpush v0, $0x2;
	_ =	sdelay $0x3  }
0xa1: {  	s29 =	spop (v2sf);
	(v2sf) =	vpush v0, $0x3;
	_ =	sdelay $0xa  }
0xa2: {  	s20 =	spop (v2sf);
	(v2sf) =	vpush v0, $0x4;
	_ =	sdelay $0x3  }
0xa3: {  	s23 =	spop (v2sf);
	(v2sf) =	vpush v0, $0x5  }
0xa4: {  	s26 =	sshll.u32 s25, $0x3  }
0xa5: {  	s19 =	sand.u32 $0xFFFFFC00, s26  }
0xa6: {  	s18 =	sand.u32 $0x70, s25;
	s19 =	sadd.s32 s13, s19  }
0xa7: {  	s18 =	sor.u32 s18, s19  }
0xa8: {  	s30 =	sshll.u32 s29, $0x3;
	s18 =	sshrl.u32 s18, $0x3  }
0xa9: {  	s28 =	rddreg [dreg:$0x16];
	s19 =	sand.u32 $0xFFFFFC00, s30;
	s18 =	sadd.s32 s3, s18  }
0xaa: {  	[tilespmem:s28], [sflag:$0x1] =	stream.linear.gather [hbm4b:s18+s2], $0x10, $0x38;
	[tilespmem:$0x300] =	vst v63  }
0xab: {  	s19 =	sadd.s32 s13, s19;
	s18 =	sand.u32 $0x70, s29  }
0xac: {  	s18 =	sor.u32 s18, s19  }
0xad: {  	s18 =	sshrl.u32 s18, $0x3  }
0xae: {  	s31 =	rddreg [dreg:$0x17];
	s18 =	sadd.s32 s18, s5;
	s26 =	spop (v2sf);
	(v2sf) =	vpush v0, $0x6  }
0xaf: {  	[tilespmem:s31], [sflag:$0x1] =	stream.linear.gather [hbm4b:s18+s2], $0x10, $0x38;
	[tilespmem:$0x300] =	vst v63  }
0xb0: {  	s21 =	sshll.u32 s20, $0x3  }
0xb1: {  	s19 =	sand.u32 $0xFFFFFC00, s21  }
0xb2: {  	s18 =	sand.u32 $0x70, s20;
	s19 =	sadd.s32 s13, s19;
	s30 =	spop (v2sf);
	(v2sf) =	vpush v0, $0x7  }
0xb3: {  	s18 =	sor.u32 s18, s19  }
0xb4: {  	s24 =	sshll.u32 s23, $0x3;
	s18 =	sshrl.u32 s18, $0x3  }
0xb5: {  	s22 =	rddreg [dreg:$0x18];
	s19 =	sand.u32 $0xFFFFFC00, s24;
	s18 =	sadd.s32 s18, s6  }
0xb6: {  	[tilespmem:s22], [sflag:$0x1] =	stream.linear.gather [hbm4b:s18+s2], $0x10, $0x38;
	[tilespmem:$0x300] =	vst v63  }
0xb7: {  	s19 =	sadd.s32 s13, s19;
	s18 =	sand.u32 $0x70, s23  }
0xb8: {  	s18 =	sor.u32 s18, s19  }
0xb9: {  	s18 =	sshrl.u32 s18, $0x3  }
0xba: {  	s25 =	rddreg [dreg:$0x19];
	s18 =	sadd.s32 s18, s7  }
0xbb: {  	[tilespmem:s25], [sflag:$0x1] =	stream.linear.gather [hbm4b:s18+s2], $0x10, $0x38;
	[tilespmem:$0x300] =	vst v63  }
0xbc: {  	s28 =	sshll.u32 s26, $0x3  }
0xbd: {  	s19 =	sand.u32 $0xFFFFFC00, s28;
	s21 =	spop (v2sf);
	(v2sf) =	vpush v0, $0x8  }
0xbe: {  	s18 =	sand.u32 $0x70, s26;
	s19 =	sadd.s32 s13, s19  }
0xbf: {  	s18 =	sor.u32 s18, s19  }
0xc0: {  	s29 =	rddreg [dreg:$0x1a];
	s31 =	sshll.u32 s30, $0x3;
	s18 =	sshrl.u32 s18, $0x3  }
0xc1: {  	s19 =	sand.u32 $0xFFFFFC00, s31;
	s18 =	sadd.s32 s18, s8;
	s24 =	spop (v2sf);
	(v2sf) =	vpush v0, $0x9  }
0xc2: {  	[tilespmem:s29], [sflag:$0x1] =	stream.linear.gather [hbm4b:s18+s2], $0x10, $0x38;
	[tilespmem:$0x300] =	vst v63  }
0xc3: {  	s19 =	sadd.s32 s13, s19;
	s18 =	sand.u32 $0x70, s30  }
0xc4: {  	s18 =	sor.u32 s18, s19  }
0xc5: {  	s18 =	sshrl.u32 s18, $0x3  }
0xc6: {  	s20 =	rddreg [dreg:$0x1b];
	s18 =	sadd.s32 s18, s9  }
0xc7: {  	[tilespmem:s20], [sflag:$0x1] =	stream.linear.gather [hbm4b:s18+s2], $0x10, $0x38;
	[tilespmem:$0x300] =	vst v63  }
0xc8: {  	s22 =	sshll.u32 s21, $0x3  }
0xc9: {  	s19 =	sand.u32 $0xFFFFFC00, s22  }
0xca: {  	s18 =	sand.u32 $0x70, s21;
	s19 =	sadd.s32 s13, s19  }
0xcb: {  	s18 =	sor.u32 s18, s19  }
0xcc: {  	s25 =	sshll.u32 s24, $0x3;
	s18 =	sshrl.u32 s18, $0x3;
	s28 =	spop (v2sf);
	(v2sf) =	vpush v0, $0xA  }
0xcd: {  	s23 =	rddreg [dreg:$0x1c];
	s19 =	sand.u32 $0xFFFFFC00, s25;
	s18 =	sadd.s32 s18, s10  }
0xce: {  	[tilespmem:s23], [sflag:$0x1] =	stream.linear.gather [hbm4b:s18+s2], $0x10, $0x38;
	[tilespmem:$0x300] =	vst v63  }
0xcf: {  	s19 =	sadd.s32 s13, s19;
	s18 =	sand.u32 $0x70, s24  }
0xd0: {  	s18 =	sor.u32 s18, s19;
	s31 =	spop (v2sf);
	(v2sf) =	vpush v0, $0xB  }
0xd1: {  	s18 =	sshrl.u32 s18, $0x3  }
0xd2: {  	s26 =	rddreg [dreg:$0x1d];
	s18 =	sadd.s32 s18, s11  }
0xd3: {  	[tilespmem:s26], [sflag:$0x1] =	stream.linear.gather [hbm4b:s18+s2], $0x10, $0x38;
	[tilespmem:$0x300] =	vst v63  }
0xd4: {  	s29 =	sshll.u32 s28, $0x3  }
0xd5: {  	s19 =	sand.u32 $0xFFFFFC00, s29  }
0xd6: {  	s18 =	sand.u32 $0x70, s28;
	s19 =	sadd.s32 s14, s19  }
0xd7: {  	s18 =	sor.u32 s18, s19  }
0xd8: {  	s18 =	sshrl.u32 s18, $0x3  }
0xd9: {  	s30 =	rddreg [dreg:$0x1e];
	s20 =	sshll.u32 s31, $0x3;
	s18 =	sadd.s32 s3, s18  }
0xda: {  	[tilespmem:s30], [sflag:$0x1] =	stream.linear.gather [hbm4b:s18+s2], $0x10, $0x38;
	[tilespmem:$0x300] =	vst v63  }
0xdb: {  	s19 =	sand.u32 $0xFFFFFC00, s20;
	s22 =	spop (v2sf);
	(v2sf) =	vpush v0, $0xC  }
0xdc: {  	s19 =	sadd.s32 s14, s19;
	s18 =	sand.u32 $0x70, s31  }
0xdd: {  	s18 =	sor.u32 s18, s19  }
0xde: {  	s18 =	sshrl.u32 s18, $0x3  }
0xdf: {  	s21 =	rddreg [dreg:$0x1f];
	s18 =	sadd.s32 s18, s5;
	s25 =	spop (v2sf);
	(v2sf) =	vpush v0, $0xD  }
0xe0: {  	[tilespmem:s21], [sflag:$0x1] =	stream.linear.gather [hbm4b:s18+s2], $0x10, $0x38;
	[tilespmem:$0x300] =	vst v63  }
0xe1: {  	s23 =	sshll.u32 s22, $0x3  }
0xe2: {  	s19 =	sand.u32 $0xFFFFFC00, s23  }
0xe3: {  	s18 =	sand.u32 $0x70, s22;
	s19 =	sadd.s32 s14, s19  }
0xe4: {  	s24 =	sld [smem:$0x7F7];
	s18 =	sor.u32 s18, s19  }
0xe5: {  	s26 =	sshll.u32 s25, $0x3;
	s18 =	sshrl.u32 s18, $0x3  }
0xe6: {  	s19 =	sand.u32 $0xFFFFFC00, s26;
	s18 =	sadd.s32 s18, s6  }
0xe7: {  	[tilespmem:s24], [sflag:$0x1] =	stream.linear.gather [hbm4b:s18+s2], $0x10, $0x38;
	[tilespmem:$0x300] =	vst v63  }
0xe8: {  	s19 =	sadd.s32 s14, s19;
	s18 =	sand.u32 $0x70, s25  }
0xe9: {  	s28 =	sld [smem:$0x7F8];
	s18 =	sor.u32 s18, s19  }
0xea: {  	s18 =	sshrl.u32 s18, $0x3;
	s29 =	spop (v2sf);
	(v2sf) =	vpush v0, $0xE  }
0xeb: {  	s18 =	sadd.s32 s18, s7  }
0xec: {  	[tilespmem:s28], [sflag:$0x1] =	stream.linear.gather [hbm4b:s18+s2], $0x10, $0x38;
	[tilespmem:$0x300] =	vst v63  }
0xed: {  	s30 =	sshll.u32 s29, $0x3  }
0xee: {  	s20 =	spop (v2sf);
	(v2sf) =	vpush v0, $0xF;
	s19 =	sand.u32 $0xFFFFFC00, s30  }
0xef: {  	s18 =	sand.u32 $0x70, s29;
	s19 =	sadd.s32 s14, s19  }
0xf0: {  	s31 =	sld [smem:$0x7F9];
	s18 =	sor.u32 s18, s19  }
0xf1: {  	s21 =	sshll.u32 s20, $0x3;
	s18 =	sshrl.u32 s18, $0x3  }
0xf2: {  	s19 =	sand.u32 $0xFFFFFC00, s21;
	s18 =	sadd.s32 s18, s8  }
0xf3: {  	[tilespmem:s31], [sflag:$0x1] =	stream.linear.gather [hbm4b:s18+s2], $0x10, $0x38;
	[tilespmem:$0x300] =	vst v63  }
0xf4: {  	s19 =	sadd.s32 s14, s19;
	s18 =	sand.u32 $0x70, s20  }
0xf5: {  	s22 =	sld [smem:$0x7FA];
	s18 =	sor.u32 s18, s19  }
0xf6: {  	s18 =	sshrl.u32 s18, $0x3  }
0xf7: {  	s18 =	sadd.s32 s18, s9  }
0xf8: {  	[tilespmem:s22], [sflag:$0x1] =	stream.linear.gather [hbm4b:s18+s2], $0x10, $0x38;
	[tilespmem:$0x300] =	vst v63  }
0xf9: {  	s23 =	spop (v2sf)  }
0xfa: {  	s24 =	sshll.u32 s23, $0x3  }
0xfb: {  	s19 =	sand.u32 $0xFFFFFC00, s24  }
0xfc: {  	s18 =	sand.u32 $0x70, s23;
	s19 =	sadd.s32 s14, s19  }
0xfd: {  	s25 =	sld [smem:$0x7FB];
	s26 =	spop (v2sf);
	s18 =	sor.u32 s18, s19  }
0xfe: {  	s28 =	sshll.u32 s26, $0x3;
	s18 =	sshrl.u32 s18, $0x3  }
0xff: {  	s19 =	sand.u32 $0xFFFFFC00, s28;
	s18 =	sadd.s32 s18, s10  }
0x100: {  	[tilespmem:s25], [sflag:$0x1] =	stream.linear.gather [hbm4b:s18+s2], $0x10, $0x38;
	[tilespmem:$0x300] =	vst v63  }
0x101: {  	s19 =	sadd.s32 s14, s19;
	s18 =	sand.u32 $0x70, s26  }
0x102: {  	s29 =	sld [smem:$0x7FC];
	s18 =	sor.u32 s18, s19  }
0x103: {  	s18 =	sshrl.u32 s18, $0x3  }
0x104: {  	s18 =	sadd.s32 s18, s11  }
0x105: {  	[tilespmem:s29], [sflag:$0x1] =	stream.linear.gather [hbm4b:s18+s2], $0x10, $0x38;
	[tilespmem:$0x300] =	vst v63  }
0x106: {  	_ =	swait.ge [sflag:s17], $0x10  }
0x107: {  	[sflag:s17] =	ssyncset.done $0x0  }
0x108: {  	[sflag:s17] =	ssyncadd.s32 $0xFFFFFFF0  }
0x109: {  	_ =	swait.ge [sflag:s17], $0x10  }
0x10a: {  	[sflag:s17] =	ssyncset.done $0x0  }
0x10b: {  	[sflag:s17] =	ssyncadd.s32 $0xFFFFFFF0  }
0x10c: {  	_ =	swait.ge [sflag:s17], $0x10  }
0x10d: {  	[sflag:s17] =	ssyncset.done $0x0  }
0x10e: {  	[sflag:s17] =	ssyncadd.s32 $0xFFFFFFF0  }
0x10f: {  	_ =	swait.ge [sflag:s17], $0x10  }
0x110: {  	[sflag:s17] =	ssyncset.done $0x0  }
0x111: {  	[sflag:s17] =	ssyncadd.s32 $0xFFFFFFF0  }
0x112: {  	_ =	swait.ge [sflag:s17], $0x10  }
0x113: {  	[sflag:s17] =	ssyncset.done $0x0  }
0x114: {  	[sflag:s17] =	ssyncadd.s32 $0xFFFFFFF0  }
0x115: {  	_ =	swait.ge [sflag:s17], $0x10  }
0x116: {  	[sflag:s17] =	ssyncset.done $0x0  }
0x117: {  	[sflag:s17] =	ssyncadd.s32 $0xFFFFFFF0  }
0x118: {  	_ =	swait.ge [sflag:s17], $0x10  }
0x119: {  	[sflag:s17] =	ssyncset.done $0x0  }
0x11a: {  	[sflag:s17] =	ssyncadd.s32 $0xFFFFFFF0  }
0x11b: {  	_ =	swait.ge [sflag:s17], $0x10  }
0x11c: {  	[sflag:s17] =	ssyncset.done $0x0  }
0x11d: {  	[sflag:s17] =	ssyncadd.s32 $0xFFFFFFF0  }
0x11e: {  	_ =	swait.ge [sflag:s17], $0x10  }
0x11f: {  	[sflag:s17] =	ssyncset.done $0x0  }
0x120: {  	[sflag:s17] =	ssyncadd.s32 $0xFFFFFFF0  }
0x121: {  	_ =	swait.ge [sflag:s17], $0x10  }
0x122: {  	[sflag:s17] =	ssyncset.done $0x0  }
0x123: {  	[sflag:s17] =	ssyncadd.s32 $0xFFFFFFF0  }
0x124: {  	_ =	swait.ge [sflag:s17], $0x10  }
0x125: {  	[sflag:s17] =	ssyncset.done $0x0  }
0x126: {  	[sflag:s17] =	ssyncadd.s32 $0xFFFFFFF0  }
0x127: {  	_ =	swait.ge [sflag:s17], $0x10  }
0x128: {  	[sflag:s17] =	ssyncset.done $0x0  }
0x129: {  	[sflag:s17] =	ssyncadd.s32 $0xFFFFFFF0  }
0x12a: {  	_ =	swait.ge [sflag:s17], $0x10  }
0x12b: {  	[sflag:s17] =	ssyncset.done $0x0  }
0x12c: {  	[sflag:s17] =	ssyncadd.s32 $0xFFFFFFF0  }
0x12d: {  	_ =	swait.ge [sflag:s17], $0x10  }
0x12e: {  	[sflag:s17] =	ssyncset.done $0x0  }
0x12f: {  	[sflag:s17] =	ssyncadd.s32 $0xFFFFFFF0  }
0x130: {  	_ =	swait.ge [sflag:s17], $0x10  }
0x131: {  	[sflag:s17] =	ssyncset.done $0x0  }
0x132: {  	[sflag:s17] =	ssyncadd.s32 $0xFFFFFFF0  }
0x133: {  	_ =	swait.ge [sflag:s17], $0x10  }
0x134: {  	[sflag:s17] =	ssyncset.done $0x0  }
0x135: {  	[sflag:s17] =	ssyncadd.s32 $0xFFFFFFF0  }
0x136: {  	_ =	swait.ge [sflag:s17], $0x10  }
0x137: {  	[sflag:s17] =	ssyncset.done $0x0  }
0x138: {  	[sflag:s17] =	ssyncadd.s32 $0xFFFFFFF0  }
0x139: {  	_ =	swait.ge [sflag:s17], $0x10  }
0x13a: {  	[sflag:s17] =	ssyncset.done $0x0  }
0x13b: {  	[sflag:s17] =	ssyncadd.s32 $0xFFFFFFF0  }
0x13c: {  	_ =	swait.ge [sflag:s17], $0x10  }
0x13d: {  	[sflag:s17] =	ssyncset.done $0x0  }
0x13e: {  	[sflag:s17] =	ssyncadd.s32 $0xFFFFFFF0  }
0x13f: {  	_ =	swait.ge [sflag:s17], $0x10  }
0x140: {  	[sflag:s17] =	ssyncset.done $0x0  }
0x141: {  	[sflag:s17] =	ssyncadd.s32 $0xFFFFFFF0  }
0x142: {  	_ =	swait.ge [sflag:s17], $0x10  }
0x143: {  	[sflag:s17] =	ssyncset.done $0x0  }
0x144: {  	[sflag:s17] =	ssyncadd.s32 $0xFFFFFFF0  }
0x145: {  	_ =	swait.ge [sflag:s17], $0x10  }
0x146: {  	[sflag:s17] =	ssyncset.done $0x0  }
0x147: {  	[sflag:s17] =	ssyncadd.s32 $0xFFFFFFF0  }
0x148: {  	_ =	swait.ge [sflag:s17], $0x10  }
0x149: {  	[sflag:s17] =	ssyncset.done $0x0  }
0x14a: {  	[sflag:s17] =	ssyncadd.s32 $0xFFFFFFF0  }
0x14b: {  	_ =	swait.ge [sflag:s17], $0x10  }
0x14c: {  	[sflag:s17] =	ssyncset.done $0x0  }
0x14d: {  	[sflag:s17] =	ssyncadd.s32 $0xFFFFFFF0  }
0x14e: {  	_ =	swait.ge [sflag:s17], $0x10  }
0x14f: {  	[sflag:s17] =	ssyncset.done $0x0  }
0x150: {  	[sflag:s17] =	ssyncadd.s32 $0xFFFFFFF0  }
0x151: {  	_ =	swait.ge [sflag:s17], $0x10  }
0x152: {  	[sflag:s17] =	ssyncset.done $0x0  }
0x153: {  	[sflag:s17] =	ssyncadd.s32 $0xFFFFFFF0  }
0x154: {  	_ =	swait.ge [sflag:s17], $0x10  }
0x155: {  	[sflag:s17] =	ssyncset.done $0x0  }
0x156: {  	[sflag:s17] =	ssyncadd.s32 $0xFFFFFFF0  }
0x157: {  	_ =	swait.ge [sflag:s17], $0x10  }
0x158: {  	[sflag:s17] =	ssyncset.done $0x0  }
0x159: {  	[sflag:s17] =	ssyncadd.s32 $0xFFFFFFF0  }
0x15a: {  	_ =	swait.ge [sflag:s17], $0x10  }
0x15b: {  	[sflag:s17] =	ssyncset.done $0x0  }
0x15c: {  	[sflag:s17] =	ssyncadd.s32 $0xFFFFFFF0  }
0x15d: {  	_ =	swait.ge [sflag:s17], $0x10  }
0x15e: {  	[sflag:s17] =	ssyncset.done $0x0  }
0x15f: {  	[sflag:s17] =	ssyncadd.s32 $0xFFFFFFF0  }
0x160: {  	_ =	swait.ge [sflag:s17], $0x10  }
0x161: {  	[sflag:s17] =	ssyncset.done $0x0  }
0x162: {  	[sflag:s17] =	ssyncadd.s32 $0xFFFFFFF0  }
0x163: {  	_ =	swait.ge [sflag:s17], $0x10  }
0x164: {  	[sflag:s17] =	ssyncset.done $0x0  }
0x165: {  	[sflag:s17] =	ssyncadd.s32 $0xFFFFFFF0  }
0x166: {  	v36 =	vld [tilespmem:$0x0]  }
0x167: {  	v1 =	vld [tilespmem:$0x10];
	_ =	sdelay $0x1  }
0x168: {  	v2 =	vld [tilespmem:$0x80]  }
0x169: {  	v3 =	vld [tilespmem:$0x180]  }
0x16a: {  	v4 =	vld [tilespmem:$0x90];
	vm1 =	vgt.s32 v36, $0x0  }
0x16b: {  	v5 =	vld [tilespmem:$0x190];
	v0 =	vnsel vm1, $0x0, v36;
	vm1 =	vgt.s32 v1, $0x0  }
0x16c: {  	v6 =	vld [tilespmem:$0xA0];
	v1 =	vnsel vm1, $0x0, v1;
	v0 =	vand.u32 $0xF, v0  }
0x16d: {  	v7 =	vld [tilespmem:$0x1A0];
	v2 =	vperm.xlane v2, v0;
	v1 =	vand.u32 $0xF, v1  }
0x16e: {  	v8 =	vld [tilespmem:$0xB0];
	v3 =	vperm.xlane v3, v1  }
0x16f: {  	v9 =	vld [tilespmem:$0x1B0];
	vm1 =	vcmask $0x308;
	v4 =	vperm.xlane v4, v0;
	v2 =	vnsel vm0, $0x0, v2  }
0x170: {  	v10 =	vld [tilespmem:$0xC0];
	v5 =	vperm.xlane v5, v1;
	v2 =	vadd.f32 $0.0e+00, v2;
	v3 =	vnsel vm0, $0x0, v3  }
0x171: {  	v11 =	vld [tilespmem:$0x1C0];
	v6 =	vperm.xlane v6, v0;
	v4 =	vsel vm1, $0x0, v4;
	v3 =	vadd.f32 $0.0e+00, v3  }
0x172: {  	v37 =	vld [tilespmem:$0xD0];
	v7 =	vperm.xlane v7, v1;
	v5 =	vsel vm1, $0x0, v5;
	v2 =	vadd.f32 v4, v2  }
0x173: {  	v38 =	vld [tilespmem:$0x1D0];
	v8 =	vperm.xlane v8, v0;
	v6 =	vsel vm2, $0x0, v6;
	v3 =	vadd.f32 v5, v3  }
0x174: {  	v39 =	vld [tilespmem:$0xE0];
	v9 =	vperm.xlane v9, v1;
	v7 =	vsel vm2, $0x0, v7;
	v2 =	vadd.f32 v6, v2  }
0x175: {  	v40 =	vld [tilespmem:$0x1E0];
	v10 =	vperm.xlane v10, v0;
	v8 =	vsel vm3, $0x0, v8;
	v3 =	vadd.f32 v7, v3  }
0x176: {  	v41 =	vld [tilespmem:$0xF0];
	v11 =	vperm.xlane v11, v1;
	v9 =	vsel vm3, $0x0, v9;
	v2 =	vadd.f32 v8, v2  }
0x177: {  	v42 =	vld [tilespmem:$0x1F0];
	v10 =	vsel vm4, $0x0, v10;
	v4 =	vperm.xlane v37, v0;
	v3 =	vadd.f32 v9, v3  }
0x178: {  	v43 =	vld [tilespmem:$0x100];
	v11 =	vsel vm4, $0x0, v11;
	v5 =	vperm.xlane v38, v1;
	v2 =	vadd.f32 v10, v2  }
0x179: {  	v44 =	vld [tilespmem:$0x200];
	v4 =	vsel vm5, $0x0, v4;
	v6 =	vperm.xlane v39, v0;
	v3 =	vadd.f32 v11, v3  }
0x17a: {  	v45 =	vld [tilespmem:$0x110];
	v5 =	vsel vm5, $0x0, v5;
	v7 =	vperm.xlane v40, v1;
	v2 =	vadd.f32 v4, v2  }
0x17b: {  	v46 =	vld [tilespmem:$0x210];
	v6 =	vsel vm6, $0x0, v6;
	v8 =	vperm.xlane v41, v0;
	v3 =	vadd.f32 v5, v3  }
0x17c: {  	v47 =	vld [tilespmem:$0x120];
	v7 =	vsel vm6, $0x0, v7;
	v9 =	vperm.xlane v42, v1;
	v2 =	vadd.f32 v6, v2  }
0x17d: {  	v48 =	vld [tilespmem:$0x220];
	v8 =	vsel vm7, $0x0, v8;
	v10 =	vperm.xlane v43, v0;
	v3 =	vadd.f32 v7, v3  }
0x17e: {  	v49 =	vld [tilespmem:$0x130];
	v9 =	vsel vm7, $0x0, v9;
	v11 =	vperm.xlane v44, v1;
	v2 =	vadd.f32 v8, v2  }
0x17f: {  	v50 =	vld [tilespmem:$0x230];
	v10 =	vsel vm8, $0x0, v10;
	v4 =	vperm.xlane v45, v0;
	v3 =	vadd.f32 v9, v3  }
0x180: {  	v51 =	vld [tilespmem:$0x140];
	v11 =	vsel vm8, $0x0, v11;
	v5 =	vperm.xlane v46, v1;
	v2 =	vadd.f32 v10, v2  }
0x181: {  	v52 =	vld [tilespmem:$0x240];
	v4 =	vsel vm9, $0x0, v4;
	v6 =	vperm.xlane v47, v0;
	v3 =	vadd.f32 v11, v3  }
0x182: {  	v53 =	vld [tilespmem:$0x150];
	v5 =	vsel vm9, $0x0, v5;
	v7 =	vperm.xlane v48, v1;
	v2 =	vadd.f32 v4, v2  }
0x183: {  	v54 =	vld [tilespmem:$0x250];
	v6 =	vsel vm10, $0x0, v6;
	v8 =	vperm.xlane v49, v0;
	v3 =	vadd.f32 v5, v3  }
0x184: {  	v55 =	vld [tilespmem:$0x160];
	v7 =	vsel vm10, $0x0, v7;
	v9 =	vperm.xlane v50, v1;
	v2 =	vadd.f32 v6, v2  }
0x185: {  	v56 =	vld [tilespmem:$0x260];
	v8 =	vsel vm11, $0x0, v8;
	v10 =	vperm.xlane v51, v0;
	v3 =	vadd.f32 v7, v3  }
0x186: {  	v57 =	vld [tilespmem:$0x170];
	v9 =	vsel vm11, $0x0, v9;
	v11 =	vperm.xlane v52, v1;
	v2 =	vadd.f32 v8, v2  }
0x187: {  	v58 =	vld [tilespmem:$0x270];
	v10 =	vsel vm12, $0x0, v10;
	v4 =	vperm.xlane v53, v0;
	v3 =	vadd.f32 v9, v3  }
0x188: {  	v59 =	vsel vm12, $0x0, v11;
	v5 =	vperm.xlane v54, v1;
	v2 =	vadd.f32 v10, v2  }
0x189: {  	v4 =	vsel vm13, $0x0, v4;
	v6 =	vperm.xlane v55, v0;
	v3 =	vadd.f32 v59, v3  }
0x18a: {  	v61 =	vperm.xlane v56, v1;
	v60 =	vsel vm13, $0x0, v5;
	v2 =	vadd.f32 v4, v2  }
0x18b: {  	v0 =	vperm.xlane v57, v0;
	v62 =	vsel vm14, $0x0, v6;
	v3 =	vadd.f32 v60, v3  }
0x18c: {  	v63 =	vsel vm14, $0x0, v61;
	v1 =	vperm.xlane v58, v1;
	v2 =	vadd.f32 v62, v2  }
0x18d: {  	v0 =	vsel vm15, $0x0, v0;
	v3 =	vadd.f32 v63, v3  }
0x18e: {  	v1 =	vsel vm15, $0x0, v1;
	v0 =	vadd.f32 v0, v2  }
0x18f: {  	s31 =	sld [smem:$0x7FD];
	v1 =	vadd.f32 v1, v3  }
0x190: {  	p0 =	sne.s32 s15, $0x1;
	[tilespmem:$0x280] =	vst v0  }
.Ltmp0:
0x191: {  	s30 =	rddreg [dreg:$0x5];
	[tilespmem:$0x290] =	vst v1;
	(pc) =	sbr.rel @p0 .LBB2_1-.Ltmp0, $4  }
0x192: {  	[hbm4b:s30+s2] =	stream.linear.scatter [tilespmem:s31], [sflag:$0x2], $0x20, $0x38;
	[tilespmem:$0x300] =	vst v63  }
0x193: {  	_ =	swait.ge [sflag:s16], $0x20  }
0x194: {  	[sflag:s16] =	ssyncset.done $0x0  }
0x195: {  	s15 =	sadd.s32 $0xFFFFFFFF, s15;
	[sflag:s16] =	ssyncadd.s32 $0xFFFFFFE0  }
0x196: {  	_ =	sfence.sel $0x180000  }
0x197: {  	[bflag:$0x0] =	sbarrier.arrive $0xFFFF  }
0x198: {  	p0 =	sne.s32 s1, $0x0;
	_ =	strace $0x90000047  }
0x199: {  	s0 =	sadd.s32 @!p0 $0x100000, s0;
	[bflag:$0x2] =	sbarrier.arrive $0xFFFF  }
0x19a: {  	[sflag:s0] =	ssyncadd.tile.s32 @!p0 $0x1;
	_ =	shalt  }
.Lfunc_end2:
_tile_overlayer_lowered:
.L_overlay_start_2:
0x19b: {  	(tag) =	ssettag $0x2  }
0x19c: {  	s0 =	rddreg [dreg:$0x0];
	s2 =	stileid.u32  }
0x19d: {  	s1 =	rddreg [dreg:$0x1];
	p0 =	sne.s32 s2, $0x0  }
0x19e: {  	s3 =	rddreg [dreg:$0x2];
	[bflag:$0x3] =	sbarrier.arrive $0xFFFF;
	s2 =	simm.s32 @!p0 $0x1C02  }
0x19f: {  	[timem:s3], [sflag:s2] =	dma.local @!p0 [hbm:s0], s1  }
0x1a0: {  	s0 =	simm.s32 @!p0 $0x2  }
0x1a1: {  	_ =	swait.ge @!p0 [sflag:s0], s1  }
0x1a2: {  	s1 =	ssub.s32 @!p0 $0x0, s1;
	[sflag:s0] =	ssyncset.done @!p0 $0x0  }
0x1a3: {  	[sflag:s0] =	ssyncadd.s32 @!p0 s1  }
0x1a4: {  	[bflag:$0x3] =	sbarrier.arrive $0xFFFF  }
0x1a5: {  	_ =	shalt  }

</sc_bundles>
